<compile_context>
chip_gen: v7x
topology: tpu7x:2x2x1
jax: 0.10.2.dev20260603
libtpu: 0.0.44.dev20260713+nightly
codegen_flags: <defaults>
</compile_context>

<pallas_src>
import functools

import jax
import jax.numpy as jnp
import numpy as np
from jax import lax
from jax.experimental import pallas as pl
from jax.experimental.pallas import tpu as pltpu
from jax.experimental.pallas import tpu_sc as plsc

_N = 32768
_K = 655
_L = 16
_NT = 16
_C = _N // _NT
_CV = _C // _L
_SIGN = np.uint32(0x80000000)


def _splat_i(x):
    return jnp.full((_L,), x, dtype=jnp.int32)


def _splat_f(x):
    return jnp.full((_L,), x, dtype=jnp.float32)


def _suffix(v):
    r = lax.rev(v, dimensions=(0,))
    return lax.rev(plsc.cumsum(r), dimensions=(0,))


def _key_of(v):
    u = lax.bitcast_convert_type(v, jnp.uint32)
    return jnp.where((u >> 31) == np.uint32(0), u | _SIGN, ~u)


def _val_of(k):
    u = jnp.where(k >= _SIGN, k ^ _SIGN, ~k)
    return lax.bitcast_convert_type(u, jnp.float32)


def _sc_body(x_hbm, out_hbm, xv, cand, rcs, ghl, outv, zvf, sem,
             gcs, gh1, gh2, gh3):
    sid = lax.axis_index("s")
    lanes = lax.iota(jnp.int32, _L)
    zeros_f = jnp.zeros((_L,), jnp.float32)
    ones_f = jnp.ones((_L,), jnp.float32)

    cp = pltpu.make_async_copy(x_hbm.at[pl.ds(sid * _C, _C)], xv, sem)
    cp.start()
    for g in range(3 * _L):
        zvf[g] = zeros_f
        rcs[g] = zeros_f

    @pl.when(sid == 0)
    def _():
        pltpu.sync_copy(zvf, gcs)
        pltpu.sync_copy(zvf.at[pl.ds(0, 2 * _L)], gh1)
        pltpu.sync_copy(zvf.at[pl.ds(0, 2 * _L)], gh2)
        pltpu.sync_copy(zvf.at[pl.ds(0, 2 * _L)], gh3)

    cp.wait()

    def r0(i, acc):
        v = xv[pl.ds(i * _L, _L)]
        key = _key_of(v)
        bhi = (key >> 28).astype(jnp.int32)
        blo = ((key >> 24) & np.uint32(0xF)).astype(jnp.int32)
        plsc.addupdate_scatter(rcs, [blo, bhi], ones_f)
        return acc + v * v

    with jax.named_scope("ph_r0"):
        sumsq_v = lax.fori_loop(0, _CV, r0, zeros_f, unroll=4)
    rcs[2 * _L] = sumsq_v
    with jax.named_scope("ph_merge0"):
        plsc.subcore_barrier()
        pltpu.sync_copy(rcs.at[pl.ds(0, _L)], gcs.at[lanes], add=True)
        pltpu.sync_copy(rcs.at[pl.ds(2 * _L, _L)], gcs.at[lanes + 2 * _L], add=True)
        plsc.subcore_barrier()
        pltpu.sync_copy(gcs, ghl)

    def scan(kr_v):
        ltot = zeros_f
        for g in range(_L):
            ltot = ltot + ghl[g]
        sl = _suffix(ltot)
        l_sel = plsc.all_reduce_population_count(sl >= kr_v) - 1
        above1 = jnp.sum(jnp.where(lanes > l_sel, ltot, zeros_f))
        minor = plsc.load_gather(ghl, [lanes, l_sel])
        sm = _suffix(minor) + _splat_f(above1)
        c_sel = plsc.all_reduce_population_count(sm >= kr_v) - 1
        above2 = jnp.sum(jnp.where(lanes > c_sel, minor, zeros_f)) + above1
        return l_sel * _L + c_sel, _splat_f(above2)

    kr_v = _splat_f(np.float32(_K))
    with jax.named_scope("ph_scan0"):
        sel, above_v = scan(kr_v)
    kr_v = kr_v - above_v
    cnt_gt = jnp.max(above_v)
    prefix_v = sel.astype(jnp.uint32) << 24
    sumsq = jnp.sum(ghl[2 * _L])

    for g in range(_L):
        rcs[g] = zeros_f

    def comp(i, off_v):
        v = xv[pl.ds(i * _L, _L)]
        k = _key_of(v)
        m = (k >> 24) == (prefix_v >> 24)
        pc = plsc.cumsum(m.astype(jnp.int32))
        plsc.store_scatter(cand, [off_v + pc - 1],
                           lax.bitcast_convert_type(k, jnp.int32), mask=m)
        bhi = ((k >> 20) & np.uint32(0xF)).astype(jnp.int32)
        blo = ((k >> 16) & np.uint32(0xF)).astype(jnp.int32)
        plsc.addupdate_scatter(rcs, [blo, bhi], ones_f, mask=m)
        return off_v + plsc.all_reduce_population_count(m)

    with jax.named_scope("ph_comp"):
        nc_v = lax.fori_loop(0, _CV, comp, _splat_i(0), unroll=4)
    nvec = (jnp.max(nc_v) + _L - 1) // _L

    for rnd, (gh, shift) in enumerate(((gh1, 16), (gh2, 8), (gh3, 0))):
        if rnd > 0:
            for g in range(_L):
                rcs[g] = zeros_f

            def rr(i, c, shift=shift, prefix_v=prefix_v):
                k = lax.bitcast_convert_type(cand[pl.ds(i * _L, _L)],
                                             jnp.uint32)
                valid = (i * _L + lanes) < nc_v
                m = (((k ^ prefix_v) >> (shift + 8)) == np.uint32(0)) & valid
                bhi = ((k >> (shift + 4)) & np.uint32(0xF)).astype(jnp.int32)
                blo = ((k >> shift) & np.uint32(0xF)).astype(jnp.int32)
                plsc.addupdate_scatter(rcs, [blo, bhi], ones_f, mask=m)
                return c

            with jax.named_scope("ph_rr"):
                lax.fori_loop(0, nvec, rr, 0)
        with jax.named_scope("ph_rmerge"):
            pltpu.sync_copy(rcs.at[pl.ds(0, _L)], gh.at[lanes], add=True)
            plsc.subcore_barrier()
            pltpu.sync_copy(gh.at[pl.ds(0, _L)], ghl.at[pl.ds(0, _L)])
        with jax.named_scope("ph_rscan"):
            sel, above_v = scan(kr_v)
        kr_v = kr_v - above_v
        cnt_gt = cnt_gt + jnp.max(above_v)
        prefix_v = prefix_v | (sel.astype(jnp.uint32) << shift)

    def fsum(i, acc, prefix_v=prefix_v):
        v = xv[pl.ds(i * _L, _L)]
        return acc + jnp.where(_key_of(v) > prefix_v, v, zeros_f)

    with jax.named_scope("ph_fsum"):
        sum_part = lax.fori_loop(0, _CV, fsum, zeros_f, unroll=4)
    rcs[0] = sum_part
    for g in range(1, _L):
        rcs[g] = zeros_f
    with jax.named_scope("ph_fmerge"):
        pltpu.sync_copy(rcs.at[pl.ds(0, _L)], gcs.at[lanes + _L], add=True)
        plsc.subcore_barrier()
        pltpu.sync_copy(gcs.at[pl.ds(_L, _L)], ghl.at[pl.ds(0, _L)])
    sum_gt_v = zeros_f
    for g in range(_L):
        sum_gt_v = sum_gt_v + ghl[g]
    sum_gt = jnp.sum(sum_gt_v)

    val_t = _val_of(prefix_v)
    top = _splat_f(sum_gt) + (_splat_f(np.float32(_K)) - _splat_f(cnt_gt)) * val_t

    svec = _splat_f(sumsq)
    i0 = np.uint32(0x5F3759DF) - (lax.bitcast_convert_type(svec, jnp.uint32) >> 1)
    y = lax.bitcast_convert_type(i0, jnp.float32)
    for _ in range(3):
        y = y * (1.5 - 0.5 * svec * y * y)
    norm = jnp.maximum(svec * y, _splat_f(np.float32(1e-12)))
    outv[...] = jnp.where(svec > 0, top / norm, zeros_f)

    @pl.when(sid == 0)
    def _():
        pltpu.sync_copy(outv, out_hbm)


_topk_sum_sc = functools.partial(
    pl.kernel,
    out_type=jax.ShapeDtypeStruct((_L,), jnp.float32),
    mesh=plsc.VectorSubcoreMesh(
        core_axis_name="c", subcore_axis_name="s",
        num_cores=1, num_subcores=16),
    compiler_params=pltpu.CompilerParams(
        needs_layout_passes=False, use_tc_tiling_on_sc=False),
    scratch_types=[
        pltpu.VMEM((_C,), jnp.float32),
        pltpu.VMEM((_C,), jnp.int32),
        pltpu.VMEM((3 * _L, _L), jnp.float32),
        pltpu.VMEM((3 * _L, _L), jnp.float32),
        pltpu.VMEM((_L,), jnp.float32),
        pltpu.VMEM((3 * _L, _L), jnp.float32),
        pltpu.SemaphoreType.DMA,
        pltpu.VMEM_SHARED((3 * _L, _L), jnp.float32),
        pltpu.VMEM_SHARED((2 * _L, _L), jnp.float32),
        pltpu.VMEM_SHARED((2 * _L, _L), jnp.float32),
        pltpu.VMEM_SHARED((2 * _L, _L), jnp.float32),
    ],
)(_sc_body)


def kernel(glb_feature, aux):
    x = jnp.reshape(glb_feature, (_N,))
    return _topk_sum_sc(x)[0]

# --- scband reference (transcript-rebuilt; emitter-appended) ---
"""Pipeline reference for scband-swin-target-45037027066014 (READ-ONLY COPY).

The authoritative reference and input builder live on the scoring server;
editing this copy changes nothing except your own understanding.
"""

import jax, jax.numpy as jnp
import numpy as np

N = 32768
K = int(N * 0.02)

def setup_inputs(seed: int = 0) -> dict:
    key = jax.random.key(seed)
    k1, k2 = jax.random.split(key)
    glb_feature = jax.random.normal(k1, (1, N), dtype=jnp.float32)
    aux = jnp.zeros((1,), dtype=jnp.float32)
    return {"glb_feature": glb_feature, "aux": aux}

def reference(glb_feature, aux):
    # data = (glb_feature, aux); aux is unpacked and discarded, matching `glb_feature, _ = data`
    # F.normalize(x, dim=1): x / max(||x||_2 along dim 1, eps)
    norm = jnp.linalg.norm(glb_feature, axis=1, keepdims=True)
    x = glb_feature / jnp.maximum(norm, 1e-12)
    r = jnp.squeeze(x, axis=0)
    # torch.sort(..., descending=True)
    r = jnp.flip(jnp.sort(r), axis=-1)
    # sum(results[: int(N * 0.02)])
    return jnp.sum(r[:K])

if __name__ == "__main__":
    import jax
    _d = setup_inputs()
    print(jax.jit(kernel)(*tuple(_d.values())))

</pallas_src>

<mosaic_0001>
#map = affine_map<(d0, d1) -> (0)>
module attributes {stable_mosaic.version = 14 : i64} {
  func.func @_sc_body(%arg0: i32, %arg1: i32, %arg2: memref<32768xf32, #tpu.memory_space<hbm>>, %arg3: memref<16xf32, #tpu.memory_space<hbm>>, %arg4: memref<2048xf32, #tpu.memory_space<vmem>>, %arg5: memref<2048xi32, #tpu.memory_space<vmem>>, %arg6: memref<48x16xf32, #tpu.memory_space<vmem>>, %arg7: memref<48x16xf32, #tpu.memory_space<vmem>>, %arg8: memref<16xf32, #tpu.memory_space<vmem>>, %arg9: memref<48x16xf32, #tpu.memory_space<vmem>>, %arg10: memref<!tpu.dma_semaphore, #tpu.memory_space<semaphore_mem>>, %arg11: memref<48x16xf32, #tpu.memory_space<vmem_shared>>, %arg12: memref<32x16xf32, #tpu.memory_space<vmem_shared>>, %arg13: memref<32x16xf32, #tpu.memory_space<vmem_shared>>, %arg14: memref<32x16xf32, #tpu.memory_space<vmem_shared>>) attributes {dimension_semantics = [#tpu.dimension_semantics<core_parallel>, #tpu.dimension_semantics<subcore_parallel>], iteration_bounds = array<i64: 1, 16>, scalar_prefetch = 0 : i64, scratch_operands = 11 : i64, tpu.core_type = #tpu.core_type<sc_vector_subcore>, window_params = [{transform_indices = #map}, {transform_indices = #map}]} {
    %iota3A = tpu.iota {dimensions = array<i32: 0>} : vector<16xi32>
    %broadcast_in_dim3A = arith.constant 0.000000e+00 : f32
    %broadcast_in_dim3A_0 = vector.broadcast %broadcast_in_dim3A : f32 to vector<16xf32>
    %broadcast_in_dim3A_1 = arith.constant 1.000000e+00 : f32
    %broadcast_in_dim3A_2 = vector.broadcast %broadcast_in_dim3A_1 : f32 to vector<16xf32>
    %mul3A = arith.constant 2048 : i32
    %mul3A_3 = arith.muli %arg1, %mul3A : i32
    %dma_start3A = tpu.memref_slice %arg2[%mul3A_3] : memref<32768xf32, #tpu.memory_space<hbm>> -> memref<2048xf32, #tpu.memory_space<hbm>>
    %dma_start3A_4 = tpu.memref_slice %arg2[%mul3A_3] : memref<32768xf32, #tpu.memory_space<hbm>> -> memref<2048xf32, #tpu.memory_space<hbm>>
    tpu.enqueue_dma source(%dma_start3A_4 : memref<2048xf32, #tpu.memory_space<hbm>>) target(%arg4 : memref<2048xf32, #tpu.memory_space<vmem>>) target_semaphore(%arg10 : memref<!tpu.dma_semaphore, #tpu.memory_space<semaphore_mem>>)
    %swap3A = arith.constant 0 : i32
    %swap3A_5 = arith.index_cast %swap3A : i32 to index
    %swap3A_6 = arith.constant 0 : index
    %swap3A_7 = tpu.vector_load %arg9[%swap3A_5, %swap3A_6] {strides = array<i32>} : memref<48x16xf32, #tpu.memory_space<vmem>>, vector<16xf32>,
    tpu.vector_store %arg9[%swap3A_5, %swap3A_6], %broadcast_in_dim3A_0 {strides = array<i32>} : memref<48x16xf32, #tpu.memory_space<vmem>>, vector<16xf32>,
    %swap3A_8 = arith.constant 0 : i32
    %swap3A_9 = arith.index_cast %swap3A_8 : i32 to index
    %swap3A_10 = arith.constant 0 : index
    %swap3A_11 = tpu.vector_load %arg6[%swap3A_9, %swap3A_10] {strides = array<i32>} : memref<48x16xf32, #tpu.memory_space<vmem>>, vector<16xf32>,
    tpu.vector_store %arg6[%swap3A_9, %swap3A_10], %broadcast_in_dim3A_0 {strides = array<i32>} : memref<48x16xf32, #tpu.memory_space<vmem>>, vector<16xf32>,
    %swap3A_12 = arith.constant 1 : i32
    %swap3A_13 = arith.index_cast %swap3A_12 : i32 to index
    %swap3A_14 = arith.constant 0 : index
    %swap3A_15 = tpu.vector_load %arg9[%swap3A_13, %swap3A_14] {strides = array<i32>} : memref<48x16xf32, #tpu.memory_space<vmem>>, vector<16xf32>,
    tpu.vector_store %arg9[%swap3A_13, %swap3A_14], %broadcast_in_dim3A_0 {strides = array<i32>} : memref<48x16xf32, #tpu.memory_space<vmem>>, vector<16xf32>,
    %swap3A_16 = arith.constant 1 : i32
    %swap3A_17 = arith.index_cast %swap3A_16 : i32 to index
    %swap3A_18 = arith.constant 0 : index
    %swap3A_19 = tpu.vector_load %arg6[%swap3A_17, %swap3A_18] {strides = array<i32>} : memref<48x16xf32, #tpu.memory_space<vmem>>, vector<16xf32>,
    tpu.vector_store %arg6[%swap3A_17, %swap3A_18], %broadcast_in_dim3A_0 {strides = array<i32>} : memref<48x16xf32, #tpu.memory_space<vmem>>, vector<16xf32>,
    %swap3A_20 = arith.constant 2 : i32
    %swap3A_21 = arith.index_cast %swap3A_20 : i32 to index
    %swap3A_22 = arith.constant 0 : index
    %swap3A_23 = tpu.vector_load %arg9[%swap3A_21, %swap3A_22] {strides = array<i32>} : memref<48x16xf32, #tpu.memory_space<vmem>>, vector<16xf32>,
    tpu.vector_store %arg9[%swap3A_21, %swap3A_22], %broadcast_in_dim3A_0 {strides = array<i32>} : memref<48x16xf32, #tpu.memory_space<vmem>>, vector<16xf32>,
    %swap3A_24 = arith.constant 2 : i32
    %swap3A_25 = arith.index_cast %swap3A_24 : i32 to index
    %swap3A_26 = arith.constant 0 : index
    %swap3A_27 = tpu.vector_load %arg6[%swap3A_25, %swap3A_26] {strides = array<i32>} : memref<48x16xf32, #tpu.memory_space<vmem>>, vector<16xf32>,
    tpu.vector_store %arg6[%swap3A_25, %swap3A_26], %broadcast_in_dim3A_0 {strides = array<i32>} : memref<48x16xf32, #tpu.memory_space<vmem>>, vector<16xf32>,
    %swap3A_28 = arith.constant 3 : i32
    %swap3A_29 = arith.index_cast %swap3A_28 : i32 to index
    %swap3A_30 = arith.constant 0 : index
    %swap3A_31 = tpu.vector_load %arg9[%swap3A_29, %swap3A_30] {strides = array<i32>} : memref<48x16xf32, #tpu.memory_space<vmem>>, vector<16xf32>,
    tpu.vector_store %arg9[%swap3A_29, %swap3A_30], %broadcast_in_dim3A_0 {strides = array<i32>} : memref<48x16xf32, #tpu.memory_space<vmem>>, vector<16xf32>,
    %swap3A_32 = arith.constant 3 : i32
    %swap3A_33 = arith.index_cast %swap3A_32 : i32 to index
    %swap3A_34 = arith.constant 0 : index
    %swap3A_35 = tpu.vector_load %arg6[%swap3A_33, %swap3A_34] {strides = array<i32>} : memref<48x16xf32, #tpu.memory_space<vmem>>, vector<16xf32>,
    tpu.vector_store %arg6[%swap3A_33, %swap3A_34], %broadcast_in_dim3A_0 {strides = array<i32>} : memref<48x16xf32, #tpu.memory_space<vmem>>, vector<16xf32>,
    %swap3A_36 = arith.constant 4 : i32
    %swap3A_37 = arith.index_cast %swap3A_36 : i32 to index
    %swap3A_38 = arith.constant 0 : index
    %swap3A_39 = tpu.vector_load %arg9[%swap3A_37, %swap3A_38] {strides = array<i32>} : memref<48x16xf32, #tpu.memory_space<vmem>>, vector<16xf32>,
    tpu.vector_store %arg9[%swap3A_37, %swap3A_38], %broadcast_in_dim3A_0 {strides = array<i32>} : memref<48x16xf32, #tpu.memory_space<vmem>>, vector<16xf32>,
    %swap3A_40 = arith.constant 4 : i32
    %swap3A_41 = arith.index_cast %swap3A_40 : i32 to index
    %swap3A_42 = arith.constant 0 : index
    %swap3A_43 = tpu.vector_load %arg6[%swap3A_41, %swap3A_42] {strides = array<i32>} : memref<48x16xf32, #tpu.memory_space<vmem>>, vector<16xf32>,
    tpu.vector_store %arg6[%swap3A_41, %swap3A_42], %broadcast_in_dim3A_0 {strides = array<i32>} : memref<48x16xf32, #tpu.memory_space<vmem>>, vector<16xf32>,
    %swap3A_44 = arith.constant 5 : i32
    %swap3A_45 = arith.index_cast %swap3A_44 : i32 to index
    %swap3A_46 = arith.constant 0 : index
    %swap3A_47 = tpu.vector_load %arg9[%swap3A_45, %swap3A_46] {strides = array<i32>} : memref<48x16xf32, #tpu.memory_space<vmem>>, vector<16xf32>,
    tpu.vector_store %arg9[%swap3A_45, %swap3A_46], %broadcast_in_dim3A_0 {strides = array<i32>} : memref<48x16xf32, #tpu.memory_space<vmem>>, vector<16xf32>,
    %swap3A_48 = arith.constant 5 : i32
    %swap3A_49 = arith.index_cast %swap3A_48 : i32 to index
    %swap3A_50 = arith.constant 0 : index
    %swap3A_51 = tpu.vector_load %arg6[%swap3A_49, %swap3A_50] {strides = array<i32>} : memref<48x16xf32, #tpu.memory_space<vmem>>, vector<16xf32>,
    tpu.vector_store %arg6[%swap3A_49, %swap3A_50], %broadcast_in_dim3A_0 {strides = array<i32>} : memref<48x16xf32, #tpu.memory_space<vmem>>, vector<16xf32>,
    %swap3A_52 = arith.constant 6 : i32
    %swap3A_53 = arith.index_cast %swap3A_52 : i32 to index
    %swap3A_54 = arith.constant 0 : index
    %swap3A_55 = tpu.vector_load %arg9[%swap3A_53, %swap3A_54] {strides = array<i32>} : memref<48x16xf32, #tpu.memory_space<vmem>>, vector<16xf32>,
    tpu.vector_store %arg9[%swap3A_53, %swap3A_54], %broadcast_in_dim3A_0 {strides = array<i32>} : memref<48x16xf32, #tpu.memory_space<vmem>>, vector<16xf32>,
    %swap3A_56 = arith.constant 6 : i32
    %swap3A_57 = arith.index_cast %swap3A_56 : i32 to index
    %swap3A_58 = arith.constant 0 : index
    %swap3A_59 = tpu.vector_load %arg6[%swap3A_57, %swap3A_58] {strides = array<i32>} : memref<48x16xf32, #tpu.memory_space<vmem>>, vector<16xf32>,
    tpu.vector_store %arg6[%swap3A_57, %swap3A_58], %broadcast_in_dim3A_0 {strides = array<i32>} : memref<48x16xf32, #tpu.memory_space<vmem>>, vector<16xf32>,
    %swap3A_60 = arith.constant 7 : i32
    %swap3A_61 = arith.index_cast %swap3A_60 : i32 to index
    %swap3A_62 = arith.constant 0 : index
    %swap3A_63 = tpu.vector_load %arg9[%swap3A_61, %swap3A_62] {strides = array<i32>} : memref<48x16xf32, #tpu.memory_space<vmem>>, vector<16xf32>,
    tpu.vector_store %arg9[%swap3A_61, %swap3A_62], %broadcast_in_dim3A_0 {strides = array<i32>} : memref<48x16xf32, #tpu.memory_space<vmem>>, vector<16xf32>,
    %swap3A_64 = arith.constant 7 : i32
    %swap3A_65 = arith.index_cast %swap3A_64 : i32 to index
    %swap3A_66 = arith.constant 0 : index
    %swap3A_67 = tpu.vector_load %arg6[%swap3A_65, %swap3A_66] {strides = array<i32>} : memref<48x16xf32, #tpu.memory_space<vmem>>, vector<16xf32>,
    tpu.vector_store %arg6[%swap3A_65, %swap3A_66], %broadcast_in_dim3A_0 {strides = array<i32>} : memref<48x16xf32, #tpu.memory_space<vmem>>, vector<16xf32>,
    %swap3A_68 = arith.constant 8 : i32
    %swap3A_69 = arith.index_cast %swap3A_68 : i32 to index
    %swap3A_70 = arith.constant 0 : index
    %swap3A_71 = tpu.vector_load %arg9[%swap3A_69, %swap3A_70] {strides = array<i32>} : memref<48x16xf32, #tpu.memory_space<vmem>>, vector<16xf32>,
    tpu.vector_store %arg9[%swap3A_69, %swap3A_70], %broadcast_in_dim3A_0 {strides = array<i32>} : memref<48x16xf32, #tpu.memory_space<vmem>>, vector<16xf32>,
    %swap3A_72 = arith.constant 8 : i32
    %swap3A_73 = arith.index_cast %swap3A_72 : i32 to index
    %swap3A_74 = arith.constant 0 : index
    %swap3A_75 = tpu.vector_load %arg6[%swap3A_73, %swap3A_74] {strides = array<i32>} : memref<48x16xf32, #tpu.memory_space<vmem>>, vector<16xf32>,
    tpu.vector_store %arg6[%swap3A_73, %swap3A_74], %broadcast_in_dim3A_0 {strides = array<i32>} : memref<48x16xf32, #tpu.memory_space<vmem>>, vector<16xf32>,
    %swap3A_76 = arith.constant 9 : i32
    %swap3A_77 = arith.index_cast %swap3A_76 : i32 to index
    %swap3A_78 = arith.constant 0 : index
    %swap3A_79 = tpu.vector_load %arg9[%swap3A_77, %swap3A_78] {strides = array<i32>} : memref<48x16xf32, #tpu.memory_space<vmem>>, vector<16xf32>,
    tpu.vector_store %arg9[%swap3A_77, %swap3A_78], %broadcast_in_dim3A_0 {strides = array<i32>} : memref<48x16xf32, #tpu.memory_space<vmem>>, vector<16xf32>,
    %swap3A_80 = arith.constant 9 : i32
    %swap3A_81 = arith.index_cast %swap3A_80 : i32 to index
    %swap3A_82 = arith.constant 0 : index
    %swap3A_83 = tpu.vector_load %arg6[%swap3A_81, %swap3A_82] {strides = array<i32>} : memref<48x16xf32, #tpu.memory_space<vmem>>, vector<16xf32>,
    tpu.vector_store %arg6[%swap3A_81, %swap3A_82], %broadcast_in_dim3A_0 {strides = array<i32>} : memref<48x16xf32, #tpu.memory_space<vmem>>, vector<16xf32>,
    %swap3A_84 = arith.constant 10 : i32
    %swap3A_85 = arith.index_cast %swap3A_84 : i32 to index
    %swap3A_86 = arith.constant 0 : index
    %swap3A_87 = tpu.vector_load %arg9[%swap3A_85, %swap3A_86] {strides = array<i32>} : memref<48x16xf32, #tpu.memory_space<vmem>>, vector<16xf32>,
    tpu.vector_store %arg9[%swap3A_85, %swap3A_86], %broadcast_in_dim3A_0 {strides = array<i32>} : memref<48x16xf32, #tpu.memory_space<vmem>>, vector<16xf32>,
    %swap3A_88 = arith.constant 10 : i32
    %swap3A_89 = arith.index_cast %swap3A_88 : i32 to index
    %swap3A_90 = arith.constant 0 : index
    %swap3A_91 = tpu.vector_load %arg6[%swap3A_89, %swap3A_90] {strides = array<i32>} : memref<48x16xf32, #tpu.memory_space<vmem>>, vector<16xf32>,
    tpu.vector_store %arg6[%swap3A_89, %swap3A_90], %broadcast_in_dim3A_0 {strides = array<i32>} : memref<48x16xf32, #tpu.memory_space<vmem>>, vector<16xf32>,
    %swap3A_92 = arith.constant 11 : i32
    %swap3A_93 = arith.index_cast %swap3A_92 : i32 to index
    %swap3A_94 = arith.constant 0 : index
    %swap3A_95 = tpu.vector_load %arg9[%swap3A_93, %swap3A_94] {strides = array<i32>} : memref<48x16xf32, #tpu.memory_space<vmem>>, vector<16xf32>,
    tpu.vector_store %arg9[%swap3A_93, %swap3A_94], %broadcast_in_dim3A_0 {strides = array<i32>} : memref<48x16xf32, #tpu.memory_space<vmem>>, vector<16xf32>,
    %swap3A_96 = arith.constant 11 : i32
    %swap3A_97 = arith.index_cast %swap3A_96 : i32 to index
    %swap3A_98 = arith.constant 0 : index
    %swap3A_99 = tpu.vector_load %arg6[%swap3A_97, %swap3A_98] {strides = array<i32>} : memref<48x16xf32, #tpu.memory_space<vmem>>, vector<16xf32>,
    tpu.vector_store %arg6[%swap3A_97, %swap3A_98], %broadcast_in_dim3A_0 {strides = array<i32>} : memref<48x16xf32, #tpu.memory_space<vmem>>, vector<16xf32>,
    %swap3A_100 = arith.constant 12 : i32
    %swap3A_101 = arith.index_cast %swap3A_100 : i32 to index
    %swap3A_102 = arith.constant 0 : index
    %swap3A_103 = tpu.vector_load %arg9[%swap3A_101, %swap3A_102] {strides = array<i32>} : memref<48x16xf32, #tpu.memory_space<vmem>>, vector<16xf32>,
    tpu.vector_store %arg9[%swap3A_101, %swap3A_102], %broadcast_in_dim3A_0 {strides = array<i32>} : memref<48x16xf32, #tpu.memory_space<vmem>>, vector<16xf32>,
    %swap3A_104 = arith.constant 12 : i32
    %swap3A_105 = arith.index_cast %swap3A_104 : i32 to index
    %swap3A_106 = arith.constant 0 : index
    %swap3A_107 = tpu.vector_load %arg6[%swap3A_105, %swap3A_106] {strides = array<i32>} : memref<48x16xf32, #tpu.memory_space<vmem>>, vector<16xf32>,
    tpu.vector_store %arg6[%swap3A_105, %swap3A_106], %broadcast_in_dim3A_0 {strides = array<i32>} : memref<48x16xf32, #tpu.memory_space<vmem>>, vector<16xf32>,
    %swap3A_108 = arith.constant 13 : i32
    %swap3A_109 = arith.index_cast %swap3A_108 : i32 to index
    %swap3A_110 = arith.constant 0 : index
    %swap3A_111 = tpu.vector_load %arg9[%swap3A_109, %swap3A_110] {strides = array<i32>} : memref<48x16xf32, #tpu.memory_space<vmem>>, vector<16xf32>,
    tpu.vector_store %arg9[%swap3A_109, %swap3A_110], %broadcast_in_dim3A_0 {strides = array<i32>} : memref<48x16xf32, #tpu.memory_space<vmem>>, vector<16xf32>,
    %swap3A_112 = arith.constant 13 : i32
    %swap3A_113 = arith.index_cast %swap3A_112 : i32 to index
    %swap3A_114 = arith.constant 0 : index
    %swap3A_115 = tpu.vector_load %arg6[%swap3A_113, %swap3A_114] {strides = array<i32>} : memref<48x16xf32, #tpu.memory_space<vmem>>, vector<16xf32>,
    tpu.vector_store %arg6[%swap3A_113, %swap3A_114], %broadcast_in_dim3A_0 {strides = array<i32>} : memref<48x16xf32, #tpu.memory_space<vmem>>, vector<16xf32>,
    %swap3A_116 = arith.constant 14 : i32
    %swap3A_117 = arith.index_cast %swap3A_116 : i32 to index
    %swap3A_118 = arith.constant 0 : index
    %swap3A_119 = tpu.vector_load %arg9[%swap3A_117, %swap3A_118] {strides = array<i32>} : memref<48x16xf32, #tpu.memory_space<vmem>>, vector<16xf32>,
    tpu.vector_store %arg9[%swap3A_117, %swap3A_118], %broadcast_in_dim3A_0 {strides = array<i32>} : memref<48x16xf32, #tpu.memory_space<vmem>>, vector<16xf32>,
    %swap3A_120 = arith.constant 14 : i32
    %swap3A_121 = arith.index_cast %swap3A_120 : i32 to index
    %swap3A_122 = arith.constant 0 : index
    %swap3A_123 = tpu.vector_load %arg6[%swap3A_121, %swap3A_122] {strides = array<i32>} : memref<48x16xf32, #tpu.memory_space<vmem>>, vector<16xf32>,
    tpu.vector_store %arg6[%swap3A_121, %swap3A_122], %broadcast_in_dim3A_0 {strides = array<i32>} : memref<48x16xf32, #tpu.memory_space<vmem>>, vector<16xf32>,
    %swap3A_124 = arith.constant 15 : i32
    %swap3A_125 = arith.index_cast %swap3A_124 : i32 to index
    %swap3A_126 = arith.constant 0 : index
    %swap3A_127 = tpu.vector_load %arg9[%swap3A_125, %swap3A_126] {strides = array<i32>} : memref<48x16xf32, #tpu.memory_space<vmem>>, vector<16xf32>,
    tpu.vector_store %arg9[%swap3A_125, %swap3A_126], %broadcast_in_dim3A_0 {strides = array<i32>} : memref<48x16xf32, #tpu.memory_space<vmem>>, vector<16xf32>,
    %swap3A_128 = arith.constant 15 : i32
    %swap3A_129 = arith.index_cast %swap3A_128 : i32 to index
    %swap3A_130 = arith.constant 0 : index
    %swap3A_131 = tpu.vector_load %arg6[%swap3A_129, %swap3A_130] {strides = array<i32>} : memref<48x16xf32, #tpu.memory_space<vmem>>, vector<16xf32>,
    tpu.vector_store %arg6[%swap3A_129, %swap3A_130], %broadcast_in_dim3A_0 {strides = array<i32>} : memref<48x16xf32, #tpu.memory_space<vmem>>, vector<16xf32>,
    %swap3A_132 = arith.constant 16 : i32
    %swap3A_133 = arith.index_cast %swap3A_132 : i32 to index
    %swap3A_134 = arith.constant 0 : index
    %swap3A_135 = tpu.vector_load %arg9[%swap3A_133, %swap3A_134] {strides = array<i32>} : memref<48x16xf32, #tpu.memory_space<vmem>>, vector<16xf32>,
    tpu.vector_store %arg9[%swap3A_133, %swap3A_134], %broadcast_in_dim3A_0 {strides = array<i32>} : memref<48x16xf32, #tpu.memory_space<vmem>>, vector<16xf32>,
    %swap3A_136 = arith.constant 16 : i32
    %swap3A_137 = arith.index_cast %swap3A_136 : i32 to index
    %swap3A_138 = arith.constant 0 : index
    %swap3A_139 = tpu.vector_load %arg6[%swap3A_137, %swap3A_138] {strides = array<i32>} : memref<48x16xf32, #tpu.memory_space<vmem>>, vector<16xf32>,
    tpu.vector_store %arg6[%swap3A_137, %swap3A_138], %broadcast_in_dim3A_0 {strides = array<i32>} : memref<48x16xf32, #tpu.memory_space<vmem>>, vector<16xf32>,
    %swap3A_140 = arith.constant 17 : i32
    %swap3A_141 = arith.index_cast %swap3A_140 : i32 to index
    %swap3A_142 = arith.constant 0 : index
    %swap3A_143 = tpu.vector_load %arg9[%swap3A_141, %swap3A_142] {strides = array<i32>} : memref<48x16xf32, #tpu.memory_space<vmem>>, vector<16xf32>,
    tpu.vector_store %arg9[%swap3A_141, %swap3A_142], %broadcast_in_dim3A_0 {strides = array<i32>} : memref<48x16xf32, #tpu.memory_space<vmem>>, vector<16xf32>,
    %swap3A_144 = arith.constant 17 : i32
    %swap3A_145 = arith.index_cast %swap3A_144 : i32 to index
    %swap3A_146 = arith.constant 0 : index
    %swap3A_147 = tpu.vector_load %arg6[%swap3A_145, %swap3A_146] {strides = array<i32>} : memref<48x16xf32, #tpu.memory_space<vmem>>, vector<16xf32>,
    tpu.vector_store %arg6[%swap3A_145, %swap3A_146], %broadcast_in_dim3A_0 {strides = array<i32>} : memref<48x16xf32, #tpu.memory_space<vmem>>, vector<16xf32>,
    %swap3A_148 = arith.constant 18 : i32
    %swap3A_149 = arith.index_cast %swap3A_148 : i32 to index
    %swap3A_150 = arith.constant 0 : index
    %swap3A_151 = tpu.vector_load %arg9[%swap3A_149, %swap3A_150] {strides = array<i32>} : memref<48x16xf32, #tpu.memory_space<vmem>>, vector<16xf32>,
    tpu.vector_store %arg9[%swap3A_149, %swap3A_150], %broadcast_in_dim3A_0 {strides = array<i32>} : memref<48x16xf32, #tpu.memory_space<vmem>>, vector<16xf32>,
    %swap3A_152 = arith.constant 18 : i32
    %swap3A_153 = arith.index_cast %swap3A_152 : i32 to index
    %swap3A_154 = arith.constant 0 : index
    %swap3A_155 = tpu.vector_load %arg6[%swap3A_153, %swap3A_154] {strides = array<i32>} : memref<48x16xf32, #tpu.memory_space<vmem>>, vector<16xf32>,
    tpu.vector_store %arg6[%swap3A_153, %swap3A_154], %broadcast_in_dim3A_0 {strides = array<i32>} : memref<48x16xf32, #tpu.memory_space<vmem>>, vector<16xf32>,
    %swap3A_156 = arith.constant 19 : i32
    %swap3A_157 = arith.index_cast %swap3A_156 : i32 to index
    %swap3A_158 = arith.constant 0 : index
    %swap3A_159 = tpu.vector_load %arg9[%swap3A_157, %swap3A_158] {strides = array<i32>} : memref<48x16xf32, #tpu.memory_space<vmem>>, vector<16xf32>,
    tpu.vector_store %arg9[%swap3A_157, %swap3A_158], %broadcast_in_dim3A_0 {strides = array<i32>} : memref<48x16xf32, #tpu.memory_space<vmem>>, vector<16xf32>,
    %swap3A_160 = arith.constant 19 : i32
    %swap3A_161 = arith.index_cast %swap3A_160 : i32 to index
    %swap3A_162 = arith.constant 0 : index
    %swap3A_163 = tpu.vector_load %arg6[%swap3A_161, %swap3A_162] {strides = array<i32>} : memref<48x16xf32, #tpu.memory_space<vmem>>, vector<16xf32>,
    tpu.vector_store %arg6[%swap3A_161, %swap3A_162], %broadcast_in_dim3A_0 {strides = array<i32>} : memref<48x16xf32, #tpu.memory_space<vmem>>, vector<16xf32>,
    %swap3A_164 = arith.constant 20 : i32
    %swap3A_165 = arith.index_cast %swap3A_164 : i32 to index
    %swap3A_166 = arith.constant 0 : index
    %swap3A_167 = tpu.vector_load %arg9[%swap3A_165, %swap3A_166] {strides = array<i32>} : memref<48x16xf32, #tpu.memory_space<vmem>>, vector<16xf32>,
    tpu.vector_store %arg9[%swap3A_165, %swap3A_166], %broadcast_in_dim3A_0 {strides = array<i32>} : memref<48x16xf32, #tpu.memory_space<vmem>>, vector<16xf32>,
    %swap3A_168 = arith.constant 20 : i32
    %swap3A_169 = arith.index_cast %swap3A_168 : i32 to index
    %swap3A_170 = arith.constant 0 : index
    %swap3A_171 = tpu.vector_load %arg6[%swap3A_169, %swap3A_170] {strides = array<i32>} : memref<48x16xf32, #tpu.memory_space<vmem>>, vector<16xf32>,
    tpu.vector_store %arg6[%swap3A_169, %swap3A_170], %broadcast_in_dim3A_0 {strides = array<i32>} : memref<48x16xf32, #tpu.memory_space<vmem>>, vector<16xf32>,
    %swap3A_172 = arith.constant 21 : i32
    %swap3A_173 = arith.index_cast %swap3A_172 : i32 to index
    %swap3A_174 = arith.constant 0 : index
    %swap3A_175 = tpu.vector_load %arg9[%swap3A_173, %swap3A_174] {strides = array<i32>} : memref<48x16xf32, #tpu.memory_space<vmem>>, vector<16xf32>,
    tpu.vector_store %arg9[%swap3A_173, %swap3A_174], %broadcast_in_dim3A_0 {strides = array<i32>} : memref<48x16xf32, #tpu.memory_space<vmem>>, vector<16xf32>,
    %swap3A_176 = arith.constant 21 : i32
    %swap3A_177 = arith.index_cast %swap3A_176 : i32 to index
    %swap3A_178 = arith.constant 0 : index
    %swap3A_179 = tpu.vector_load %arg6[%swap3A_177, %swap3A_178] {strides = array<i32>} : memref<48x16xf32, #tpu.memory_space<vmem>>, vector<16xf32>,
    tpu.vector_store %arg6[%swap3A_177, %swap3A_178], %broadcast_in_dim3A_0 {strides = array<i32>} : memref<48x16xf32, #tpu.memory_space<vmem>>, vector<16xf32>,
    %swap3A_180 = arith.constant 22 : i32
    %swap3A_181 = arith.index_cast %swap3A_180 : i32 to index
    %swap3A_182 = arith.constant 0 : index
    %swap3A_183 = tpu.vector_load %arg9[%swap3A_181, %swap3A_182] {strides = array<i32>} : memref<48x16xf32, #tpu.memory_space<vmem>>, vector<16xf32>,
    tpu.vector_store %arg9[%swap3A_181, %swap3A_182], %broadcast_in_dim3A_0 {strides = array<i32>} : memref<48x16xf32, #tpu.memory_space<vmem>>, vector<16xf32>,
    %swap3A_184 = arith.constant 22 : i32
    %swap3A_185 = arith.index_cast %swap3A_184 : i32 to index
    %swap3A_186 = arith.constant 0 : index
    %swap3A_187 = tpu.vector_load %arg6[%swap3A_185, %swap3A_186] {strides = array<i32>} : memref<48x16xf32, #tpu.memory_space<vmem>>, vector<16xf32>,
    tpu.vector_store %arg6[%swap3A_185, %swap3A_186], %broadcast_in_dim3A_0 {strides = array<i32>} : memref<48x16xf32, #tpu.memory_space<vmem>>, vector<16xf32>,
    %swap3A_188 = arith.constant 23 : i32
    %swap3A_189 = arith.index_cast %swap3A_188 : i32 to index
    %swap3A_190 = arith.constant 0 : index
    %swap3A_191 = tpu.vector_load %arg9[%swap3A_189, %swap3A_190] {strides = array<i32>} : memref<48x16xf32, #tpu.memory_space<vmem>>, vector<16xf32>,
    tpu.vector_store %arg9[%swap3A_189, %swap3A_190], %broadcast_in_dim3A_0 {strides = array<i32>} : memref<48x16xf32, #tpu.memory_space<vmem>>, vector<16xf32>,
    %swap3A_192 = arith.constant 23 : i32
    %swap3A_193 = arith.index_cast %swap3A_192 : i32 to index
    %swap3A_194 = arith.constant 0 : index
    %swap3A_195 = tpu.vector_load %arg6[%swap3A_193, %swap3A_194] {strides = array<i32>} : memref<48x16xf32, #tpu.memory_space<vmem>>, vector<16xf32>,
    tpu.vector_store %arg6[%swap3A_193, %swap3A_194], %broadcast_in_dim3A_0 {strides = array<i32>} : memref<48x16xf32, #tpu.memory_space<vmem>>, vector<16xf32>,
    %swap3A_196 = arith.constant 24 : i32
    %swap3A_197 = arith.index_cast %swap3A_196 : i32 to index
    %swap3A_198 = arith.constant 0 : index
    %swap3A_199 = tpu.vector_load %arg9[%swap3A_197, %swap3A_198] {strides = array<i32>} : memref<48x16xf32, #tpu.memory_space<vmem>>, vector<16xf32>,
    tpu.vector_store %arg9[%swap3A_197, %swap3A_198], %broadcast_in_dim3A_0 {strides = array<i32>} : memref<48x16xf32, #tpu.memory_space<vmem>>, vector<16xf32>,
    %swap3A_200 = arith.constant 24 : i32
    %swap3A_201 = arith.index_cast %swap3A_200 : i32 to index
    %swap3A_202 = arith.constant 0 : index
    %swap3A_203 = tpu.vector_load %arg6[%swap3A_201, %swap3A_202] {strides = array<i32>} : memref<48x16xf32, #tpu.memory_space<vmem>>, vector<16xf32>,
    tpu.vector_store %arg6[%swap3A_201, %swap3A_202], %broadcast_in_dim3A_0 {strides = array<i32>} : memref<48x16xf32, #tpu.memory_space<vmem>>, vector<16xf32>,
    %swap3A_204 = arith.constant 25 : i32
    %swap3A_205 = arith.index_cast %swap3A_204 : i32 to index
    %swap3A_206 = arith.constant 0 : index
    %swap3A_207 = tpu.vector_load %arg9[%swap3A_205, %swap3A_206] {strides = array<i32>} : memref<48x16xf32, #tpu.memory_space<vmem>>, vector<16xf32>,
    tpu.vector_store %arg9[%swap3A_205, %swap3A_206], %broadcast_in_dim3A_0 {strides = array<i32>} : memref<48x16xf32, #tpu.memory_space<vmem>>, vector<16xf32>,
    %swap3A_208 = arith.constant 25 : i32
    %swap3A_209 = arith.index_cast %swap3A_208 : i32 to index
    %swap3A_210 = arith.constant 0 : index
    %swap3A_211 = tpu.vector_load %arg6[%swap3A_209, %swap3A_210] {strides = array<i32>} : memref<48x16xf32, #tpu.memory_space<vmem>>, vector<16xf32>,
    tpu.vector_store %arg6[%swap3A_209, %swap3A_210], %broadcast_in_dim3A_0 {strides = array<i32>} : memref<48x16xf32, #tpu.memory_space<vmem>>, vector<16xf32>,
    %swap3A_212 = arith.constant 26 : i32
    %swap3A_213 = arith.index_cast %swap3A_212 : i32 to index
    %swap3A_214 = arith.constant 0 : index
    %swap3A_215 = tpu.vector_load %arg9[%swap3A_213, %swap3A_214] {strides = array<i32>} : memref<48x16xf32, #tpu.memory_space<vmem>>, vector<16xf32>,
    tpu.vector_store %arg9[%swap3A_213, %swap3A_214], %broadcast_in_dim3A_0 {strides = array<i32>} : memref<48x16xf32, #tpu.memory_space<vmem>>, vector<16xf32>,
    %swap3A_216 = arith.constant 26 : i32
    %swap3A_217 = arith.index_cast %swap3A_216 : i32 to index
    %swap3A_218 = arith.constant 0 : index
    %swap3A_219 = tpu.vector_load %arg6[%swap3A_217, %swap3A_218] {strides = array<i32>} : memref<48x16xf32, #tpu.memory_space<vmem>>, vector<16xf32>,
    tpu.vector_store %arg6[%swap3A_217, %swap3A_218], %broadcast_in_dim3A_0 {strides = array<i32>} : memref<48x16xf32, #tpu.memory_space<vmem>>, vector<16xf32>,
    %swap3A_220 = arith.constant 27 : i32
    %swap3A_221 = arith.index_cast %swap3A_220 : i32 to index
    %swap3A_222 = arith.constant 0 : index
    %swap3A_223 = tpu.vector_load %arg9[%swap3A_221, %swap3A_222] {strides = array<i32>} : memref<48x16xf32, #tpu.memory_space<vmem>>, vector<16xf32>,
    tpu.vector_store %arg9[%swap3A_221, %swap3A_222], %broadcast_in_dim3A_0 {strides = array<i32>} : memref<48x16xf32, #tpu.memory_space<vmem>>, vector<16xf32>,
    %swap3A_224 = arith.constant 27 : i32
    %swap3A_225 = arith.index_cast %swap3A_224 : i32 to index
    %swap3A_226 = arith.constant 0 : index
    %swap3A_227 = tpu.vector_load %arg6[%swap3A_225, %swap3A_226] {strides = array<i32>} : memref<48x16xf32, #tpu.memory_space<vmem>>, vector<16xf32>,
    tpu.vector_store %arg6[%swap3A_225, %swap3A_226], %broadcast_in_dim3A_0 {strides = array<i32>} : memref<48x16xf32, #tpu.memory_space<vmem>>, vector<16xf32>,
    %swap3A_228 = arith.constant 28 : i32
    %swap3A_229 = arith.index_cast %swap3A_228 : i32 to index
    %swap3A_230 = arith.constant 0 : index
    %swap3A_231 = tpu.vector_load %arg9[%swap3A_229, %swap3A_230] {strides = array<i32>} : memref<48x16xf32, #tpu.memory_space<vmem>>, vector<16xf32>,
    tpu.vector_store %arg9[%swap3A_229, %swap3A_230], %broadcast_in_dim3A_0 {strides = array<i32>} : memref<48x16xf32, #tpu.memory_space<vmem>>, vector<16xf32>,
    %swap3A_232 = arith.constant 28 : i32
    %swap3A_233 = arith.index_cast %swap3A_232 : i32 to index
    %swap3A_234 = arith.constant 0 : index
    %swap3A_235 = tpu.vector_load %arg6[%swap3A_233, %swap3A_234] {strides = array<i32>} : memref<48x16xf32, #tpu.memory_space<vmem>>, vector<16xf32>,
    tpu.vector_store %arg6[%swap3A_233, %swap3A_234], %broadcast_in_dim3A_0 {strides = array<i32>} : memref<48x16xf32, #tpu.memory_space<vmem>>, vector<16xf32>,
    %swap3A_236 = arith.constant 29 : i32
    %swap3A_237 = arith.index_cast %swap3A_236 : i32 to index
    %swap3A_238 = arith.constant 0 : index
    %swap3A_239 = tpu.vector_load %arg9[%swap3A_237, %swap3A_238] {strides = array<i32>} : memref<48x16xf32, #tpu.memory_space<vmem>>, vector<16xf32>,
    tpu.vector_store %arg9[%swap3A_237, %swap3A_238], %broadcast_in_dim3A_0 {strides = array<i32>} : memref<48x16xf32, #tpu.memory_space<vmem>>, vector<16xf32>,
    %swap3A_240 = arith.constant 29 : i32
    %swap3A_241 = arith.index_cast %swap3A_240 : i32 to index
    %swap3A_242 = arith.constant 0 : index
    %swap3A_243 = tpu.vector_load %arg6[%swap3A_241, %swap3A_242] {strides = array<i32>} : memref<48x16xf32, #tpu.memory_space<vmem>>, vector<16xf32>,
    tpu.vector_store %arg6[%swap3A_241, %swap3A_242], %broadcast_in_dim3A_0 {strides = array<i32>} : memref<48x16xf32, #tpu.memory_space<vmem>>, vector<16xf32>,
    %swap3A_244 = arith.constant 30 : i32
    %swap3A_245 = arith.index_cast %swap3A_244 : i32 to index
    %swap3A_246 = arith.constant 0 : index
    %swap3A_247 = tpu.vector_load %arg9[%swap3A_245, %swap3A_246] {strides = array<i32>} : memref<48x16xf32, #tpu.memory_space<vmem>>, vector<16xf32>,
    tpu.vector_store %arg9[%swap3A_245, %swap3A_246], %broadcast_in_dim3A_0 {strides = array<i32>} : memref<48x16xf32, #tpu.memory_space<vmem>>, vector<16xf32>,
    %swap3A_248 = arith.constant 30 : i32
    %swap3A_249 = arith.index_cast %swap3A_248 : i32 to index
    %swap3A_250 = arith.constant 0 : index
    %swap3A_251 = tpu.vector_load %arg6[%swap3A_249, %swap3A_250] {strides = array<i32>} : memref<48x16xf32, #tpu.memory_space<vmem>>, vector<16xf32>,
    tpu.vector_store %arg6[%swap3A_249, %swap3A_250], %broadcast_in_dim3A_0 {strides = array<i32>} : memref<48x16xf32, #tpu.memory_space<vmem>>, vector<16xf32>,
    %swap3A_252 = arith.constant 31 : i32
    %swap3A_253 = arith.index_cast %swap3A_252 : i32 to index
    %swap3A_254 = arith.constant 0 : index
    %swap3A_255 = tpu.vector_load %arg9[%swap3A_253, %swap3A_254] {strides = array<i32>} : memref<48x16xf32, #tpu.memory_space<vmem>>, vector<16xf32>,
    tpu.vector_store %arg9[%swap3A_253, %swap3A_254], %broadcast_in_dim3A_0 {strides = array<i32>} : memref<48x16xf32, #tpu.memory_space<vmem>>, vector<16xf32>,
    %swap3A_256 = arith.constant 31 : i32
    %swap3A_257 = arith.index_cast %swap3A_256 : i32 to index
    %swap3A_258 = arith.constant 0 : index
    %swap3A_259 = tpu.vector_load %arg6[%swap3A_257, %swap3A_258] {strides = array<i32>} : memref<48x16xf32, #tpu.memory_space<vmem>>, vector<16xf32>,
    tpu.vector_store %arg6[%swap3A_257, %swap3A_258], %broadcast_in_dim3A_0 {strides = array<i32>} : memref<48x16xf32, #tpu.memory_space<vmem>>, vector<16xf32>,
    %swap3A_260 = arith.constant 32 : i32
    %swap3A_261 = arith.index_cast %swap3A_260 : i32 to index
    %swap3A_262 = arith.constant 0 : index
    %swap3A_263 = tpu.vector_load %arg9[%swap3A_261, %swap3A_262] {strides = array<i32>} : memref<48x16xf32, #tpu.memory_space<vmem>>, vector<16xf32>,
    tpu.vector_store %arg9[%swap3A_261, %swap3A_262], %broadcast_in_dim3A_0 {strides = array<i32>} : memref<48x16xf32, #tpu.memory_space<vmem>>, vector<16xf32>,
    %swap3A_264 = arith.constant 32 : i32
    %swap3A_265 = arith.index_cast %swap3A_264 : i32 to index
    %swap3A_266 = arith.constant 0 : index
    %swap3A_267 = tpu.vector_load %arg6[%swap3A_265, %swap3A_266] {strides = array<i32>} : memref<48x16xf32, #tpu.memory_space<vmem>>, vector<16xf32>,
    tpu.vector_store %arg6[%swap3A_265, %swap3A_266], %broadcast_in_dim3A_0 {strides = array<i32>} : memref<48x16xf32, #tpu.memory_space<vmem>>, vector<16xf32>,
    %swap3A_268 = arith.constant 33 : i32
    %swap3A_269 = arith.index_cast %swap3A_268 : i32 to index
    %swap3A_270 = arith.constant 0 : index
    %swap3A_271 = tpu.vector_load %arg9[%swap3A_269, %swap3A_270] {strides = array<i32>} : memref<48x16xf32, #tpu.memory_space<vmem>>, vector<16xf32>,
    tpu.vector_store %arg9[%swap3A_269, %swap3A_270], %broadcast_in_dim3A_0 {strides = array<i32>} : memref<48x16xf32, #tpu.memory_space<vmem>>, vector<16xf32>,
    %swap3A_272 = arith.constant 33 : i32
    %swap3A_273 = arith.index_cast %swap3A_272 : i32 to index
    %swap3A_274 = arith.constant 0 : index
    %swap3A_275 = tpu.vector_load %arg6[%swap3A_273, %swap3A_274] {strides = array<i32>} : memref<48x16xf32, #tpu.memory_space<vmem>>, vector<16xf32>,
    tpu.vector_store %arg6[%swap3A_273, %swap3A_274], %broadcast_in_dim3A_0 {strides = array<i32>} : memref<48x16xf32, #tpu.memory_space<vmem>>, vector<16xf32>,
    %swap3A_276 = arith.constant 34 : i32
    %swap3A_277 = arith.index_cast %swap3A_276 : i32 to index
    %swap3A_278 = arith.constant 0 : index
    %swap3A_279 = tpu.vector_load %arg9[%swap3A_277, %swap3A_278] {strides = array<i32>} : memref<48x16xf32, #tpu.memory_space<vmem>>, vector<16xf32>,
    tpu.vector_store %arg9[%swap3A_277, %swap3A_278], %broadcast_in_dim3A_0 {strides = array<i32>} : memref<48x16xf32, #tpu.memory_space<vmem>>, vector<16xf32>,
    %swap3A_280 = arith.constant 34 : i32
    %swap3A_281 = arith.index_cast %swap3A_280 : i32 to index
    %swap3A_282 = arith.constant 0 : index
    %swap3A_283 = tpu.vector_load %arg6[%swap3A_281, %swap3A_282] {strides = array<i32>} : memref<48x16xf32, #tpu.memory_space<vmem>>, vector<16xf32>,
    tpu.vector_store %arg6[%swap3A_281, %swap3A_282], %broadcast_in_dim3A_0 {strides = array<i32>} : memref<48x16xf32, #tpu.memory_space<vmem>>, vector<16xf32>,
    %swap3A_284 = arith.constant 35 : i32
    %swap3A_285 = arith.index_cast %swap3A_284 : i32 to index
    %swap3A_286 = arith.constant 0 : index
    %swap3A_287 = tpu.vector_load %arg9[%swap3A_285, %swap3A_286] {strides = array<i32>} : memref<48x16xf32, #tpu.memory_space<vmem>>, vector<16xf32>,
    tpu.vector_store %arg9[%swap3A_285, %swap3A_286], %broadcast_in_dim3A_0 {strides = array<i32>} : memref<48x16xf32, #tpu.memory_space<vmem>>, vector<16xf32>,
    %swap3A_288 = arith.constant 35 : i32
    %swap3A_289 = arith.index_cast %swap3A_288 : i32 to index
    %swap3A_290 = arith.constant 0 : index
    %swap3A_291 = tpu.vector_load %arg6[%swap3A_289, %swap3A_290] {strides = array<i32>} : memref<48x16xf32, #tpu.memory_space<vmem>>, vector<16xf32>,
    tpu.vector_store %arg6[%swap3A_289, %swap3A_290], %broadcast_in_dim3A_0 {strides = array<i32>} : memref<48x16xf32, #tpu.memory_space<vmem>>, vector<16xf32>,
    %swap3A_292 = arith.constant 36 : i32
    %swap3A_293 = arith.index_cast %swap3A_292 : i32 to index
    %swap3A_294 = arith.constant 0 : index
    %swap3A_295 = tpu.vector_load %arg9[%swap3A_293, %swap3A_294] {strides = array<i32>} : memref<48x16xf32, #tpu.memory_space<vmem>>, vector<16xf32>,
    tpu.vector_store %arg9[%swap3A_293, %swap3A_294], %broadcast_in_dim3A_0 {strides = array<i32>} : memref<48x16xf32, #tpu.memory_space<vmem>>, vector<16xf32>,
    %swap3A_296 = arith.constant 36 : i32
    %swap3A_297 = arith.index_cast %swap3A_296 : i32 to index
    %swap3A_298 = arith.constant 0 : index
    %swap3A_299 = tpu.vector_load %arg6[%swap3A_297, %swap3A_298] {strides = array<i32>} : memref<48x16xf32, #tpu.memory_space<vmem>>, vector<16xf32>,
    tpu.vector_store %arg6[%swap3A_297, %swap3A_298], %broadcast_in_dim3A_0 {strides = array<i32>} : memref<48x16xf32, #tpu.memory_space<vmem>>, vector<16xf32>,
    %swap3A_300 = arith.constant 37 : i32
    %swap3A_301 = arith.index_cast %swap3A_300 : i32 to index
    %swap3A_302 = arith.constant 0 : index
    %swap3A_303 = tpu.vector_load %arg9[%swap3A_301, %swap3A_302] {strides = array<i32>} : memref<48x16xf32, #tpu.memory_space<vmem>>, vector<16xf32>,
    tpu.vector_store %arg9[%swap3A_301, %swap3A_302], %broadcast_in_dim3A_0 {strides = array<i32>} : memref<48x16xf32, #tpu.memory_space<vmem>>, vector<16xf32>,
    %swap3A_304 = arith.constant 37 : i32
    %swap3A_305 = arith.index_cast %swap3A_304 : i32 to index
    %swap3A_306 = arith.constant 0 : index
    %swap3A_307 = tpu.vector_load %arg6[%swap3A_305, %swap3A_306] {strides = array<i32>} : memref<48x16xf32, #tpu.memory_space<vmem>>, vector<16xf32>,
    tpu.vector_store %arg6[%swap3A_305, %swap3A_306], %broadcast_in_dim3A_0 {strides = array<i32>} : memref<48x16xf32, #tpu.memory_space<vmem>>, vector<16xf32>,
    %swap3A_308 = arith.constant 38 : i32
    %swap3A_309 = arith.index_cast %swap3A_308 : i32 to index
    %swap3A_310 = arith.constant 0 : index
    %swap3A_311 = tpu.vector_load %arg9[%swap3A_309, %swap3A_310] {strides = array<i32>} : memref<48x16xf32, #tpu.memory_space<vmem>>, vector<16xf32>,
    tpu.vector_store %arg9[%swap3A_309, %swap3A_310], %broadcast_in_dim3A_0 {strides = array<i32>} : memref<48x16xf32, #tpu.memory_space<vmem>>, vector<16xf32>,
    %swap3A_312 = arith.constant 38 : i32
    %swap3A_313 = arith.index_cast %swap3A_312 : i32 to index
    %swap3A_314 = arith.constant 0 : index
    %swap3A_315 = tpu.vector_load %arg6[%swap3A_313, %swap3A_314] {strides = array<i32>} : memref<48x16xf32, #tpu.memory_space<vmem>>, vector<16xf32>,
    tpu.vector_store %arg6[%swap3A_313, %swap3A_314], %broadcast_in_dim3A_0 {strides = array<i32>} : memref<48x16xf32, #tpu.memory_space<vmem>>, vector<16xf32>,
    %swap3A_316 = arith.constant 39 : i32
    %swap3A_317 = arith.index_cast %swap3A_316 : i32 to index
    %swap3A_318 = arith.constant 0 : index
    %swap3A_319 = tpu.vector_load %arg9[%swap3A_317, %swap3A_318] {strides = array<i32>} : memref<48x16xf32, #tpu.memory_space<vmem>>, vector<16xf32>,
    tpu.vector_store %arg9[%swap3A_317, %swap3A_318], %broadcast_in_dim3A_0 {strides = array<i32>} : memref<48x16xf32, #tpu.memory_space<vmem>>, vector<16xf32>,
    %swap3A_320 = arith.constant 39 : i32
    %swap3A_321 = arith.index_cast %swap3A_320 : i32 to index
    %swap3A_322 = arith.constant 0 : index
    %swap3A_323 = tpu.vector_load %arg6[%swap3A_321, %swap3A_322] {strides = array<i32>} : memref<48x16xf32, #tpu.memory_space<vmem>>, vector<16xf32>,
    tpu.vector_store %arg6[%swap3A_321, %swap3A_322], %broadcast_in_dim3A_0 {strides = array<i32>} : memref<48x16xf32, #tpu.memory_space<vmem>>, vector<16xf32>,
    %swap3A_324 = arith.constant 40 : i32
    %swap3A_325 = arith.index_cast %swap3A_324 : i32 to index
    %swap3A_326 = arith.constant 0 : index
    %swap3A_327 = tpu.vector_load %arg9[%swap3A_325, %swap3A_326] {strides = array<i32>} : memref<48x16xf32, #tpu.memory_space<vmem>>, vector<16xf32>,
    tpu.vector_store %arg9[%swap3A_325, %swap3A_326], %broadcast_in_dim3A_0 {strides = array<i32>} : memref<48x16xf32, #tpu.memory_space<vmem>>, vector<16xf32>,
    %swap3A_328 = arith.constant 40 : i32
    %swap3A_329 = arith.index_cast %swap3A_328 : i32 to index
    %swap3A_330 = arith.constant 0 : index
    %swap3A_331 = tpu.vector_load %arg6[%swap3A_329, %swap3A_330] {strides = array<i32>} : memref<48x16xf32, #tpu.memory_space<vmem>>, vector<16xf32>,
    tpu.vector_store %arg6[%swap3A_329, %swap3A_330], %broadcast_in_dim3A_0 {strides = array<i32>} : memref<48x16xf32, #tpu.memory_space<vmem>>, vector<16xf32>,
    %swap3A_332 = arith.constant 41 : i32
    %swap3A_333 = arith.index_cast %swap3A_332 : i32 to index
    %swap3A_334 = arith.constant 0 : index
    %swap3A_335 = tpu.vector_load %arg9[%swap3A_333, %swap3A_334] {strides = array<i32>} : memref<48x16xf32, #tpu.memory_space<vmem>>, vector<16xf32>,
    tpu.vector_store %arg9[%swap3A_333, %swap3A_334], %broadcast_in_dim3A_0 {strides = array<i32>} : memref<48x16xf32, #tpu.memory_space<vmem>>, vector<16xf32>,
    %swap3A_336 = arith.constant 41 : i32
    %swap3A_337 = arith.index_cast %swap3A_336 : i32 to index
    %swap3A_338 = arith.constant 0 : index
    %swap3A_339 = tpu.vector_load %arg6[%swap3A_337, %swap3A_338] {strides = array<i32>} : memref<48x16xf32, #tpu.memory_space<vmem>>, vector<16xf32>,
    tpu.vector_store %arg6[%swap3A_337, %swap3A_338], %broadcast_in_dim3A_0 {strides = array<i32>} : memref<48x16xf32, #tpu.memory_space<vmem>>, vector<16xf32>,
    %swap3A_340 = arith.constant 42 : i32
    %swap3A_341 = arith.index_cast %swap3A_340 : i32 to index
    %swap3A_342 = arith.constant 0 : index
    %swap3A_343 = tpu.vector_load %arg9[%swap3A_341, %swap3A_342] {strides = array<i32>} : memref<48x16xf32, #tpu.memory_space<vmem>>, vector<16xf32>,
    tpu.vector_store %arg9[%swap3A_341, %swap3A_342], %broadcast_in_dim3A_0 {strides = array<i32>} : memref<48x16xf32, #tpu.memory_space<vmem>>, vector<16xf32>,
    %swap3A_344 = arith.constant 42 : i32
    %swap3A_345 = arith.index_cast %swap3A_344 : i32 to index
    %swap3A_346 = arith.constant 0 : index
    %swap3A_347 = tpu.vector_load %arg6[%swap3A_345, %swap3A_346] {strides = array<i32>} : memref<48x16xf32, #tpu.memory_space<vmem>>, vector<16xf32>,
    tpu.vector_store %arg6[%swap3A_345, %swap3A_346], %broadcast_in_dim3A_0 {strides = array<i32>} : memref<48x16xf32, #tpu.memory_space<vmem>>, vector<16xf32>,
    %swap3A_348 = arith.constant 43 : i32
    %swap3A_349 = arith.index_cast %swap3A_348 : i32 to index
    %swap3A_350 = arith.constant 0 : index
    %swap3A_351 = tpu.vector_load %arg9[%swap3A_349, %swap3A_350] {strides = array<i32>} : memref<48x16xf32, #tpu.memory_space<vmem>>, vector<16xf32>,
    tpu.vector_store %arg9[%swap3A_349, %swap3A_350], %broadcast_in_dim3A_0 {strides = array<i32>} : memref<48x16xf32, #tpu.memory_space<vmem>>, vector<16xf32>,
    %swap3A_352 = arith.constant 43 : i32
    %swap3A_353 = arith.index_cast %swap3A_352 : i32 to index
    %swap3A_354 = arith.constant 0 : index
    %swap3A_355 = tpu.vector_load %arg6[%swap3A_353, %swap3A_354] {strides = array<i32>} : memref<48x16xf32, #tpu.memory_space<vmem>>, vector<16xf32>,
    tpu.vector_store %arg6[%swap3A_353, %swap3A_354], %broadcast_in_dim3A_0 {strides = array<i32>} : memref<48x16xf32, #tpu.memory_space<vmem>>, vector<16xf32>,
    %swap3A_356 = arith.constant 44 : i32
    %swap3A_357 = arith.index_cast %swap3A_356 : i32 to index
    %swap3A_358 = arith.constant 0 : index
    %swap3A_359 = tpu.vector_load %arg9[%swap3A_357, %swap3A_358] {strides = array<i32>} : memref<48x16xf32, #tpu.memory_space<vmem>>, vector<16xf32>,
    tpu.vector_store %arg9[%swap3A_357, %swap3A_358], %broadcast_in_dim3A_0 {strides = array<i32>} : memref<48x16xf32, #tpu.memory_space<vmem>>, vector<16xf32>,
    %swap3A_360 = arith.constant 44 : i32
    %swap3A_361 = arith.index_cast %swap3A_360 : i32 to index
    %swap3A_362 = arith.constant 0 : index
    %swap3A_363 = tpu.vector_load %arg6[%swap3A_361, %swap3A_362] {strides = array<i32>} : memref<48x16xf32, #tpu.memory_space<vmem>>, vector<16xf32>,
    tpu.vector_store %arg6[%swap3A_361, %swap3A_362], %broadcast_in_dim3A_0 {strides = array<i32>} : memref<48x16xf32, #tpu.memory_space<vmem>>, vector<16xf32>,
    %swap3A_364 = arith.constant 45 : i32
    %swap3A_365 = arith.index_cast %swap3A_364 : i32 to index
    %swap3A_366 = arith.constant 0 : index
    %swap3A_367 = tpu.vector_load %arg9[%swap3A_365, %swap3A_366] {strides = array<i32>} : memref<48x16xf32, #tpu.memory_space<vmem>>, vector<16xf32>,
    tpu.vector_store %arg9[%swap3A_365, %swap3A_366], %broadcast_in_dim3A_0 {strides = array<i32>} : memref<48x16xf32, #tpu.memory_space<vmem>>, vector<16xf32>,
    %swap3A_368 = arith.constant 45 : i32
    %swap3A_369 = arith.index_cast %swap3A_368 : i32 to index
    %swap3A_370 = arith.constant 0 : index
    %swap3A_371 = tpu.vector_load %arg6[%swap3A_369, %swap3A_370] {strides = array<i32>} : memref<48x16xf32, #tpu.memory_space<vmem>>, vector<16xf32>,
    tpu.vector_store %arg6[%swap3A_369, %swap3A_370], %broadcast_in_dim3A_0 {strides = array<i32>} : memref<48x16xf32, #tpu.memory_space<vmem>>, vector<16xf32>,
    %swap3A_372 = arith.constant 46 : i32
    %swap3A_373 = arith.index_cast %swap3A_372 : i32 to index
    %swap3A_374 = arith.constant 0 : index
    %swap3A_375 = tpu.vector_load %arg9[%swap3A_373, %swap3A_374] {strides = array<i32>} : memref<48x16xf32, #tpu.memory_space<vmem>>, vector<16xf32>,
    tpu.vector_store %arg9[%swap3A_373, %swap3A_374], %broadcast_in_dim3A_0 {strides = array<i32>} : memref<48x16xf32, #tpu.memory_space<vmem>>, vector<16xf32>,
    %swap3A_376 = arith.constant 46 : i32
    %swap3A_377 = arith.index_cast %swap3A_376 : i32 to index
    %swap3A_378 = arith.constant 0 : index
    %swap3A_379 = tpu.vector_load %arg6[%swap3A_377, %swap3A_378] {strides = array<i32>} : memref<48x16xf32, #tpu.memory_space<vmem>>, vector<16xf32>,
    tpu.vector_store %arg6[%swap3A_377, %swap3A_378], %broadcast_in_dim3A_0 {strides = array<i32>} : memref<48x16xf32, #tpu.memory_space<vmem>>, vector<16xf32>,
    %swap3A_380 = arith.constant 47 : i32
    %swap3A_381 = arith.index_cast %swap3A_380 : i32 to index
    %swap3A_382 = arith.constant 0 : index
    %swap3A_383 = tpu.vector_load %arg9[%swap3A_381, %swap3A_382] {strides = array<i32>} : memref<48x16xf32, #tpu.memory_space<vmem>>, vector<16xf32>,
    tpu.vector_store %arg9[%swap3A_381, %swap3A_382], %broadcast_in_dim3A_0 {strides = array<i32>} : memref<48x16xf32, #tpu.memory_space<vmem>>, vector<16xf32>,
    %swap3A_384 = arith.constant 47 : i32
    %swap3A_385 = arith.index_cast %swap3A_384 : i32 to index
    %swap3A_386 = arith.constant 0 : index
    %swap3A_387 = tpu.vector_load %arg6[%swap3A_385, %swap3A_386] {strides = array<i32>} : memref<48x16xf32, #tpu.memory_space<vmem>>, vector<16xf32>,
    tpu.vector_store %arg6[%swap3A_385, %swap3A_386], %broadcast_in_dim3A_0 {strides = array<i32>} : memref<48x16xf32, #tpu.memory_space<vmem>>, vector<16xf32>,
    %eq3A = arith.constant 0 : i32
    %eq3A_388 = arith.cmpi eq, %arg1, %eq3A : i32
    %convert_element_type3A = arith.extui %eq3A_388 : i1 to i32
    %cond3A = arith.constant 0 : i32
    %cond3A_389 = arith.cmpi ne, %convert_element_type3A, %cond3A : i32
    scf.if %cond3A_389 {
      "tpu.region"() ({
        %run_scoped3A = tpu.sem_alloc : memref<!tpu.dma_semaphore, #tpu.memory_space<semaphore_mem>>
        tpu.enqueue_dma source(%arg9 : memref<48x16xf32, #tpu.memory_space<vmem>>) target(%arg11 : memref<48x16xf32, #tpu.memory_space<vmem_shared>>) target_semaphore(%run_scoped3A : memref<!tpu.dma_semaphore, #tpu.memory_space<semaphore_mem>>)
        tpu.wait_dma2 semaphore(%run_scoped3A : memref<!tpu.dma_semaphore, #tpu.memory_space<semaphore_mem>>) src(%arg9 : memref<48x16xf32, #tpu.memory_space<vmem>>) dst(%arg11 : memref<48x16xf32, #tpu.memory_space<vmem_shared>>)
        tpu.yield
      }) : () -> ()
      "tpu.region"() ({
        %run_scoped3A = tpu.sem_alloc : memref<!tpu.dma_semaphore, #tpu.memory_space<semaphore_mem>>
        %dma_start3A_1460 = arith.constant 0 : i32
        %dma_start3A_1461 = arith.constant 0 : i32
        %dma_start3A_1462 = tpu.memref_slice %arg9[%dma_start3A_1460, %dma_start3A_1461] : memref<48x16xf32, #tpu.memory_space<vmem>> -> memref<32x16xf32, #tpu.memory_space<vmem>>
        %dma_start3A_1463 = arith.constant 0 : i32
        %dma_start3A_1464 = arith.constant 0 : i32
        %dma_start3A_1465 = tpu.memref_slice %arg9[%dma_start3A_1463, %dma_start3A_1464] : memref<48x16xf32, #tpu.memory_space<vmem>> -> memref<32x16xf32, #tpu.memory_space<vmem>>
        tpu.enqueue_dma source(%dma_start3A_1465 : memref<32x16xf32, #tpu.memory_space<vmem>>) target(%arg12 : memref<32x16xf32, #tpu.memory_space<vmem_shared>>) target_semaphore(%run_scoped3A : memref<!tpu.dma_semaphore, #tpu.memory_space<semaphore_mem>>)
        %dma_wait3A_1466 = arith.constant 0 : i32
        %dma_wait3A_1467 = arith.constant 0 : i32
        %dma_wait3A_1468 = tpu.memref_slice %arg9[%dma_wait3A_1466, %dma_wait3A_1467] : memref<48x16xf32, #tpu.memory_space<vmem>> -> memref<32x16xf32, #tpu.memory_space<vmem>>
        %dma_wait3A_1469 = arith.constant 0 : i32
        %dma_wait3A_1470 = arith.constant 0 : i32
        %dma_wait3A_1471 = tpu.memref_slice %arg9[%dma_wait3A_1469, %dma_wait3A_1470] : memref<48x16xf32, #tpu.memory_space<vmem>> -> memref<32x16xf32, #tpu.memory_space<vmem>>
        tpu.wait_dma2 semaphore(%run_scoped3A : memref<!tpu.dma_semaphore, #tpu.memory_space<semaphore_mem>>) src(%dma_wait3A_1471 : memref<32x16xf32, #tpu.memory_space<vmem>>) dst(%arg12 : memref<32x16xf32, #tpu.memory_space<vmem_shared>>)
        tpu.yield
      }) : () -> ()
      "tpu.region"() ({
        %run_scoped3A = tpu.sem_alloc : memref<!tpu.dma_semaphore, #tpu.memory_space<semaphore_mem>>
        %dma_start3A_1460 = arith.constant 0 : i32
        %dma_start3A_1461 = arith.constant 0 : i32
        %dma_start3A_1462 = tpu.memref_slice %arg9[%dma_start3A_1460, %dma_start3A_1461] : memref<48x16xf32, #tpu.memory_space<vmem>> -> memref<32x16xf32, #tpu.memory_space<vmem>>
        %dma_start3A_1463 = arith.constant 0 : i32
        %dma_start3A_1464 = arith.constant 0 : i32
        %dma_start3A_1465 = tpu.memref_slice %arg9[%dma_start3A_1463, %dma_start3A_1464] : memref<48x16xf32, #tpu.memory_space<vmem>> -> memref<32x16xf32, #tpu.memory_space<vmem>>
        tpu.enqueue_dma source(%dma_start3A_1465 : memref<32x16xf32, #tpu.memory_space<vmem>>) target(%arg13 : memref<32x16xf32, #tpu.memory_space<vmem_shared>>) target_semaphore(%run_scoped3A : memref<!tpu.dma_semaphore, #tpu.memory_space<semaphore_mem>>)
        %dma_wait3A_1466 = arith.constant 0 : i32
        %dma_wait3A_1467 = arith.constant 0 : i32
        %dma_wait3A_1468 = tpu.memref_slice %arg9[%dma_wait3A_1466, %dma_wait3A_1467] : memref<48x16xf32, #tpu.memory_space<vmem>> -> memref<32x16xf32, #tpu.memory_space<vmem>>
        %dma_wait3A_1469 = arith.constant 0 : i32
        %dma_wait3A_1470 = arith.constant 0 : i32
        %dma_wait3A_1471 = tpu.memref_slice %arg9[%dma_wait3A_1469, %dma_wait3A_1470] : memref<48x16xf32, #tpu.memory_space<vmem>> -> memref<32x16xf32, #tpu.memory_space<vmem>>
        tpu.wait_dma2 semaphore(%run_scoped3A : memref<!tpu.dma_semaphore, #tpu.memory_space<semaphore_mem>>) src(%dma_wait3A_1471 : memref<32x16xf32, #tpu.memory_space<vmem>>) dst(%arg13 : memref<32x16xf32, #tpu.memory_space<vmem_shared>>)
        tpu.yield
      }) : () -> ()
      "tpu.region"() ({
        %run_scoped3A = tpu.sem_alloc : memref<!tpu.dma_semaphore, #tpu.memory_space<semaphore_mem>>
        %dma_start3A_1460 = arith.constant 0 : i32
        %dma_start3A_1461 = arith.constant 0 : i32
        %dma_start3A_1462 = tpu.memref_slice %arg9[%dma_start3A_1460, %dma_start3A_1461] : memref<48x16xf32, #tpu.memory_space<vmem>> -> memref<32x16xf32, #tpu.memory_space<vmem>>
        %dma_start3A_1463 = arith.constant 0 : i32
        %dma_start3A_1464 = arith.constant 0 : i32
        %dma_start3A_1465 = tpu.memref_slice %arg9[%dma_start3A_1463, %dma_start3A_1464] : memref<48x16xf32, #tpu.memory_space<vmem>> -> memref<32x16xf32, #tpu.memory_space<vmem>>
        tpu.enqueue_dma source(%dma_start3A_1465 : memref<32x16xf32, #tpu.memory_space<vmem>>) target(%arg14 : memref<32x16xf32, #tpu.memory_space<vmem_shared>>) target_semaphore(%run_scoped3A : memref<!tpu.dma_semaphore, #tpu.memory_space<semaphore_mem>>)
        %dma_wait3A_1466 = arith.constant 0 : i32
        %dma_wait3A_1467 = arith.constant 0 : i32
        %dma_wait3A_1468 = tpu.memref_slice %arg9[%dma_wait3A_1466, %dma_wait3A_1467] : memref<48x16xf32, #tpu.memory_space<vmem>> -> memref<32x16xf32, #tpu.memory_space<vmem>>
        %dma_wait3A_1469 = arith.constant 0 : i32
        %dma_wait3A_1470 = arith.constant 0 : i32
        %dma_wait3A_1471 = tpu.memref_slice %arg9[%dma_wait3A_1469, %dma_wait3A_1470] : memref<48x16xf32, #tpu.memory_space<vmem>> -> memref<32x16xf32, #tpu.memory_space<vmem>>
        tpu.wait_dma2 semaphore(%run_scoped3A : memref<!tpu.dma_semaphore, #tpu.memory_space<semaphore_mem>>) src(%dma_wait3A_1471 : memref<32x16xf32, #tpu.memory_space<vmem>>) dst(%arg14 : memref<32x16xf32, #tpu.memory_space<vmem_shared>>)
        tpu.yield
      }) : () -> ()
    } else {
    }
    %dma_wait3A = tpu.memref_slice %arg2[%mul3A_3] : memref<32768xf32, #tpu.memory_space<hbm>> -> memref<2048xf32, #tpu.memory_space<hbm>>
    %dma_wait3A_390 = tpu.memref_slice %arg2[%mul3A_3] : memref<32768xf32, #tpu.memory_space<hbm>> -> memref<2048xf32, #tpu.memory_space<hbm>>
    tpu.wait_dma2 semaphore(%arg10 : memref<!tpu.dma_semaphore, #tpu.memory_space<semaphore_mem>>) src(%dma_wait3A_390 : memref<2048xf32, #tpu.memory_space<hbm>>) dst(%arg4 : memref<2048xf32, #tpu.memory_space<vmem>>)
    "tpu.trace_start"() <{level = 10 : i32, message = "ph_r0"}> : () -> ()
    %scan3A = arith.constant 0 : i32
    %scan3A_391 = arith.constant 128 : i32
    %scan3A_392 = arith.addi %scan3A, %scan3A_391 : i32
    %scan3A_393 = arith.constant 4 : i32
    %scan3A_394 = scf.for %scan3A_1460 = %scan3A to %scan3A_392 step %scan3A_393 iter_args(%scan3A_1461 = %broadcast_in_dim3A_0) -> (vector<16xf32>)  : i32 {
      %mul3A_1462 = arith.constant 16 : i32
      %mul3A_1463 = arith.muli %scan3A_1460, %mul3A_1462 : i32
      %get3A_1464 = arith.index_cast %mul3A_1463 : i32 to index
      %get3A_1465 = tpu.vector_load %arg4[%get3A_1464] {strides = array<i32>} : memref<2048xf32, #tpu.memory_space<vmem>>, vector<16xf32>,
      %bitcast_convert_type3A_1466 = tpu.bitcast %get3A_1465 : vector<16xf32> -> vector<16xi32>
      %shift_right_logical3A_1467 = arith.constant 31 : i32
      %shift_right_logical3A_1468 = vector.broadcast %shift_right_logical3A_1467 : i32 to vector<16xi32>
      %shift_right_logical3A_1469 = arith.shrui %bitcast_convert_type3A_1466, %shift_right_logical3A_1468 : vector<16xi32>
      %eq3A_1470 = arith.constant 0 : i32
      %eq3A_1471 = vector.broadcast %eq3A_1470 : i32 to vector<16xi32>
      %eq3A_1472 = arith.cmpi eq, %shift_right_logical3A_1469, %eq3A_1471 : vector<16xi32>
      %or3A_1473 = arith.constant -2147483648 : i32
      %or3A_1474 = vector.broadcast %or3A_1473 : i32 to vector<16xi32>
      %or3A_1475 = arith.ori %bitcast_convert_type3A_1466, %or3A_1474 : vector<16xi32>
      %not3A_1476 = arith.constant dense<-1> : vector<16xi32>
      %not3A_1477 = arith.xori %bitcast_convert_type3A_1466, %not3A_1476 : vector<16xi32>
      %select_n3A_1478 = arith.select %eq3A_1472, %or3A_1475, %not3A_1477 : vector<16xi1>, vector<16xi32>
      %shift_right_logical3A_1479 = arith.constant 28 : i32
      %shift_right_logical3A_1480 = vector.broadcast %shift_right_logical3A_1479 : i32 to vector<16xi32>
      %shift_right_logical3A_1481 = arith.shrui %select_n3A_1478, %shift_right_logical3A_1480 : vector<16xi32>
      %shift_right_logical3A_1482 = arith.constant 24 : i32
      %shift_right_logical3A_1483 = vector.broadcast %shift_right_logical3A_1482 : i32 to vector<16xi32>
      %shift_right_logical3A_1484 = arith.shrui %select_n3A_1478, %shift_right_logical3A_1483 : vector<16xi32>
      %and3A_1485 = arith.constant 15 : i32
      %and3A_1486 = vector.broadcast %and3A_1485 : i32 to vector<16xi32>
      %and3A_1487 = arith.andi %shift_right_logical3A_1484, %and3A_1486 : vector<16xi32>
      tpu.vector_store_idx %arg6[%and3A_1487, %shift_right_logical3A_1481], %broadcast_in_dim3A_2 {add = true} : memref<48x16xf32, #tpu.memory_space<vmem>>[vector<16xi32>, vector<16xi32>], vector<16xf32>,
      %mul3A_1488 = arith.mulf %get3A_1465, %get3A_1465 : vector<16xf32>
      %add3A_1489 = arith.addf %scan3A_1461, %mul3A_1488 : vector<16xf32>
      %scan3A_1490 = arith.constant 1 : i32
      %scan3A_1491 = arith.addi %scan3A_1460, %scan3A_1490 : i32
      %mul3A_1492 = arith.constant 16 : i32
      %mul3A_1493 = arith.muli %scan3A_1491, %mul3A_1492 : i32
      %get3A_1494 = arith.index_cast %mul3A_1493 : i32 to index
      %get3A_1495 = tpu.vector_load %arg4[%get3A_1494] {strides = array<i32>} : memref<2048xf32, #tpu.memory_space<vmem>>, vector<16xf32>,
      %bitcast_convert_type3A_1496 = tpu.bitcast %get3A_1495 : vector<16xf32> -> vector<16xi32>
      %shift_right_logical3A_1497 = arith.constant 31 : i32
      %shift_right_logical3A_1498 = vector.broadcast %shift_right_logical3A_1497 : i32 to vector<16xi32>
      %shift_right_logical3A_1499 = arith.shrui %bitcast_convert_type3A_1496, %shift_right_logical3A_1498 : vector<16xi32>
      %eq3A_1500 = arith.constant 0 : i32
      %eq3A_1501 = vector.broadcast %eq3A_1500 : i32 to vector<16xi32>
      %eq3A_1502 = arith.cmpi eq, %shift_right_logical3A_1499, %eq3A_1501 : vector<16xi32>
      %or3A_1503 = arith.constant -2147483648 : i32
      %or3A_1504 = vector.broadcast %or3A_1503 : i32 to vector<16xi32>
      %or3A_1505 = arith.ori %bitcast_convert_type3A_1496, %or3A_1504 : vector<16xi32>
      %not3A_1506 = arith.constant dense<-1> : vector<16xi32>
      %not3A_1507 = arith.xori %bitcast_convert_type3A_1496, %not3A_1506 : vector<16xi32>
      %select_n3A_1508 = arith.select %eq3A_1502, %or3A_1505, %not3A_1507 : vector<16xi1>, vector<16xi32>
      %shift_right_logical3A_1509 = arith.constant 28 : i32
      %shift_right_logical3A_1510 = vector.broadcast %shift_right_logical3A_1509 : i32 to vector<16xi32>
      %shift_right_logical3A_1511 = arith.shrui %select_n3A_1508, %shift_right_logical3A_1510 : vector<16xi32>
      %shift_right_logical3A_1512 = arith.constant 24 : i32
      %shift_right_logical3A_1513 = vector.broadcast %shift_right_logical3A_1512 : i32 to vector<16xi32>
      %shift_right_logical3A_1514 = arith.shrui %select_n3A_1508, %shift_right_logical3A_1513 : vector<16xi32>
      %and3A_1515 = arith.constant 15 : i32
      %and3A_1516 = vector.broadcast %and3A_1515 : i32 to vector<16xi32>
      %and3A_1517 = arith.andi %shift_right_logical3A_1514, %and3A_1516 : vector<16xi32>
      tpu.vector_store_idx %arg6[%and3A_1517, %shift_right_logical3A_1511], %broadcast_in_dim3A_2 {add = true} : memref<48x16xf32, #tpu.memory_space<vmem>>[vector<16xi32>, vector<16xi32>], vector<16xf32>,
      %mul3A_1518 = arith.mulf %get3A_1495, %get3A_1495 : vector<16xf32>
      %add3A_1519 = arith.addf %add3A_1489, %mul3A_1518 : vector<16xf32>
      %scan3A_1520 = arith.constant 2 : i32
      %scan3A_1521 = arith.addi %scan3A_1460, %scan3A_1520 : i32
      %mul3A_1522 = arith.constant 16 : i32
      %mul3A_1523 = arith.muli %scan3A_1521, %mul3A_1522 : i32
      %get3A_1524 = arith.index_cast %mul3A_1523 : i32 to index
      %get3A_1525 = tpu.vector_load %arg4[%get3A_1524] {strides = array<i32>} : memref<2048xf32, #tpu.memory_space<vmem>>, vector<16xf32>,
      %bitcast_convert_type3A_1526 = tpu.bitcast %get3A_1525 : vector<16xf32> -> vector<16xi32>
      %shift_right_logical3A_1527 = arith.constant 31 : i32
      %shift_right_logical3A_1528 = vector.broadcast %shift_right_logical3A_1527 : i32 to vector<16xi32>
      %shift_right_logical3A_1529 = arith.shrui %bitcast_convert_type3A_1526, %shift_right_logical3A_1528 : vector<16xi32>
      %eq3A_1530 = arith.constant 0 : i32
      %eq3A_1531 = vector.broadcast %eq3A_1530 : i32 to vector<16xi32>
      %eq3A_1532 = arith.cmpi eq, %shift_right_logical3A_1529, %eq3A_1531 : vector<16xi32>
      %or3A_1533 = arith.constant -2147483648 : i32
      %or3A_1534 = vector.broadcast %or3A_1533 : i32 to vector<16xi32>
      %or3A_1535 = arith.ori %bitcast_convert_type3A_1526, %or3A_1534 : vector<16xi32>
      %not3A_1536 = arith.constant dense<-1> : vector<16xi32>
      %not3A_1537 = arith.xori %bitcast_convert_type3A_1526, %not3A_1536 : vector<16xi32>
      %select_n3A_1538 = arith.select %eq3A_1532, %or3A_1535, %not3A_1537 : vector<16xi1>, vector<16xi32>
      %shift_right_logical3A_1539 = arith.constant 28 : i32
      %shift_right_logical3A_1540 = vector.broadcast %shift_right_logical3A_1539 : i32 to vector<16xi32>
      %shift_right_logical3A_1541 = arith.shrui %select_n3A_1538, %shift_right_logical3A_1540 : vector<16xi32>
      %shift_right_logical3A_1542 = arith.constant 24 : i32
      %shift_right_logical3A_1543 = vector.broadcast %shift_right_logical3A_1542 : i32 to vector<16xi32>
      %shift_right_logical3A_1544 = arith.shrui %select_n3A_1538, %shift_right_logical3A_1543 : vector<16xi32>
      %and3A_1545 = arith.constant 15 : i32
      %and3A_1546 = vector.broadcast %and3A_1545 : i32 to vector<16xi32>
      %and3A_1547 = arith.andi %shift_right_logical3A_1544, %and3A_1546 : vector<16xi32>
      tpu.vector_store_idx %arg6[%and3A_1547, %shift_right_logical3A_1541], %broadcast_in_dim3A_2 {add = true} : memref<48x16xf32, #tpu.memory_space<vmem>>[vector<16xi32>, vector<16xi32>], vector<16xf32>,
      %mul3A_1548 = arith.mulf %get3A_1525, %get3A_1525 : vector<16xf32>
      %add3A_1549 = arith.addf %add3A_1519, %mul3A_1548 : vector<16xf32>
      %scan3A_1550 = arith.constant 3 : i32
      %scan3A_1551 = arith.addi %scan3A_1460, %scan3A_1550 : i32
      %mul3A_1552 = arith.constant 16 : i32
      %mul3A_1553 = arith.muli %scan3A_1551, %mul3A_1552 : i32
      %get3A_1554 = arith.index_cast %mul3A_1553 : i32 to index
      %get3A_1555 = tpu.vector_load %arg4[%get3A_1554] {strides = array<i32>} : memref<2048xf32, #tpu.memory_space<vmem>>, vector<16xf32>,
      %bitcast_convert_type3A_1556 = tpu.bitcast %get3A_1555 : vector<16xf32> -> vector<16xi32>
      %shift_right_logical3A_1557 = arith.constant 31 : i32
      %shift_right_logical3A_1558 = vector.broadcast %shift_right_logical3A_1557 : i32 to vector<16xi32>
      %shift_right_logical3A_1559 = arith.shrui %bitcast_convert_type3A_1556, %shift_right_logical3A_1558 : vector<16xi32>
      %eq3A_1560 = arith.constant 0 : i32
      %eq3A_1561 = vector.broadcast %eq3A_1560 : i32 to vector<16xi32>
      %eq3A_1562 = arith.cmpi eq, %shift_right_logical3A_1559, %eq3A_1561 : vector<16xi32>
      %or3A_1563 = arith.constant -2147483648 : i32
      %or3A_1564 = vector.broadcast %or3A_1563 : i32 to vector<16xi32>
      %or3A_1565 = arith.ori %bitcast_convert_type3A_1556, %or3A_1564 : vector<16xi32>
      %not3A_1566 = arith.constant dense<-1> : vector<16xi32>
      %not3A_1567 = arith.xori %bitcast_convert_type3A_1556, %not3A_1566 : vector<16xi32>
      %select_n3A_1568 = arith.select %eq3A_1562, %or3A_1565, %not3A_1567 : vector<16xi1>, vector<16xi32>
      %shift_right_logical3A_1569 = arith.constant 28 : i32
      %shift_right_logical3A_1570 = vector.broadcast %shift_right_logical3A_1569 : i32 to vector<16xi32>
      %shift_right_logical3A_1571 = arith.shrui %select_n3A_1568, %shift_right_logical3A_1570 : vector<16xi32>
      %shift_right_logical3A_1572 = arith.constant 24 : i32
      %shift_right_logical3A_1573 = vector.broadcast %shift_right_logical3A_1572 : i32 to vector<16xi32>
      %shift_right_logical3A_1574 = arith.shrui %select_n3A_1568, %shift_right_logical3A_1573 : vector<16xi32>
      %and3A_1575 = arith.constant 15 : i32
      %and3A_1576 = vector.broadcast %and3A_1575 : i32 to vector<16xi32>
      %and3A_1577 = arith.andi %shift_right_logical3A_1574, %and3A_1576 : vector<16xi32>
      tpu.vector_store_idx %arg6[%and3A_1577, %shift_right_logical3A_1571], %broadcast_in_dim3A_2 {add = true} : memref<48x16xf32, #tpu.memory_space<vmem>>[vector<16xi32>, vector<16xi32>], vector<16xf32>,
      %mul3A_1578 = arith.mulf %get3A_1555, %get3A_1555 : vector<16xf32>
      %add3A_1579 = arith.addf %add3A_1549, %mul3A_1578 : vector<16xf32>
      scf.yield %add3A_1579 : vector<16xf32>
    }
    %scan3A_395 = arith.constant 128 : i32
    %swap3A_396 = arith.constant 32 : i32
    "tpu.trace_stop"() : () -> ()
    %swap3A_397 = arith.index_cast %swap3A_396 : i32 to index
    %swap3A_398 = arith.constant 0 : index
    %swap3A_399 = tpu.vector_load %arg6[%swap3A_397, %swap3A_398] {strides = array<i32>} : memref<48x16xf32, #tpu.memory_space<vmem>>, vector<16xf32>,
    tpu.vector_store %arg6[%swap3A_397, %swap3A_398], %scan3A_394 {strides = array<i32>} : memref<48x16xf32, #tpu.memory_space<vmem>>, vector<16xf32>,
    "tpu.trace_start"() <{level = 10 : i32, message = "ph_merge0"}> : () -> ()
    %barrier3A = arith.constant 0 : index
    tpu.barrier barrier_id(%barrier3A)
    "tpu.region"() ({
      %run_scoped3A = tpu.sem_alloc : memref<!tpu.dma_semaphore, #tpu.memory_space<semaphore_mem>>
      %dma_start3A_1460 = arith.constant 0 : i32
      %dma_start3A_1461 = arith.constant 0 : i32
      %dma_start3A_1462 = tpu.memref_slice %arg6[%dma_start3A_1460, %dma_start3A_1461] : memref<48x16xf32, #tpu.memory_space<vmem>> -> memref<16x16xf32, #tpu.memory_space<vmem>>
      %dma_start3A_1463 = arith.constant 0 : i32
      %dma_start3A_1464 = arith.constant 0 : i32
      %dma_start3A_1465 = tpu.memref_slice %arg11[%dma_start3A_1463, %dma_start3A_1464] : memref<48x16xf32, #tpu.memory_space<vmem_shared>> -> memref<48x16xf32, #tpu.memory_space<vmem_shared>>
      tpu.enqueue_indirect_dma source(%dma_start3A_1462 : memref<16x16xf32, #tpu.memory_space<vmem>>) target(%dma_start3A_1465 : memref<48x16xf32, #tpu.memory_space<vmem_shared>>) offsets(%iota3A : vector<16xi32>) semaphore(%run_scoped3A : memref<!tpu.dma_semaphore, #tpu.memory_space<semaphore_mem>>) {add = true}
      %dma_wait3A_1466 = arith.constant 0 : i32
      %dma_wait3A_1467 = arith.constant 0 : i32
      %dma_wait3A_1468 = tpu.memref_slice %arg6[%dma_wait3A_1466, %dma_wait3A_1467] : memref<48x16xf32, #tpu.memory_space<vmem>> -> memref<16x16xf32, #tpu.memory_space<vmem>>
      %dma_wait3A_1469 = arith.constant 0 : i32
      %dma_wait3A_1470 = arith.constant 0 : i32
      %dma_wait3A_1471 = tpu.memref_slice %arg11[%dma_wait3A_1469, %dma_wait3A_1470] : memref<48x16xf32, #tpu.memory_space<vmem_shared>> -> memref<48x16xf32, #tpu.memory_space<vmem_shared>>
      tpu.wait_indirect_dma semaphore(%run_scoped3A : memref<!tpu.dma_semaphore, #tpu.memory_space<semaphore_mem>>) src(%dma_wait3A_1468 : memref<16x16xf32, #tpu.memory_space<vmem>>) dst(%dma_wait3A_1471 : memref<48x16xf32, #tpu.memory_space<vmem_shared>>)
      tpu.yield
    }) : () -> ()
    %add3A = arith.constant 32 : i32
    %add3A_400 = vector.broadcast %add3A : i32 to vector<16xi32>
    %add3A_401 = arith.addi %iota3A, %add3A_400 : vector<16xi32>
    "tpu.region"() ({
      %run_scoped3A = tpu.sem_alloc : memref<!tpu.dma_semaphore, #tpu.memory_space<semaphore_mem>>
      %dma_start3A_1460 = arith.constant 32 : i32
      %dma_start3A_1461 = arith.constant 0 : i32
      %dma_start3A_1462 = tpu.memref_slice %arg6[%dma_start3A_1460, %dma_start3A_1461] : memref<48x16xf32, #tpu.memory_space<vmem>> -> memref<16x16xf32, #tpu.memory_space<vmem>>
      %dma_start3A_1463 = arith.constant 0 : i32
      %dma_start3A_1464 = arith.constant 0 : i32
      %dma_start3A_1465 = tpu.memref_slice %arg11[%dma_start3A_1463, %dma_start3A_1464] : memref<48x16xf32, #tpu.memory_space<vmem_shared>> -> memref<48x16xf32, #tpu.memory_space<vmem_shared>>
      tpu.enqueue_indirect_dma source(%dma_start3A_1462 : memref<16x16xf32, #tpu.memory_space<vmem>>) target(%dma_start3A_1465 : memref<48x16xf32, #tpu.memory_space<vmem_shared>>) offsets(%add3A_401 : vector<16xi32>) semaphore(%run_scoped3A : memref<!tpu.dma_semaphore, #tpu.memory_space<semaphore_mem>>) {add = true}
      %dma_wait3A_1466 = arith.constant 32 : i32
      %dma_wait3A_1467 = arith.constant 0 : i32
      %dma_wait3A_1468 = tpu.memref_slice %arg6[%dma_wait3A_1466, %dma_wait3A_1467] : memref<48x16xf32, #tpu.memory_space<vmem>> -> memref<16x16xf32, #tpu.memory_space<vmem>>
      %dma_wait3A_1469 = arith.constant 0 : i32
      %dma_wait3A_1470 = arith.constant 0 : i32
      %dma_wait3A_1471 = tpu.memref_slice %arg11[%dma_wait3A_1469, %dma_wait3A_1470] : memref<48x16xf32, #tpu.memory_space<vmem_shared>> -> memref<48x16xf32, #tpu.memory_space<vmem_shared>>
      tpu.wait_indirect_dma semaphore(%run_scoped3A : memref<!tpu.dma_semaphore, #tpu.memory_space<semaphore_mem>>) src(%dma_wait3A_1468 : memref<16x16xf32, #tpu.memory_space<vmem>>) dst(%dma_wait3A_1471 : memref<48x16xf32, #tpu.memory_space<vmem_shared>>)
      tpu.yield
    }) : () -> ()
    %barrier3A_402 = arith.constant 0 : index
    tpu.barrier barrier_id(%barrier3A_402)
    "tpu.region"() ({
      %run_scoped3A = tpu.sem_alloc : memref<!tpu.dma_semaphore, #tpu.memory_space<semaphore_mem>>
      tpu.enqueue_dma source(%arg11 : memref<48x16xf32, #tpu.memory_space<vmem_shared>>) target(%arg7 : memref<48x16xf32, #tpu.memory_space<vmem>>) target_semaphore(%run_scoped3A : memref<!tpu.dma_semaphore, #tpu.memory_space<semaphore_mem>>)
      tpu.wait_dma2 semaphore(%run_scoped3A : memref<!tpu.dma_semaphore, #tpu.memory_space<semaphore_mem>>) src(%arg11 : memref<48x16xf32, #tpu.memory_space<vmem_shared>>) dst(%arg7 : memref<48x16xf32, #tpu.memory_space<vmem>>)
      tpu.yield
    }) : () -> ()
    %broadcast_in_dim3A_403 = arith.constant 6.550000e+02 : f32
    "tpu.trace_stop"() : () -> ()
    %broadcast_in_dim3A_404 = vector.broadcast %broadcast_in_dim3A_403 : f32 to vector<16xf32>
    %get3A = arith.constant 0 : i32
    "tpu.trace_start"() <{level = 10 : i32, message = "ph_scan0"}> : () -> ()
    %get3A_405 = arith.index_cast %get3A : i32 to index
    %get3A_406 = arith.constant 0 : index
    %get3A_407 = tpu.vector_load %arg7[%get3A_405, %get3A_406] {strides = array<i32>} : memref<48x16xf32, #tpu.memory_space<vmem>>, vector<16xf32>,
    %add3A_408 = arith.addf %broadcast_in_dim3A_0, %get3A_407 : vector<16xf32>
    %get3A_409 = arith.constant 1 : i32
    %get3A_410 = arith.index_cast %get3A_409 : i32 to index
    %get3A_411 = arith.constant 0 : index
    %get3A_412 = tpu.vector_load %arg7[%get3A_410, %get3A_411] {strides = array<i32>} : memref<48x16xf32, #tpu.memory_space<vmem>>, vector<16xf32>,
    %add3A_413 = arith.addf %add3A_408, %get3A_412 : vector<16xf32>
    %get3A_414 = arith.constant 2 : i32
    %get3A_415 = arith.index_cast %get3A_414 : i32 to index
    %get3A_416 = arith.constant 0 : index
    %get3A_417 = tpu.vector_load %arg7[%get3A_415, %get3A_416] {strides = array<i32>} : memref<48x16xf32, #tpu.memory_space<vmem>>, vector<16xf32>,
    %add3A_418 = arith.addf %add3A_413, %get3A_417 : vector<16xf32>
    %get3A_419 = arith.constant 3 : i32
    %get3A_420 = arith.index_cast %get3A_419 : i32 to index
    %get3A_421 = arith.constant 0 : index
    %get3A_422 = tpu.vector_load %arg7[%get3A_420, %get3A_421] {strides = array<i32>} : memref<48x16xf32, #tpu.memory_space<vmem>>, vector<16xf32>,
    %add3A_423 = arith.addf %add3A_418, %get3A_422 : vector<16xf32>
    %get3A_424 = arith.constant 4 : i32
    %get3A_425 = arith.index_cast %get3A_424 : i32 to index
    %get3A_426 = arith.constant 0 : index
    %get3A_427 = tpu.vector_load %arg7[%get3A_425, %get3A_426] {strides = array<i32>} : memref<48x16xf32, #tpu.memory_space<vmem>>, vector<16xf32>,
    %add3A_428 = arith.addf %add3A_423, %get3A_427 : vector<16xf32>
    %get3A_429 = arith.constant 5 : i32
    %get3A_430 = arith.index_cast %get3A_429 : i32 to index
    %get3A_431 = arith.constant 0 : index
    %get3A_432 = tpu.vector_load %arg7[%get3A_430, %get3A_431] {strides = array<i32>} : memref<48x16xf32, #tpu.memory_space<vmem>>, vector<16xf32>,
    %add3A_433 = arith.addf %add3A_428, %get3A_432 : vector<16xf32>
    %get3A_434 = arith.constant 6 : i32
    %get3A_435 = arith.index_cast %get3A_434 : i32 to index
    %get3A_436 = arith.constant 0 : index
    %get3A_437 = tpu.vector_load %arg7[%get3A_435, %get3A_436] {strides = array<i32>} : memref<48x16xf32, #tpu.memory_space<vmem>>, vector<16xf32>,
    %add3A_438 = arith.addf %add3A_433, %get3A_437 : vector<16xf32>
    %get3A_439 = arith.constant 7 : i32
    %get3A_440 = arith.index_cast %get3A_439 : i32 to index
    %get3A_441 = arith.constant 0 : index
    %get3A_442 = tpu.vector_load %arg7[%get3A_440, %get3A_441] {strides = array<i32>} : memref<48x16xf32, #tpu.memory_space<vmem>>, vector<16xf32>,
    %add3A_443 = arith.addf %add3A_438, %get3A_442 : vector<16xf32>
    %get3A_444 = arith.constant 8 : i32
    %get3A_445 = arith.index_cast %get3A_444 : i32 to index
    %get3A_446 = arith.constant 0 : index
    %get3A_447 = tpu.vector_load %arg7[%get3A_445, %get3A_446] {strides = array<i32>} : memref<48x16xf32, #tpu.memory_space<vmem>>, vector<16xf32>,
    %add3A_448 = arith.addf %add3A_443, %get3A_447 : vector<16xf32>
    %get3A_449 = arith.constant 9 : i32
    %get3A_450 = arith.index_cast %get3A_449 : i32 to index
    %get3A_451 = arith.constant 0 : index
    %get3A_452 = tpu.vector_load %arg7[%get3A_450, %get3A_451] {strides = array<i32>} : memref<48x16xf32, #tpu.memory_space<vmem>>, vector<16xf32>,
    %add3A_453 = arith.addf %add3A_448, %get3A_452 : vector<16xf32>
    %get3A_454 = arith.constant 10 : i32
    %get3A_455 = arith.index_cast %get3A_454 : i32 to index
    %get3A_456 = arith.constant 0 : index
    %get3A_457 = tpu.vector_load %arg7[%get3A_455, %get3A_456] {strides = array<i32>} : memref<48x16xf32, #tpu.memory_space<vmem>>, vector<16xf32>,
    %add3A_458 = arith.addf %add3A_453, %get3A_457 : vector<16xf32>
    %get3A_459 = arith.constant 11 : i32
    %get3A_460 = arith.index_cast %get3A_459 : i32 to index
    %get3A_461 = arith.constant 0 : index
    %get3A_462 = tpu.vector_load %arg7[%get3A_460, %get3A_461] {strides = array<i32>} : memref<48x16xf32, #tpu.memory_space<vmem>>, vector<16xf32>,
    %add3A_463 = arith.addf %add3A_458, %get3A_462 : vector<16xf32>
    %get3A_464 = arith.constant 12 : i32
    %get3A_465 = arith.index_cast %get3A_464 : i32 to index
    %get3A_466 = arith.constant 0 : index
    %get3A_467 = tpu.vector_load %arg7[%get3A_465, %get3A_466] {strides = array<i32>} : memref<48x16xf32, #tpu.memory_space<vmem>>, vector<16xf32>,
    %add3A_468 = arith.addf %add3A_463, %get3A_467 : vector<16xf32>
    %get3A_469 = arith.constant 13 : i32
    %get3A_470 = arith.index_cast %get3A_469 : i32 to index
    %get3A_471 = arith.constant 0 : index
    %get3A_472 = tpu.vector_load %arg7[%get3A_470, %get3A_471] {strides = array<i32>} : memref<48x16xf32, #tpu.memory_space<vmem>>, vector<16xf32>,
    %add3A_473 = arith.addf %add3A_468, %get3A_472 : vector<16xf32>
    %get3A_474 = arith.constant 14 : i32
    %get3A_475 = arith.index_cast %get3A_474 : i32 to index
    %get3A_476 = arith.constant 0 : index
    %get3A_477 = tpu.vector_load %arg7[%get3A_475, %get3A_476] {strides = array<i32>} : memref<48x16xf32, #tpu.memory_space<vmem>>, vector<16xf32>,
    %add3A_478 = arith.addf %add3A_473, %get3A_477 : vector<16xf32>
    %get3A_479 = arith.constant 15 : i32
    %get3A_480 = arith.index_cast %get3A_479 : i32 to index
    %get3A_481 = arith.constant 0 : index
    %get3A_482 = tpu.vector_load %arg7[%get3A_480, %get3A_481] {strides = array<i32>} : memref<48x16xf32, #tpu.memory_space<vmem>>, vector<16xf32>,
    %add3A_483 = arith.addf %add3A_478, %get3A_482 : vector<16xf32>
    %rev3A = arith.constant 15 : i32
    %rev3A_484 = vector.broadcast %rev3A : i32 to vector<16xi32>
    %rev3A_485 = tpu.iota {dimensions = array<i32: 0>} : vector<16xi32>
    %rev3A_486 = arith.subi %rev3A_484, %rev3A_485 : vector<16xi32>
    %rev3A_487 = tpu.dynamic_gather %add3A_483[%rev3A_486] in [0] : vector<16xf32>, vector<16xi32> -> vector<16xf32>
    %broadcast_in_dim3A_488 = arith.constant true
    %broadcast_in_dim3A_489 = vector.broadcast %broadcast_in_dim3A_488 : i1 to vector<16xi1>
    %masked_cumsum3A = tpu.scan <sum>, %rev3A_487 masked %broadcast_in_dim3A_489 : vector<16xf32>, vector<16xi1> -> vector<16xf32>
    %rev3A_490 = arith.constant 15 : i32
    %rev3A_491 = vector.broadcast %rev3A_490 : i32 to vector<16xi32>
    %rev3A_492 = tpu.iota {dimensions = array<i32: 0>} : vector<16xi32>
    %rev3A_493 = arith.subi %rev3A_491, %rev3A_492 : vector<16xi32>
    %rev3A_494 = tpu.dynamic_gather %masked_cumsum3A[%rev3A_493] in [0] : vector<16xf32>, vector<16xi32> -> vector<16xf32>
    %ge3A = arith.cmpf oge, %rev3A_494, %broadcast_in_dim3A_404 : vector<16xf32>
    %all_reduce_population_count3A = tpu.all_reduce %ge3A {dim = 0 : i64, kind = #tpu.reduction_kind<sum>} : vector<16xi1> -> vector<16xi32>
    %sub3A = arith.constant 1 : i32
    %sub3A_495 = vector.broadcast %sub3A : i32 to vector<16xi32>
    %sub3A_496 = arith.subi %all_reduce_population_count3A, %sub3A_495 : vector<16xi32>
    %gt3A = arith.cmpi sgt, %iota3A, %sub3A_496 : vector<16xi32>
    %select_n3A = arith.select %gt3A, %add3A_483, %broadcast_in_dim3A_0 : vector<16xi1>, vector<16xf32>
    %reduce_sum3A = arith.constant true
    %reduce_sum3A_497 = vector.broadcast %reduce_sum3A : i1 to vector<16xi1>
    %reduce_sum3A_498 = tpu.scan <sum>, %select_n3A masked %reduce_sum3A_497 : vector<16xf32>, vector<16xi1> -> vector<16xf32>
    %reduce_sum3A_499 = vector.extract %reduce_sum3A_498[15] : f32 from vector<16xf32>
    %gather3A = tpu.vector_load_idx %arg7[%iota3A, %sub3A_496] : memref<48x16xf32, #tpu.memory_space<vmem>>[vector<16xi32>, vector<16xi32>], vector<16xf32>,
    %rev3A_500 = arith.constant 15 : i32
    %rev3A_501 = vector.broadcast %rev3A_500 : i32 to vector<16xi32>
    %rev3A_502 = tpu.iota {dimensions = array<i32: 0>} : vector<16xi32>
    %rev3A_503 = arith.subi %rev3A_501, %rev3A_502 : vector<16xi32>
    %rev3A_504 = tpu.dynamic_gather %gather3A[%rev3A_503] in [0] : vector<16xf32>, vector<16xi32> -> vector<16xf32>
    %broadcast_in_dim3A_505 = arith.constant true
    %broadcast_in_dim3A_506 = vector.broadcast %broadcast_in_dim3A_505 : i1 to vector<16xi1>
    %masked_cumsum3A_507 = tpu.scan <sum>, %rev3A_504 masked %broadcast_in_dim3A_506 : vector<16xf32>, vector<16xi1> -> vector<16xf32>
    %rev3A_508 = arith.constant 15 : i32
    %rev3A_509 = vector.broadcast %rev3A_508 : i32 to vector<16xi32>
    %rev3A_510 = tpu.iota {dimensions = array<i32: 0>} : vector<16xi32>
    %rev3A_511 = arith.subi %rev3A_509, %rev3A_510 : vector<16xi32>
    %rev3A_512 = tpu.dynamic_gather %masked_cumsum3A_507[%rev3A_511] in [0] : vector<16xf32>, vector<16xi32> -> vector<16xf32>
    %broadcast_in_dim3A_513 = vector.broadcast %reduce_sum3A_499 : f32 to vector<16xf32>
    %add3A_514 = arith.addf %rev3A_512, %broadcast_in_dim3A_513 : vector<16xf32>
    %ge3A_515 = arith.cmpf oge, %add3A_514, %broadcast_in_dim3A_404 : vector<16xf32>
    %all_reduce_population_count3A_516 = tpu.all_reduce %ge3A_515 {dim = 0 : i64, kind = #tpu.reduction_kind<sum>} : vector<16xi1> -> vector<16xi32>
    %sub3A_517 = arith.constant 1 : i32
    %sub3A_518 = vector.broadcast %sub3A_517 : i32 to vector<16xi32>
    %sub3A_519 = arith.subi %all_reduce_population_count3A_516, %sub3A_518 : vector<16xi32>
    %gt3A_520 = arith.cmpi sgt, %iota3A, %sub3A_519 : vector<16xi32>
    %select_n3A_521 = arith.select %gt3A_520, %gather3A, %broadcast_in_dim3A_0 : vector<16xi1>, vector<16xf32>
    %reduce_sum3A_522 = arith.constant true
    %reduce_sum3A_523 = vector.broadcast %reduce_sum3A_522 : i1 to vector<16xi1>
    %reduce_sum3A_524 = tpu.scan <sum>, %select_n3A_521 masked %reduce_sum3A_523 : vector<16xf32>, vector<16xi1> -> vector<16xf32>
    %reduce_sum3A_525 = vector.extract %reduce_sum3A_524[15] : f32 from vector<16xf32>
    %add3A_526 = arith.addf %reduce_sum3A_525, %reduce_sum3A_499 : f32
    %mul3A_527 = arith.constant 16 : i32
    %mul3A_528 = vector.broadcast %mul3A_527 : i32 to vector<16xi32>
    %mul3A_529 = arith.muli %sub3A_496, %mul3A_528 : vector<16xi32>
    %add3A_530 = arith.addi %mul3A_529, %sub3A_519 : vector<16xi32>
    %broadcast_in_dim3A_531 = vector.broadcast %add3A_526 : f32 to vector<16xf32>
    "tpu.trace_stop"() : () -> ()
    %sub3A_532 = arith.subf %broadcast_in_dim3A_404, %broadcast_in_dim3A_531 : vector<16xf32>
    %reduce_max3A = arith.constant true
    %reduce_max3A_533 = vector.broadcast %reduce_max3A : i1 to vector<16xi1>
    %reduce_max3A_534 = tpu.scan <max>, %broadcast_in_dim3A_531 masked %reduce_max3A_533 : vector<16xf32>, vector<16xi1> -> vector<16xf32>
    %reduce_max3A_535 = vector.extract %reduce_max3A_534[15] : f32 from vector<16xf32>
    %shift_left3A = arith.constant 24 : i32
    %shift_left3A_536 = vector.broadcast %shift_left3A : i32 to vector<16xi32>
    %shift_left3A_537 = arith.shli %add3A_530, %shift_left3A_536 : vector<16xi32>
    %get3A_538 = arith.constant 32 : i32
    %get3A_539 = arith.index_cast %get3A_538 : i32 to index
    %get3A_540 = arith.constant 0 : index
    %get3A_541 = tpu.vector_load %arg7[%get3A_539, %get3A_540] {strides = array<i32>} : memref<48x16xf32, #tpu.memory_space<vmem>>, vector<16xf32>,
    %reduce_sum3A_542 = arith.constant true
    %reduce_sum3A_543 = vector.broadcast %reduce_sum3A_542 : i1 to vector<16xi1>
    %reduce_sum3A_544 = tpu.scan <sum>, %get3A_541 masked %reduce_sum3A_543 : vector<16xf32>, vector<16xi1> -> vector<16xf32>
    %reduce_sum3A_545 = vector.extract %reduce_sum3A_544[15] : f32 from vector<16xf32>
    %swap3A_546 = arith.constant 0 : i32
    %swap3A_547 = arith.index_cast %swap3A_546 : i32 to index
    %swap3A_548 = arith.constant 0 : index
    %swap3A_549 = tpu.vector_load %arg6[%swap3A_547, %swap3A_548] {strides = array<i32>} : memref<48x16xf32, #tpu.memory_space<vmem>>, vector<16xf32>,
    tpu.vector_store %arg6[%swap3A_547, %swap3A_548], %broadcast_in_dim3A_0 {strides = array<i32>} : memref<48x16xf32, #tpu.memory_space<vmem>>, vector<16xf32>,
    %swap3A_550 = arith.constant 1 : i32
    %swap3A_551 = arith.index_cast %swap3A_550 : i32 to index
    %swap3A_552 = arith.constant 0 : index
    %swap3A_553 = tpu.vector_load %arg6[%swap3A_551, %swap3A_552] {strides = array<i32>} : memref<48x16xf32, #tpu.memory_space<vmem>>, vector<16xf32>,
    tpu.vector_store %arg6[%swap3A_551, %swap3A_552], %broadcast_in_dim3A_0 {strides = array<i32>} : memref<48x16xf32, #tpu.memory_space<vmem>>, vector<16xf32>,
    %swap3A_554 = arith.constant 2 : i32
    %swap3A_555 = arith.index_cast %swap3A_554 : i32 to index
    %swap3A_556 = arith.constant 0 : index
    %swap3A_557 = tpu.vector_load %arg6[%swap3A_555, %swap3A_556] {strides = array<i32>} : memref<48x16xf32, #tpu.memory_space<vmem>>, vector<16xf32>,
    tpu.vector_store %arg6[%swap3A_555, %swap3A_556], %broadcast_in_dim3A_0 {strides = array<i32>} : memref<48x16xf32, #tpu.memory_space<vmem>>, vector<16xf32>,
    %swap3A_558 = arith.constant 3 : i32
    %swap3A_559 = arith.index_cast %swap3A_558 : i32 to index
    %swap3A_560 = arith.constant 0 : index
    %swap3A_561 = tpu.vector_load %arg6[%swap3A_559, %swap3A_560] {strides = array<i32>} : memref<48x16xf32, #tpu.memory_space<vmem>>, vector<16xf32>,
    tpu.vector_store %arg6[%swap3A_559, %swap3A_560], %broadcast_in_dim3A_0 {strides = array<i32>} : memref<48x16xf32, #tpu.memory_space<vmem>>, vector<16xf32>,
    %swap3A_562 = arith.constant 4 : i32
    %swap3A_563 = arith.index_cast %swap3A_562 : i32 to index
    %swap3A_564 = arith.constant 0 : index
    %swap3A_565 = tpu.vector_load %arg6[%swap3A_563, %swap3A_564] {strides = array<i32>} : memref<48x16xf32, #tpu.memory_space<vmem>>, vector<16xf32>,
    tpu.vector_store %arg6[%swap3A_563, %swap3A_564], %broadcast_in_dim3A_0 {strides = array<i32>} : memref<48x16xf32, #tpu.memory_space<vmem>>, vector<16xf32>,
    %swap3A_566 = arith.constant 5 : i32
    %swap3A_567 = arith.index_cast %swap3A_566 : i32 to index
    %swap3A_568 = arith.constant 0 : index
    %swap3A_569 = tpu.vector_load %arg6[%swap3A_567, %swap3A_568] {strides = array<i32>} : memref<48x16xf32, #tpu.memory_space<vmem>>, vector<16xf32>,
    tpu.vector_store %arg6[%swap3A_567, %swap3A_568], %broadcast_in_dim3A_0 {strides = array<i32>} : memref<48x16xf32, #tpu.memory_space<vmem>>, vector<16xf32>,
    %swap3A_570 = arith.constant 6 : i32
    %swap3A_571 = arith.index_cast %swap3A_570 : i32 to index
    %swap3A_572 = arith.constant 0 : index
    %swap3A_573 = tpu.vector_load %arg6[%swap3A_571, %swap3A_572] {strides = array<i32>} : memref<48x16xf32, #tpu.memory_space<vmem>>, vector<16xf32>,
    tpu.vector_store %arg6[%swap3A_571, %swap3A_572], %broadcast_in_dim3A_0 {strides = array<i32>} : memref<48x16xf32, #tpu.memory_space<vmem>>, vector<16xf32>,
    %swap3A_574 = arith.constant 7 : i32
    %swap3A_575 = arith.index_cast %swap3A_574 : i32 to index
    %swap3A_576 = arith.constant 0 : index
    %swap3A_577 = tpu.vector_load %arg6[%swap3A_575, %swap3A_576] {strides = array<i32>} : memref<48x16xf32, #tpu.memory_space<vmem>>, vector<16xf32>,
    tpu.vector_store %arg6[%swap3A_575, %swap3A_576], %broadcast_in_dim3A_0 {strides = array<i32>} : memref<48x16xf32, #tpu.memory_space<vmem>>, vector<16xf32>,
    %swap3A_578 = arith.constant 8 : i32
    %swap3A_579 = arith.index_cast %swap3A_578 : i32 to index
    %swap3A_580 = arith.constant 0 : index
    %swap3A_581 = tpu.vector_load %arg6[%swap3A_579, %swap3A_580] {strides = array<i32>} : memref<48x16xf32, #tpu.memory_space<vmem>>, vector<16xf32>,
    tpu.vector_store %arg6[%swap3A_579, %swap3A_580], %broadcast_in_dim3A_0 {strides = array<i32>} : memref<48x16xf32, #tpu.memory_space<vmem>>, vector<16xf32>,
    %swap3A_582 = arith.constant 9 : i32
    %swap3A_583 = arith.index_cast %swap3A_582 : i32 to index
    %swap3A_584 = arith.constant 0 : index
    %swap3A_585 = tpu.vector_load %arg6[%swap3A_583, %swap3A_584] {strides = array<i32>} : memref<48x16xf32, #tpu.memory_space<vmem>>, vector<16xf32>,
    tpu.vector_store %arg6[%swap3A_583, %swap3A_584], %broadcast_in_dim3A_0 {strides = array<i32>} : memref<48x16xf32, #tpu.memory_space<vmem>>, vector<16xf32>,
    %swap3A_586 = arith.constant 10 : i32
    %swap3A_587 = arith.index_cast %swap3A_586 : i32 to index
    %swap3A_588 = arith.constant 0 : index
    %swap3A_589 = tpu.vector_load %arg6[%swap3A_587, %swap3A_588] {strides = array<i32>} : memref<48x16xf32, #tpu.memory_space<vmem>>, vector<16xf32>,
    tpu.vector_store %arg6[%swap3A_587, %swap3A_588], %broadcast_in_dim3A_0 {strides = array<i32>} : memref<48x16xf32, #tpu.memory_space<vmem>>, vector<16xf32>,
    %swap3A_590 = arith.constant 11 : i32
    %swap3A_591 = arith.index_cast %swap3A_590 : i32 to index
    %swap3A_592 = arith.constant 0 : index
    %swap3A_593 = tpu.vector_load %arg6[%swap3A_591, %swap3A_592] {strides = array<i32>} : memref<48x16xf32, #tpu.memory_space<vmem>>, vector<16xf32>,
    tpu.vector_store %arg6[%swap3A_591, %swap3A_592], %broadcast_in_dim3A_0 {strides = array<i32>} : memref<48x16xf32, #tpu.memory_space<vmem>>, vector<16xf32>,
    %swap3A_594 = arith.constant 12 : i32
    %swap3A_595 = arith.index_cast %swap3A_594 : i32 to index
    %swap3A_596 = arith.constant 0 : index
    %swap3A_597 = tpu.vector_load %arg6[%swap3A_595, %swap3A_596] {strides = array<i32>} : memref<48x16xf32, #tpu.memory_space<vmem>>, vector<16xf32>,
    tpu.vector_store %arg6[%swap3A_595, %swap3A_596], %broadcast_in_dim3A_0 {strides = array<i32>} : memref<48x16xf32, #tpu.memory_space<vmem>>, vector<16xf32>,
    %swap3A_598 = arith.constant 13 : i32
    %swap3A_599 = arith.index_cast %swap3A_598 : i32 to index
    %swap3A_600 = arith.constant 0 : index
    %swap3A_601 = tpu.vector_load %arg6[%swap3A_599, %swap3A_600] {strides = array<i32>} : memref<48x16xf32, #tpu.memory_space<vmem>>, vector<16xf32>,
    tpu.vector_store %arg6[%swap3A_599, %swap3A_600], %broadcast_in_dim3A_0 {strides = array<i32>} : memref<48x16xf32, #tpu.memory_space<vmem>>, vector<16xf32>,
    %swap3A_602 = arith.constant 14 : i32
    %swap3A_603 = arith.index_cast %swap3A_602 : i32 to index
    %swap3A_604 = arith.constant 0 : index
    %swap3A_605 = tpu.vector_load %arg6[%swap3A_603, %swap3A_604] {strides = array<i32>} : memref<48x16xf32, #tpu.memory_space<vmem>>, vector<16xf32>,
    tpu.vector_store %arg6[%swap3A_603, %swap3A_604], %broadcast_in_dim3A_0 {strides = array<i32>} : memref<48x16xf32, #tpu.memory_space<vmem>>, vector<16xf32>,
    %swap3A_606 = arith.constant 15 : i32
    %swap3A_607 = arith.index_cast %swap3A_606 : i32 to index
    %swap3A_608 = arith.constant 0 : index
    %swap3A_609 = tpu.vector_load %arg6[%swap3A_607, %swap3A_608] {strides = array<i32>} : memref<48x16xf32, #tpu.memory_space<vmem>>, vector<16xf32>,
    tpu.vector_store %arg6[%swap3A_607, %swap3A_608], %broadcast_in_dim3A_0 {strides = array<i32>} : memref<48x16xf32, #tpu.memory_space<vmem>>, vector<16xf32>,
    %broadcast_in_dim3A_610 = arith.constant 0 : i32
    "tpu.trace_start"() <{level = 10 : i32, message = "ph_comp"}> : () -> ()
    %broadcast_in_dim3A_611 = vector.broadcast %broadcast_in_dim3A_610 : i32 to vector<16xi32>
    %scan3A_612 = arith.constant 0 : i32
    %scan3A_613 = arith.constant 128 : i32
    %scan3A_614 = arith.addi %scan3A_612, %scan3A_613 : i32
    %scan3A_615 = arith.constant 4 : i32
    %scan3A_616 = scf.for %scan3A_1460 = %scan3A_612 to %scan3A_614 step %scan3A_615 iter_args(%scan3A_1461 = %broadcast_in_dim3A_611) -> (vector<16xi32>)  : i32 {
      %mul3A_1462 = arith.constant 16 : i32
      %mul3A_1463 = arith.muli %scan3A_1460, %mul3A_1462 : i32
      %get3A_1464 = arith.index_cast %mul3A_1463 : i32 to index
      %get3A_1465 = tpu.vector_load %arg4[%get3A_1464] {strides = array<i32>} : memref<2048xf32, #tpu.memory_space<vmem>>, vector<16xf32>,
      %bitcast_convert_type3A_1466 = tpu.bitcast %get3A_1465 : vector<16xf32> -> vector<16xi32>
      %shift_right_logical3A_1467 = arith.constant 31 : i32
      %shift_right_logical3A_1468 = vector.broadcast %shift_right_logical3A_1467 : i32 to vector<16xi32>
      %shift_right_logical3A_1469 = arith.shrui %bitcast_convert_type3A_1466, %shift_right_logical3A_1468 : vector<16xi32>
      %eq3A_1470 = arith.constant 0 : i32
      %eq3A_1471 = vector.broadcast %eq3A_1470 : i32 to vector<16xi32>
      %eq3A_1472 = arith.cmpi eq, %shift_right_logical3A_1469, %eq3A_1471 : vector<16xi32>
      %or3A_1473 = arith.constant -2147483648 : i32
      %or3A_1474 = vector.broadcast %or3A_1473 : i32 to vector<16xi32>
      %or3A_1475 = arith.ori %bitcast_convert_type3A_1466, %or3A_1474 : vector<16xi32>
      %not3A_1476 = arith.constant dense<-1> : vector<16xi32>
      %not3A_1477 = arith.xori %bitcast_convert_type3A_1466, %not3A_1476 : vector<16xi32>
      %select_n3A_1478 = arith.select %eq3A_1472, %or3A_1475, %not3A_1477 : vector<16xi1>, vector<16xi32>
      %shift_right_logical3A_1479 = arith.constant 24 : i32
      %shift_right_logical3A_1480 = vector.broadcast %shift_right_logical3A_1479 : i32 to vector<16xi32>
      %shift_right_logical3A_1481 = arith.shrui %select_n3A_1478, %shift_right_logical3A_1480 : vector<16xi32>
      %shift_right_logical3A_1482 = arith.constant 24 : i32
      %shift_right_logical3A_1483 = vector.broadcast %shift_right_logical3A_1482 : i32 to vector<16xi32>
      %shift_right_logical3A_1484 = arith.shrui %shift_left3A_537, %shift_right_logical3A_1483 : vector<16xi32>
      %eq3A_1485 = arith.cmpi eq, %shift_right_logical3A_1481, %shift_right_logical3A_1484 : vector<16xi32>
      %convert_element_type3A_1486 = arith.extui %eq3A_1485 : vector<16xi1> to vector<16xi32>
      %broadcast_in_dim3A_1487 = arith.constant true
      %broadcast_in_dim3A_1488 = vector.broadcast %broadcast_in_dim3A_1487 : i1 to vector<16xi1>
      %masked_cumsum3A_1489 = tpu.scan <sum>, %convert_element_type3A_1486 masked %broadcast_in_dim3A_1488 : vector<16xi32>, vector<16xi1> -> vector<16xi32>
      %add3A_1490 = arith.addi %scan3A_1461, %masked_cumsum3A_1489 : vector<16xi32>
      %sub3A_1491 = arith.constant 1 : i32
      %sub3A_1492 = vector.broadcast %sub3A_1491 : i32 to vector<16xi32>
      %sub3A_1493 = arith.subi %add3A_1490, %sub3A_1492 : vector<16xi32>
      %bitcast_convert_type3A_1494 = tpu.bitcast %select_n3A_1478 : vector<16xi32> -> vector<16xi32>
      tpu.vector_store_idx %arg5[%sub3A_1493], %bitcast_convert_type3A_1494 masked %eq3A_1485 : memref<2048xi32, #tpu.memory_space<vmem>>[vector<16xi32>], vector<16xi32>, vector<16xi1>
      %shift_right_logical3A_1495 = arith.constant 20 : i32
      %shift_right_logical3A_1496 = vector.broadcast %shift_right_logical3A_1495 : i32 to vector<16xi32>
      %shift_right_logical3A_1497 = arith.shrui %select_n3A_1478, %shift_right_logical3A_1496 : vector<16xi32>
      %and3A_1498 = arith.constant 15 : i32
      %and3A_1499 = vector.broadcast %and3A_1498 : i32 to vector<16xi32>
      %and3A_1500 = arith.andi %shift_right_logical3A_1497, %and3A_1499 : vector<16xi32>
      %shift_right_logical3A_1501 = arith.constant 16 : i32
      %shift_right_logical3A_1502 = vector.broadcast %shift_right_logical3A_1501 : i32 to vector<16xi32>
      %shift_right_logical3A_1503 = arith.shrui %select_n3A_1478, %shift_right_logical3A_1502 : vector<16xi32>
      %and3A_1504 = arith.constant 15 : i32
      %and3A_1505 = vector.broadcast %and3A_1504 : i32 to vector<16xi32>
      %and3A_1506 = arith.andi %shift_right_logical3A_1503, %and3A_1505 : vector<16xi32>
      tpu.vector_store_idx %arg6[%and3A_1506, %and3A_1500], %broadcast_in_dim3A_2 masked %eq3A_1485 {add = true} : memref<48x16xf32, #tpu.memory_space<vmem>>[vector<16xi32>, vector<16xi32>], vector<16xf32>, vector<16xi1>
      %all_reduce_population_count3A_1507 = tpu.all_reduce %eq3A_1485 {dim = 0 : i64, kind = #tpu.reduction_kind<sum>} : vector<16xi1> -> vector<16xi32>
      %add3A_1508 = arith.addi %scan3A_1461, %all_reduce_population_count3A_1507 : vector<16xi32>
      %scan3A_1509 = arith.constant 1 : i32
      %scan3A_1510 = arith.addi %scan3A_1460, %scan3A_1509 : i32
      %mul3A_1511 = arith.constant 16 : i32
      %mul3A_1512 = arith.muli %scan3A_1510, %mul3A_1511 : i32
      %get3A_1513 = arith.index_cast %mul3A_1512 : i32 to index
      %get3A_1514 = tpu.vector_load %arg4[%get3A_1513] {strides = array<i32>} : memref<2048xf32, #tpu.memory_space<vmem>>, vector<16xf32>,
      %bitcast_convert_type3A_1515 = tpu.bitcast %get3A_1514 : vector<16xf32> -> vector<16xi32>
      %shift_right_logical3A_1516 = arith.constant 31 : i32
      %shift_right_logical3A_1517 = vector.broadcast %shift_right_logical3A_1516 : i32 to vector<16xi32>
      %shift_right_logical3A_1518 = arith.shrui %bitcast_convert_type3A_1515, %shift_right_logical3A_1517 : vector<16xi32>
      %eq3A_1519 = arith.constant 0 : i32
      %eq3A_1520 = vector.broadcast %eq3A_1519 : i32 to vector<16xi32>
      %eq3A_1521 = arith.cmpi eq, %shift_right_logical3A_1518, %eq3A_1520 : vector<16xi32>
      %or3A_1522 = arith.constant -2147483648 : i32
      %or3A_1523 = vector.broadcast %or3A_1522 : i32 to vector<16xi32>
      %or3A_1524 = arith.ori %bitcast_convert_type3A_1515, %or3A_1523 : vector<16xi32>
      %not3A_1525 = arith.constant dense<-1> : vector<16xi32>
      %not3A_1526 = arith.xori %bitcast_convert_type3A_1515, %not3A_1525 : vector<16xi32>
      %select_n3A_1527 = arith.select %eq3A_1521, %or3A_1524, %not3A_1526 : vector<16xi1>, vector<16xi32>
      %shift_right_logical3A_1528 = arith.constant 24 : i32
      %shift_right_logical3A_1529 = vector.broadcast %shift_right_logical3A_1528 : i32 to vector<16xi32>
      %shift_right_logical3A_1530 = arith.shrui %select_n3A_1527, %shift_right_logical3A_1529 : vector<16xi32>
      %shift_right_logical3A_1531 = arith.constant 24 : i32
      %shift_right_logical3A_1532 = vector.broadcast %shift_right_logical3A_1531 : i32 to vector<16xi32>
      %shift_right_logical3A_1533 = arith.shrui %shift_left3A_537, %shift_right_logical3A_1532 : vector<16xi32>
      %eq3A_1534 = arith.cmpi eq, %shift_right_logical3A_1530, %shift_right_logical3A_1533 : vector<16xi32>
      %convert_element_type3A_1535 = arith.extui %eq3A_1534 : vector<16xi1> to vector<16xi32>
      %broadcast_in_dim3A_1536 = arith.constant true
      %broadcast_in_dim3A_1537 = vector.broadcast %broadcast_in_dim3A_1536 : i1 to vector<16xi1>
      %masked_cumsum3A_1538 = tpu.scan <sum>, %convert_element_type3A_1535 masked %broadcast_in_dim3A_1537 : vector<16xi32>, vector<16xi1> -> vector<16xi32>
      %add3A_1539 = arith.addi %add3A_1508, %masked_cumsum3A_1538 : vector<16xi32>
      %sub3A_1540 = arith.constant 1 : i32
      %sub3A_1541 = vector.broadcast %sub3A_1540 : i32 to vector<16xi32>
      %sub3A_1542 = arith.subi %add3A_1539, %sub3A_1541 : vector<16xi32>
      %bitcast_convert_type3A_1543 = tpu.bitcast %select_n3A_1527 : vector<16xi32> -> vector<16xi32>
      tpu.vector_store_idx %arg5[%sub3A_1542], %bitcast_convert_type3A_1543 masked %eq3A_1534 : memref<2048xi32, #tpu.memory_space<vmem>>[vector<16xi32>], vector<16xi32>, vector<16xi1>
      %shift_right_logical3A_1544 = arith.constant 20 : i32
      %shift_right_logical3A_1545 = vector.broadcast %shift_right_logical3A_1544 : i32 to vector<16xi32>
      %shift_right_logical3A_1546 = arith.shrui %select_n3A_1527, %shift_right_logical3A_1545 : vector<16xi32>
      %and3A_1547 = arith.constant 15 : i32
      %and3A_1548 = vector.broadcast %and3A_1547 : i32 to vector<16xi32>
      %and3A_1549 = arith.andi %shift_right_logical3A_1546, %and3A_1548 : vector<16xi32>
      %shift_right_logical3A_1550 = arith.constant 16 : i32
      %shift_right_logical3A_1551 = vector.broadcast %shift_right_logical3A_1550 : i32 to vector<16xi32>
      %shift_right_logical3A_1552 = arith.shrui %select_n3A_1527, %shift_right_logical3A_1551 : vector<16xi32>
      %and3A_1553 = arith.constant 15 : i32
      %and3A_1554 = vector.broadcast %and3A_1553 : i32 to vector<16xi32>
      %and3A_1555 = arith.andi %shift_right_logical3A_1552, %and3A_1554 : vector<16xi32>
      tpu.vector_store_idx %arg6[%and3A_1555, %and3A_1549], %broadcast_in_dim3A_2 masked %eq3A_1534 {add = true} : memref<48x16xf32, #tpu.memory_space<vmem>>[vector<16xi32>, vector<16xi32>], vector<16xf32>, vector<16xi1>
      %all_reduce_population_count3A_1556 = tpu.all_reduce %eq3A_1534 {dim = 0 : i64, kind = #tpu.reduction_kind<sum>} : vector<16xi1> -> vector<16xi32>
      %add3A_1557 = arith.addi %add3A_1508, %all_reduce_population_count3A_1556 : vector<16xi32>
      %scan3A_1558 = arith.constant 2 : i32
      %scan3A_1559 = arith.addi %scan3A_1460, %scan3A_1558 : i32
      %mul3A_1560 = arith.constant 16 : i32
      %mul3A_1561 = arith.muli %scan3A_1559, %mul3A_1560 : i32
      %get3A_1562 = arith.index_cast %mul3A_1561 : i32 to index
      %get3A_1563 = tpu.vector_load %arg4[%get3A_1562] {strides = array<i32>} : memref<2048xf32, #tpu.memory_space<vmem>>, vector<16xf32>,
      %bitcast_convert_type3A_1564 = tpu.bitcast %get3A_1563 : vector<16xf32> -> vector<16xi32>
      %shift_right_logical3A_1565 = arith.constant 31 : i32
      %shift_right_logical3A_1566 = vector.broadcast %shift_right_logical3A_1565 : i32 to vector<16xi32>
      %shift_right_logical3A_1567 = arith.shrui %bitcast_convert_type3A_1564, %shift_right_logical3A_1566 : vector<16xi32>
      %eq3A_1568 = arith.constant 0 : i32
      %eq3A_1569 = vector.broadcast %eq3A_1568 : i32 to vector<16xi32>
      %eq3A_1570 = arith.cmpi eq, %shift_right_logical3A_1567, %eq3A_1569 : vector<16xi32>
      %or3A_1571 = arith.constant -2147483648 : i32
      %or3A_1572 = vector.broadcast %or3A_1571 : i32 to vector<16xi32>
      %or3A_1573 = arith.ori %bitcast_convert_type3A_1564, %or3A_1572 : vector<16xi32>
      %not3A_1574 = arith.constant dense<-1> : vector<16xi32>
      %not3A_1575 = arith.xori %bitcast_convert_type3A_1564, %not3A_1574 : vector<16xi32>
      %select_n3A_1576 = arith.select %eq3A_1570, %or3A_1573, %not3A_1575 : vector<16xi1>, vector<16xi32>
      %shift_right_logical3A_1577 = arith.constant 24 : i32
      %shift_right_logical3A_1578 = vector.broadcast %shift_right_logical3A_1577 : i32 to vector<16xi32>
      %shift_right_logical3A_1579 = arith.shrui %select_n3A_1576, %shift_right_logical3A_1578 : vector<16xi32>
      %shift_right_logical3A_1580 = arith.constant 24 : i32
      %shift_right_logical3A_1581 = vector.broadcast %shift_right_logical3A_1580 : i32 to vector<16xi32>
      %shift_right_logical3A_1582 = arith.shrui %shift_left3A_537, %shift_right_logical3A_1581 : vector<16xi32>
      %eq3A_1583 = arith.cmpi eq, %shift_right_logical3A_1579, %shift_right_logical3A_1582 : vector<16xi32>
      %convert_element_type3A_1584 = arith.extui %eq3A_1583 : vector<16xi1> to vector<16xi32>
      %broadcast_in_dim3A_1585 = arith.constant true
      %broadcast_in_dim3A_1586 = vector.broadcast %broadcast_in_dim3A_1585 : i1 to vector<16xi1>
      %masked_cumsum3A_1587 = tpu.scan <sum>, %convert_element_type3A_1584 masked %broadcast_in_dim3A_1586 : vector<16xi32>, vector<16xi1> -> vector<16xi32>
      %add3A_1588 = arith.addi %add3A_1557, %masked_cumsum3A_1587 : vector<16xi32>
      %sub3A_1589 = arith.constant 1 : i32
      %sub3A_1590 = vector.broadcast %sub3A_1589 : i32 to vector<16xi32>
      %sub3A_1591 = arith.subi %add3A_1588, %sub3A_1590 : vector<16xi32>
      %bitcast_convert_type3A_1592 = tpu.bitcast %select_n3A_1576 : vector<16xi32> -> vector<16xi32>
      tpu.vector_store_idx %arg5[%sub3A_1591], %bitcast_convert_type3A_1592 masked %eq3A_1583 : memref<2048xi32, #tpu.memory_space<vmem>>[vector<16xi32>], vector<16xi32>, vector<16xi1>
      %shift_right_logical3A_1593 = arith.constant 20 : i32
      %shift_right_logical3A_1594 = vector.broadcast %shift_right_logical3A_1593 : i32 to vector<16xi32>
      %shift_right_logical3A_1595 = arith.shrui %select_n3A_1576, %shift_right_logical3A_1594 : vector<16xi32>
      %and3A_1596 = arith.constant 15 : i32
      %and3A_1597 = vector.broadcast %and3A_1596 : i32 to vector<16xi32>
      %and3A_1598 = arith.andi %shift_right_logical3A_1595, %and3A_1597 : vector<16xi32>
      %shift_right_logical3A_1599 = arith.constant 16 : i32
      %shift_right_logical3A_1600 = vector.broadcast %shift_right_logical3A_1599 : i32 to vector<16xi32>
      %shift_right_logical3A_1601 = arith.shrui %select_n3A_1576, %shift_right_logical3A_1600 : vector<16xi32>
      %and3A_1602 = arith.constant 15 : i32
      %and3A_1603 = vector.broadcast %and3A_1602 : i32 to vector<16xi32>
      %and3A_1604 = arith.andi %shift_right_logical3A_1601, %and3A_1603 : vector<16xi32>
      tpu.vector_store_idx %arg6[%and3A_1604, %and3A_1598], %broadcast_in_dim3A_2 masked %eq3A_1583 {add = true} : memref<48x16xf32, #tpu.memory_space<vmem>>[vector<16xi32>, vector<16xi32>], vector<16xf32>, vector<16xi1>
      %all_reduce_population_count3A_1605 = tpu.all_reduce %eq3A_1583 {dim = 0 : i64, kind = #tpu.reduction_kind<sum>} : vector<16xi1> -> vector<16xi32>
      %add3A_1606 = arith.addi %add3A_1557, %all_reduce_population_count3A_1605 : vector<16xi32>
      %scan3A_1607 = arith.constant 3 : i32
      %scan3A_1608 = arith.addi %scan3A_1460, %scan3A_1607 : i32
      %mul3A_1609 = arith.constant 16 : i32
      %mul3A_1610 = arith.muli %scan3A_1608, %mul3A_1609 : i32
      %get3A_1611 = arith.index_cast %mul3A_1610 : i32 to index
      %get3A_1612 = tpu.vector_load %arg4[%get3A_1611] {strides = array<i32>} : memref<2048xf32, #tpu.memory_space<vmem>>, vector<16xf32>,
      %bitcast_convert_type3A_1613 = tpu.bitcast %get3A_1612 : vector<16xf32> -> vector<16xi32>
      %shift_right_logical3A_1614 = arith.constant 31 : i32
      %shift_right_logical3A_1615 = vector.broadcast %shift_right_logical3A_1614 : i32 to vector<16xi32>
      %shift_right_logical3A_1616 = arith.shrui %bitcast_convert_type3A_1613, %shift_right_logical3A_1615 : vector<16xi32>
      %eq3A_1617 = arith.constant 0 : i32
      %eq3A_1618 = vector.broadcast %eq3A_1617 : i32 to vector<16xi32>
      %eq3A_1619 = arith.cmpi eq, %shift_right_logical3A_1616, %eq3A_1618 : vector<16xi32>
      %or3A_1620 = arith.constant -2147483648 : i32
      %or3A_1621 = vector.broadcast %or3A_1620 : i32 to vector<16xi32>
      %or3A_1622 = arith.ori %bitcast_convert_type3A_1613, %or3A_1621 : vector<16xi32>
      %not3A_1623 = arith.constant dense<-1> : vector<16xi32>
      %not3A_1624 = arith.xori %bitcast_convert_type3A_1613, %not3A_1623 : vector<16xi32>
      %select_n3A_1625 = arith.select %eq3A_1619, %or3A_1622, %not3A_1624 : vector<16xi1>, vector<16xi32>
      %shift_right_logical3A_1626 = arith.constant 24 : i32
      %shift_right_logical3A_1627 = vector.broadcast %shift_right_logical3A_1626 : i32 to vector<16xi32>
      %shift_right_logical3A_1628 = arith.shrui %select_n3A_1625, %shift_right_logical3A_1627 : vector<16xi32>
      %shift_right_logical3A_1629 = arith.constant 24 : i32
      %shift_right_logical3A_1630 = vector.broadcast %shift_right_logical3A_1629 : i32 to vector<16xi32>
      %shift_right_logical3A_1631 = arith.shrui %shift_left3A_537, %shift_right_logical3A_1630 : vector<16xi32>
      %eq3A_1632 = arith.cmpi eq, %shift_right_logical3A_1628, %shift_right_logical3A_1631 : vector<16xi32>
      %convert_element_type3A_1633 = arith.extui %eq3A_1632 : vector<16xi1> to vector<16xi32>
      %broadcast_in_dim3A_1634 = arith.constant true
      %broadcast_in_dim3A_1635 = vector.broadcast %broadcast_in_dim3A_1634 : i1 to vector<16xi1>
      %masked_cumsum3A_1636 = tpu.scan <sum>, %convert_element_type3A_1633 masked %broadcast_in_dim3A_1635 : vector<16xi32>, vector<16xi1> -> vector<16xi32>
      %add3A_1637 = arith.addi %add3A_1606, %masked_cumsum3A_1636 : vector<16xi32>
      %sub3A_1638 = arith.constant 1 : i32
      %sub3A_1639 = vector.broadcast %sub3A_1638 : i32 to vector<16xi32>
      %sub3A_1640 = arith.subi %add3A_1637, %sub3A_1639 : vector<16xi32>
      %bitcast_convert_type3A_1641 = tpu.bitcast %select_n3A_1625 : vector<16xi32> -> vector<16xi32>
      tpu.vector_store_idx %arg5[%sub3A_1640], %bitcast_convert_type3A_1641 masked %eq3A_1632 : memref<2048xi32, #tpu.memory_space<vmem>>[vector<16xi32>], vector<16xi32>, vector<16xi1>
      %shift_right_logical3A_1642 = arith.constant 20 : i32
      %shift_right_logical3A_1643 = vector.broadcast %shift_right_logical3A_1642 : i32 to vector<16xi32>
      %shift_right_logical3A_1644 = arith.shrui %select_n3A_1625, %shift_right_logical3A_1643 : vector<16xi32>
      %and3A_1645 = arith.constant 15 : i32
      %and3A_1646 = vector.broadcast %and3A_1645 : i32 to vector<16xi32>
      %and3A_1647 = arith.andi %shift_right_logical3A_1644, %and3A_1646 : vector<16xi32>
      %shift_right_logical3A_1648 = arith.constant 16 : i32
      %shift_right_logical3A_1649 = vector.broadcast %shift_right_logical3A_1648 : i32 to vector<16xi32>
      %shift_right_logical3A_1650 = arith.shrui %select_n3A_1625, %shift_right_logical3A_1649 : vector<16xi32>
      %and3A_1651 = arith.constant 15 : i32
      %and3A_1652 = vector.broadcast %and3A_1651 : i32 to vector<16xi32>
      %and3A_1653 = arith.andi %shift_right_logical3A_1650, %and3A_1652 : vector<16xi32>
      tpu.vector_store_idx %arg6[%and3A_1653, %and3A_1647], %broadcast_in_dim3A_2 masked %eq3A_1632 {add = true} : memref<48x16xf32, #tpu.memory_space<vmem>>[vector<16xi32>, vector<16xi32>], vector<16xf32>, vector<16xi1>
      %all_reduce_population_count3A_1654 = tpu.all_reduce %eq3A_1632 {dim = 0 : i64, kind = #tpu.reduction_kind<sum>} : vector<16xi1> -> vector<16xi32>
      %add3A_1655 = arith.addi %add3A_1606, %all_reduce_population_count3A_1654 : vector<16xi32>
      scf.yield %add3A_1655 : vector<16xi32>
    }
    %scan3A_617 = arith.constant 128 : i32
    "tpu.trace_stop"() : () -> ()
    %reduce_max3A_618 = arith.constant true
    %reduce_max3A_619 = vector.broadcast %reduce_max3A_618 : i1 to vector<16xi1>
    %reduce_max3A_620 = arith.constant -2147483648 : i32
    %reduce_max3A_621 = vector.broadcast %reduce_max3A_620 : i32 to vector<16xi32>
    %reduce_max3A_622 = arith.xori %scan3A_616, %reduce_max3A_621 : vector<16xi32>
    %reduce_max3A_623 = tpu.scan <max>, %reduce_max3A_622 masked %reduce_max3A_619 : vector<16xi32>, vector<16xi1> -> vector<16xi32>
    %reduce_max3A_624 = arith.xori %reduce_max3A_623, %reduce_max3A_621 : vector<16xi32>
    %reduce_max3A_625 = vector.extract %reduce_max3A_624[15] : i32 from vector<16xi32>
    %add3A_626 = arith.constant 16 : i32
    %add3A_627 = arith.addi %reduce_max3A_625, %add3A_626 : i32
    %sub3A_628 = arith.constant 1 : i32
    %sub3A_629 = arith.subi %add3A_627, %sub3A_628 : i32
    %jit3A = arith.constant 16 : i32
    %div3A = arith.divsi %sub3A_629, %jit3A : i32
    %sign3A = arith.constant 0 : i32
    %sign3A_630 = arith.cmpi sgt, %sub3A_629, %sign3A : i32
    %sign3A_631 = arith.extui %sign3A_630 : i1 to i32
    %sign3A_632 = arith.constant 0 : i32
    %sign3A_633 = arith.cmpi slt, %sub3A_629, %sign3A_632 : i32
    %sign3A_634 = arith.extui %sign3A_633 : i1 to i32
    %sign3A_635 = arith.subi %sign3A_631, %sign3A_634 : i32
    %sign3A_636 = arith.constant 0 : i32
    %sign3A_637 = arith.cmpi sgt, %jit3A, %sign3A_636 : i32
    %sign3A_638 = arith.extui %sign3A_637 : i1 to i32
    %sign3A_639 = arith.constant 0 : i32
    %sign3A_640 = arith.cmpi slt, %jit3A, %sign3A_639 : i32
    %sign3A_641 = arith.extui %sign3A_640 : i1 to i32
    %sign3A_642 = arith.subi %sign3A_638, %sign3A_641 : i32
    %ne3A = arith.cmpi ne, %sign3A_635, %sign3A_642 : i32
    %rem3A = arith.remsi %sub3A_629, %jit3A : i32
    %ne3A_643 = arith.constant 0 : i32
    %ne3A_644 = arith.cmpi ne, %rem3A, %ne3A_643 : i32
    %and3A = arith.andi %ne3A, %ne3A_644 : i1
    %sub3A_645 = arith.constant 1 : i32
    %sub3A_646 = arith.subi %div3A, %sub3A_645 : i32
    %select_n3A_647 = arith.select %and3A, %sub3A_646, %div3A : i32
    "tpu.trace_start"() <{level = 10 : i32, message = "ph_rmerge"}> : () -> ()
    "tpu.region"() ({
      %run_scoped3A = tpu.sem_alloc : memref<!tpu.dma_semaphore, #tpu.memory_space<semaphore_mem>>
      %dma_start3A_1460 = arith.constant 0 : i32
      %dma_start3A_1461 = arith.constant 0 : i32
      %dma_start3A_1462 = tpu.memref_slice %arg6[%dma_start3A_1460, %dma_start3A_1461] : memref<48x16xf32, #tpu.memory_space<vmem>> -> memref<16x16xf32, #tpu.memory_space<vmem>>
      %dma_start3A_1463 = arith.constant 0 : i32
      %dma_start3A_1464 = arith.constant 0 : i32
      %dma_start3A_1465 = tpu.memref_slice %arg12[%dma_start3A_1463, %dma_start3A_1464] : memref<32x16xf32, #tpu.memory_space<vmem_shared>> -> memref<32x16xf32, #tpu.memory_space<vmem_shared>>
      tpu.enqueue_indirect_dma source(%dma_start3A_1462 : memref<16x16xf32, #tpu.memory_space<vmem>>) target(%dma_start3A_1465 : memref<32x16xf32, #tpu.memory_space<vmem_shared>>) offsets(%iota3A : vector<16xi32>) semaphore(%run_scoped3A : memref<!tpu.dma_semaphore, #tpu.memory_space<semaphore_mem>>) {add = true}
      %dma_wait3A_1466 = arith.constant 0 : i32
      %dma_wait3A_1467 = arith.constant 0 : i32
      %dma_wait3A_1468 = tpu.memref_slice %arg6[%dma_wait3A_1466, %dma_wait3A_1467] : memref<48x16xf32, #tpu.memory_space<vmem>> -> memref<16x16xf32, #tpu.memory_space<vmem>>
      %dma_wait3A_1469 = arith.constant 0 : i32
      %dma_wait3A_1470 = arith.constant 0 : i32
      %dma_wait3A_1471 = tpu.memref_slice %arg12[%dma_wait3A_1469, %dma_wait3A_1470] : memref<32x16xf32, #tpu.memory_space<vmem_shared>> -> memref<32x16xf32, #tpu.memory_space<vmem_shared>>
      tpu.wait_indirect_dma semaphore(%run_scoped3A : memref<!tpu.dma_semaphore, #tpu.memory_space<semaphore_mem>>) src(%dma_wait3A_1468 : memref<16x16xf32, #tpu.memory_space<vmem>>) dst(%dma_wait3A_1471 : memref<32x16xf32, #tpu.memory_space<vmem_shared>>)
      tpu.yield
    }) : () -> ()
    %barrier3A_648 = arith.constant 0 : index
    tpu.barrier barrier_id(%barrier3A_648)
    "tpu.region"() ({
      %run_scoped3A = tpu.sem_alloc : memref<!tpu.dma_semaphore, #tpu.memory_space<semaphore_mem>>
      %dma_start3A_1460 = arith.constant 0 : i32
      %dma_start3A_1461 = arith.constant 0 : i32
      %dma_start3A_1462 = tpu.memref_slice %arg7[%dma_start3A_1460, %dma_start3A_1461] : memref<48x16xf32, #tpu.memory_space<vmem>> -> memref<16x16xf32, #tpu.memory_space<vmem>>
      %dma_start3A_1463 = arith.constant 0 : i32
      %dma_start3A_1464 = arith.constant 0 : i32
      %dma_start3A_1465 = tpu.memref_slice %arg12[%dma_start3A_1463, %dma_start3A_1464] : memref<32x16xf32, #tpu.memory_space<vmem_shared>> -> memref<16x16xf32, #tpu.memory_space<vmem_shared>>
      %dma_start3A_1466 = arith.constant 0 : i32
      %dma_start3A_1467 = arith.constant 0 : i32
      %dma_start3A_1468 = tpu.memref_slice %arg7[%dma_start3A_1466, %dma_start3A_1467] : memref<48x16xf32, #tpu.memory_space<vmem>> -> memref<16x16xf32, #tpu.memory_space<vmem>>
      %dma_start3A_1469 = arith.constant 0 : i32
      %dma_start3A_1470 = arith.constant 0 : i32
      %dma_start3A_1471 = tpu.memref_slice %arg12[%dma_start3A_1469, %dma_start3A_1470] : memref<32x16xf32, #tpu.memory_space<vmem_shared>> -> memref<16x16xf32, #tpu.memory_space<vmem_shared>>
      tpu.enqueue_dma source(%dma_start3A_1471 : memref<16x16xf32, #tpu.memory_space<vmem_shared>>) target(%dma_start3A_1468 : memref<16x16xf32, #tpu.memory_space<vmem>>) target_semaphore(%run_scoped3A : memref<!tpu.dma_semaphore, #tpu.memory_space<semaphore_mem>>)
      %dma_wait3A_1472 = arith.constant 0 : i32
      %dma_wait3A_1473 = arith.constant 0 : i32
      %dma_wait3A_1474 = tpu.memref_slice %arg7[%dma_wait3A_1472, %dma_wait3A_1473] : memref<48x16xf32, #tpu.memory_space<vmem>> -> memref<16x16xf32, #tpu.memory_space<vmem>>
      %dma_wait3A_1475 = arith.constant 0 : i32
      %dma_wait3A_1476 = arith.constant 0 : i32
      %dma_wait3A_1477 = tpu.memref_slice %arg12[%dma_wait3A_1475, %dma_wait3A_1476] : memref<32x16xf32, #tpu.memory_space<vmem_shared>> -> memref<16x16xf32, #tpu.memory_space<vmem_shared>>
      %dma_wait3A_1478 = arith.constant 0 : i32
      %dma_wait3A_1479 = arith.constant 0 : i32
      %dma_wait3A_1480 = tpu.memref_slice %arg7[%dma_wait3A_1478, %dma_wait3A_1479] : memref<48x16xf32, #tpu.memory_space<vmem>> -> memref<16x16xf32, #tpu.memory_space<vmem>>
      %dma_wait3A_1481 = arith.constant 0 : i32
      %dma_wait3A_1482 = arith.constant 0 : i32
      %dma_wait3A_1483 = tpu.memref_slice %arg12[%dma_wait3A_1481, %dma_wait3A_1482] : memref<32x16xf32, #tpu.memory_space<vmem_shared>> -> memref<16x16xf32, #tpu.memory_space<vmem_shared>>
      tpu.wait_dma2 semaphore(%run_scoped3A : memref<!tpu.dma_semaphore, #tpu.memory_space<semaphore_mem>>) src(%dma_wait3A_1483 : memref<16x16xf32, #tpu.memory_space<vmem_shared>>) dst(%dma_wait3A_1480 : memref<16x16xf32, #tpu.memory_space<vmem>>)
      tpu.yield
    }) : () -> ()
    %get3A_649 = arith.constant 0 : i32
    "tpu.trace_stop"() : () -> ()
    "tpu.trace_start"() <{level = 10 : i32, message = "ph_rscan"}> : () -> ()
    %get3A_650 = arith.index_cast %get3A_649 : i32 to index
    %get3A_651 = arith.constant 0 : index
    %get3A_652 = tpu.vector_load %arg7[%get3A_650, %get3A_651] {strides = array<i32>} : memref<48x16xf32, #tpu.memory_space<vmem>>, vector<16xf32>,
    %add3A_653 = arith.addf %broadcast_in_dim3A_0, %get3A_652 : vector<16xf32>
    %get3A_654 = arith.constant 1 : i32
    %get3A_655 = arith.index_cast %get3A_654 : i32 to index
    %get3A_656 = arith.constant 0 : index
    %get3A_657 = tpu.vector_load %arg7[%get3A_655, %get3A_656] {strides = array<i32>} : memref<48x16xf32, #tpu.memory_space<vmem>>, vector<16xf32>,
    %add3A_658 = arith.addf %add3A_653, %get3A_657 : vector<16xf32>
    %get3A_659 = arith.constant 2 : i32
    %get3A_660 = arith.index_cast %get3A_659 : i32 to index
    %get3A_661 = arith.constant 0 : index
    %get3A_662 = tpu.vector_load %arg7[%get3A_660, %get3A_661] {strides = array<i32>} : memref<48x16xf32, #tpu.memory_space<vmem>>, vector<16xf32>,
    %add3A_663 = arith.addf %add3A_658, %get3A_662 : vector<16xf32>
    %get3A_664 = arith.constant 3 : i32
    %get3A_665 = arith.index_cast %get3A_664 : i32 to index
    %get3A_666 = arith.constant 0 : index
    %get3A_667 = tpu.vector_load %arg7[%get3A_665, %get3A_666] {strides = array<i32>} : memref<48x16xf32, #tpu.memory_space<vmem>>, vector<16xf32>,
    %add3A_668 = arith.addf %add3A_663, %get3A_667 : vector<16xf32>
    %get3A_669 = arith.constant 4 : i32
    %get3A_670 = arith.index_cast %get3A_669 : i32 to index
    %get3A_671 = arith.constant 0 : index
    %get3A_672 = tpu.vector_load %arg7[%get3A_670, %get3A_671] {strides = array<i32>} : memref<48x16xf32, #tpu.memory_space<vmem>>, vector<16xf32>,
    %add3A_673 = arith.addf %add3A_668, %get3A_672 : vector<16xf32>
    %get3A_674 = arith.constant 5 : i32
    %get3A_675 = arith.index_cast %get3A_674 : i32 to index
    %get3A_676 = arith.constant 0 : index
    %get3A_677 = tpu.vector_load %arg7[%get3A_675, %get3A_676] {strides = array<i32>} : memref<48x16xf32, #tpu.memory_space<vmem>>, vector<16xf32>,
    %add3A_678 = arith.addf %add3A_673, %get3A_677 : vector<16xf32>
    %get3A_679 = arith.constant 6 : i32
    %get3A_680 = arith.index_cast %get3A_679 : i32 to index
    %get3A_681 = arith.constant 0 : index
    %get3A_682 = tpu.vector_load %arg7[%get3A_680, %get3A_681] {strides = array<i32>} : memref<48x16xf32, #tpu.memory_space<vmem>>, vector<16xf32>,
    %add3A_683 = arith.addf %add3A_678, %get3A_682 : vector<16xf32>
    %get3A_684 = arith.constant 7 : i32
    %get3A_685 = arith.index_cast %get3A_684 : i32 to index
    %get3A_686 = arith.constant 0 : index
    %get3A_687 = tpu.vector_load %arg7[%get3A_685, %get3A_686] {strides = array<i32>} : memref<48x16xf32, #tpu.memory_space<vmem>>, vector<16xf32>,
    %add3A_688 = arith.addf %add3A_683, %get3A_687 : vector<16xf32>
    %get3A_689 = arith.constant 8 : i32
    %get3A_690 = arith.index_cast %get3A_689 : i32 to index
    %get3A_691 = arith.constant 0 : index
    %get3A_692 = tpu.vector_load %arg7[%get3A_690, %get3A_691] {strides = array<i32>} : memref<48x16xf32, #tpu.memory_space<vmem>>, vector<16xf32>,
    %add3A_693 = arith.addf %add3A_688, %get3A_692 : vector<16xf32>
    %get3A_694 = arith.constant 9 : i32
    %get3A_695 = arith.index_cast %get3A_694 : i32 to index
    %get3A_696 = arith.constant 0 : index
    %get3A_697 = tpu.vector_load %arg7[%get3A_695, %get3A_696] {strides = array<i32>} : memref<48x16xf32, #tpu.memory_space<vmem>>, vector<16xf32>,
    %add3A_698 = arith.addf %add3A_693, %get3A_697 : vector<16xf32>
    %get3A_699 = arith.constant 10 : i32
    %get3A_700 = arith.index_cast %get3A_699 : i32 to index
    %get3A_701 = arith.constant 0 : index
    %get3A_702 = tpu.vector_load %arg7[%get3A_700, %get3A_701] {strides = array<i32>} : memref<48x16xf32, #tpu.memory_space<vmem>>, vector<16xf32>,
    %add3A_703 = arith.addf %add3A_698, %get3A_702 : vector<16xf32>
    %get3A_704 = arith.constant 11 : i32
    %get3A_705 = arith.index_cast %get3A_704 : i32 to index
    %get3A_706 = arith.constant 0 : index
    %get3A_707 = tpu.vector_load %arg7[%get3A_705, %get3A_706] {strides = array<i32>} : memref<48x16xf32, #tpu.memory_space<vmem>>, vector<16xf32>,
    %add3A_708 = arith.addf %add3A_703, %get3A_707 : vector<16xf32>
    %get3A_709 = arith.constant 12 : i32
    %get3A_710 = arith.index_cast %get3A_709 : i32 to index
    %get3A_711 = arith.constant 0 : index
    %get3A_712 = tpu.vector_load %arg7[%get3A_710, %get3A_711] {strides = array<i32>} : memref<48x16xf32, #tpu.memory_space<vmem>>, vector<16xf32>,
    %add3A_713 = arith.addf %add3A_708, %get3A_712 : vector<16xf32>
    %get3A_714 = arith.constant 13 : i32
    %get3A_715 = arith.index_cast %get3A_714 : i32 to index
    %get3A_716 = arith.constant 0 : index
    %get3A_717 = tpu.vector_load %arg7[%get3A_715, %get3A_716] {strides = array<i32>} : memref<48x16xf32, #tpu.memory_space<vmem>>, vector<16xf32>,
    %add3A_718 = arith.addf %add3A_713, %get3A_717 : vector<16xf32>
    %get3A_719 = arith.constant 14 : i32
    %get3A_720 = arith.index_cast %get3A_719 : i32 to index
    %get3A_721 = arith.constant 0 : index
    %get3A_722 = tpu.vector_load %arg7[%get3A_720, %get3A_721] {strides = array<i32>} : memref<48x16xf32, #tpu.memory_space<vmem>>, vector<16xf32>,
    %add3A_723 = arith.addf %add3A_718, %get3A_722 : vector<16xf32>
    %get3A_724 = arith.constant 15 : i32
    %get3A_725 = arith.index_cast %get3A_724 : i32 to index
    %get3A_726 = arith.constant 0 : index
    %get3A_727 = tpu.vector_load %arg7[%get3A_725, %get3A_726] {strides = array<i32>} : memref<48x16xf32, #tpu.memory_space<vmem>>, vector<16xf32>,
    %add3A_728 = arith.addf %add3A_723, %get3A_727 : vector<16xf32>
    %rev3A_729 = arith.constant 15 : i32
    %rev3A_730 = vector.broadcast %rev3A_729 : i32 to vector<16xi32>
    %rev3A_731 = tpu.iota {dimensions = array<i32: 0>} : vector<16xi32>
    %rev3A_732 = arith.subi %rev3A_730, %rev3A_731 : vector<16xi32>
    %rev3A_733 = tpu.dynamic_gather %add3A_728[%rev3A_732] in [0] : vector<16xf32>, vector<16xi32> -> vector<16xf32>
    %broadcast_in_dim3A_734 = arith.constant true
    %broadcast_in_dim3A_735 = vector.broadcast %broadcast_in_dim3A_734 : i1 to vector<16xi1>
    %masked_cumsum3A_736 = tpu.scan <sum>, %rev3A_733 masked %broadcast_in_dim3A_735 : vector<16xf32>, vector<16xi1> -> vector<16xf32>
    %rev3A_737 = arith.constant 15 : i32
    %rev3A_738 = vector.broadcast %rev3A_737 : i32 to vector<16xi32>
    %rev3A_739 = tpu.iota {dimensions = array<i32: 0>} : vector<16xi32>
    %rev3A_740 = arith.subi %rev3A_738, %rev3A_739 : vector<16xi32>
    %rev3A_741 = tpu.dynamic_gather %masked_cumsum3A_736[%rev3A_740] in [0] : vector<16xf32>, vector<16xi32> -> vector<16xf32>
    %ge3A_742 = arith.cmpf oge, %rev3A_741, %sub3A_532 : vector<16xf32>
    %all_reduce_population_count3A_743 = tpu.all_reduce %ge3A_742 {dim = 0 : i64, kind = #tpu.reduction_kind<sum>} : vector<16xi1> -> vector<16xi32>
    %sub3A_744 = arith.constant 1 : i32
    %sub3A_745 = vector.broadcast %sub3A_744 : i32 to vector<16xi32>
    %sub3A_746 = arith.subi %all_reduce_population_count3A_743, %sub3A_745 : vector<16xi32>
    %gt3A_747 = arith.cmpi sgt, %iota3A, %sub3A_746 : vector<16xi32>
    %select_n3A_748 = arith.select %gt3A_747, %add3A_728, %broadcast_in_dim3A_0 : vector<16xi1>, vector<16xf32>
    %reduce_sum3A_749 = arith.constant true
    %reduce_sum3A_750 = vector.broadcast %reduce_sum3A_749 : i1 to vector<16xi1>
    %reduce_sum3A_751 = tpu.scan <sum>, %select_n3A_748 masked %reduce_sum3A_750 : vector<16xf32>, vector<16xi1> -> vector<16xf32>
    %reduce_sum3A_752 = vector.extract %reduce_sum3A_751[15] : f32 from vector<16xf32>
    %gather3A_753 = tpu.vector_load_idx %arg7[%iota3A, %sub3A_746] : memref<48x16xf32, #tpu.memory_space<vmem>>[vector<16xi32>, vector<16xi32>], vector<16xf32>,
    %rev3A_754 = arith.constant 15 : i32
    %rev3A_755 = vector.broadcast %rev3A_754 : i32 to vector<16xi32>
    %rev3A_756 = tpu.iota {dimensions = array<i32: 0>} : vector<16xi32>
    %rev3A_757 = arith.subi %rev3A_755, %rev3A_756 : vector<16xi32>
    %rev3A_758 = tpu.dynamic_gather %gather3A_753[%rev3A_757] in [0] : vector<16xf32>, vector<16xi32> -> vector<16xf32>
    %broadcast_in_dim3A_759 = arith.constant true
    %broadcast_in_dim3A_760 = vector.broadcast %broadcast_in_dim3A_759 : i1 to vector<16xi1>
    %masked_cumsum3A_761 = tpu.scan <sum>, %rev3A_758 masked %broadcast_in_dim3A_760 : vector<16xf32>, vector<16xi1> -> vector<16xf32>
    %rev3A_762 = arith.constant 15 : i32
    %rev3A_763 = vector.broadcast %rev3A_762 : i32 to vector<16xi32>
    %rev3A_764 = tpu.iota {dimensions = array<i32: 0>} : vector<16xi32>
    %rev3A_765 = arith.subi %rev3A_763, %rev3A_764 : vector<16xi32>
    %rev3A_766 = tpu.dynamic_gather %masked_cumsum3A_761[%rev3A_765] in [0] : vector<16xf32>, vector<16xi32> -> vector<16xf32>
    %broadcast_in_dim3A_767 = vector.broadcast %reduce_sum3A_752 : f32 to vector<16xf32>
    %add3A_768 = arith.addf %rev3A_766, %broadcast_in_dim3A_767 : vector<16xf32>
    %ge3A_769 = arith.cmpf oge, %add3A_768, %sub3A_532 : vector<16xf32>
    %all_reduce_population_count3A_770 = tpu.all_reduce %ge3A_769 {dim = 0 : i64, kind = #tpu.reduction_kind<sum>} : vector<16xi1> -> vector<16xi32>
    %sub3A_771 = arith.constant 1 : i32
    %sub3A_772 = vector.broadcast %sub3A_771 : i32 to vector<16xi32>
    %sub3A_773 = arith.subi %all_reduce_population_count3A_770, %sub3A_772 : vector<16xi32>
    %gt3A_774 = arith.cmpi sgt, %iota3A, %sub3A_773 : vector<16xi32>
    %select_n3A_775 = arith.select %gt3A_774, %gather3A_753, %broadcast_in_dim3A_0 : vector<16xi1>, vector<16xf32>
    %reduce_sum3A_776 = arith.constant true
    %reduce_sum3A_777 = vector.broadcast %reduce_sum3A_776 : i1 to vector<16xi1>
    %reduce_sum3A_778 = tpu.scan <sum>, %select_n3A_775 masked %reduce_sum3A_777 : vector<16xf32>, vector<16xi1> -> vector<16xf32>
    %reduce_sum3A_779 = vector.extract %reduce_sum3A_778[15] : f32 from vector<16xf32>
    %add3A_780 = arith.addf %reduce_sum3A_779, %reduce_sum3A_752 : f32
    %mul3A_781 = arith.constant 16 : i32
    %mul3A_782 = vector.broadcast %mul3A_781 : i32 to vector<16xi32>
    %mul3A_783 = arith.muli %sub3A_746, %mul3A_782 : vector<16xi32>
    %add3A_784 = arith.addi %mul3A_783, %sub3A_773 : vector<16xi32>
    %broadcast_in_dim3A_785 = vector.broadcast %add3A_780 : f32 to vector<16xf32>
    "tpu.trace_stop"() : () -> ()
    %sub3A_786 = arith.subf %sub3A_532, %broadcast_in_dim3A_785 : vector<16xf32>
    %reduce_max3A_787 = arith.constant true
    %reduce_max3A_788 = vector.broadcast %reduce_max3A_787 : i1 to vector<16xi1>
    %reduce_max3A_789 = tpu.scan <max>, %broadcast_in_dim3A_785 masked %reduce_max3A_788 : vector<16xf32>, vector<16xi1> -> vector<16xf32>
    %reduce_max3A_790 = vector.extract %reduce_max3A_789[15] : f32 from vector<16xf32>
    %add3A_791 = arith.addf %reduce_max3A_535, %reduce_max3A_790 : f32
    %shift_left3A_792 = arith.constant 16 : i32
    %shift_left3A_793 = vector.broadcast %shift_left3A_792 : i32 to vector<16xi32>
    %shift_left3A_794 = arith.shli %add3A_784, %shift_left3A_793 : vector<16xi32>
    %or3A = arith.ori %shift_left3A_537, %shift_left3A_794 : vector<16xi32>
    %swap3A_795 = arith.constant 0 : i32
    %swap3A_796 = arith.index_cast %swap3A_795 : i32 to index
    %swap3A_797 = arith.constant 0 : index
    %swap3A_798 = tpu.vector_load %arg6[%swap3A_796, %swap3A_797] {strides = array<i32>} : memref<48x16xf32, #tpu.memory_space<vmem>>, vector<16xf32>,
    tpu.vector_store %arg6[%swap3A_796, %swap3A_797], %broadcast_in_dim3A_0 {strides = array<i32>} : memref<48x16xf32, #tpu.memory_space<vmem>>, vector<16xf32>,
    %swap3A_799 = arith.constant 1 : i32
    %swap3A_800 = arith.index_cast %swap3A_799 : i32 to index
    %swap3A_801 = arith.constant 0 : index
    %swap3A_802 = tpu.vector_load %arg6[%swap3A_800, %swap3A_801] {strides = array<i32>} : memref<48x16xf32, #tpu.memory_space<vmem>>, vector<16xf32>,
    tpu.vector_store %arg6[%swap3A_800, %swap3A_801], %broadcast_in_dim3A_0 {strides = array<i32>} : memref<48x16xf32, #tpu.memory_space<vmem>>, vector<16xf32>,
    %swap3A_803 = arith.constant 2 : i32
    %swap3A_804 = arith.index_cast %swap3A_803 : i32 to index
    %swap3A_805 = arith.constant 0 : index
    %swap3A_806 = tpu.vector_load %arg6[%swap3A_804, %swap3A_805] {strides = array<i32>} : memref<48x16xf32, #tpu.memory_space<vmem>>, vector<16xf32>,
    tpu.vector_store %arg6[%swap3A_804, %swap3A_805], %broadcast_in_dim3A_0 {strides = array<i32>} : memref<48x16xf32, #tpu.memory_space<vmem>>, vector<16xf32>,
    %swap3A_807 = arith.constant 3 : i32
    %swap3A_808 = arith.index_cast %swap3A_807 : i32 to index
    %swap3A_809 = arith.constant 0 : index
    %swap3A_810 = tpu.vector_load %arg6[%swap3A_808, %swap3A_809] {strides = array<i32>} : memref<48x16xf32, #tpu.memory_space<vmem>>, vector<16xf32>,
    tpu.vector_store %arg6[%swap3A_808, %swap3A_809], %broadcast_in_dim3A_0 {strides = array<i32>} : memref<48x16xf32, #tpu.memory_space<vmem>>, vector<16xf32>,
    %swap3A_811 = arith.constant 4 : i32
    %swap3A_812 = arith.index_cast %swap3A_811 : i32 to index
    %swap3A_813 = arith.constant 0 : index
    %swap3A_814 = tpu.vector_load %arg6[%swap3A_812, %swap3A_813] {strides = array<i32>} : memref<48x16xf32, #tpu.memory_space<vmem>>, vector<16xf32>,
    tpu.vector_store %arg6[%swap3A_812, %swap3A_813], %broadcast_in_dim3A_0 {strides = array<i32>} : memref<48x16xf32, #tpu.memory_space<vmem>>, vector<16xf32>,
    %swap3A_815 = arith.constant 5 : i32
    %swap3A_816 = arith.index_cast %swap3A_815 : i32 to index
    %swap3A_817 = arith.constant 0 : index
    %swap3A_818 = tpu.vector_load %arg6[%swap3A_816, %swap3A_817] {strides = array<i32>} : memref<48x16xf32, #tpu.memory_space<vmem>>, vector<16xf32>,
    tpu.vector_store %arg6[%swap3A_816, %swap3A_817], %broadcast_in_dim3A_0 {strides = array<i32>} : memref<48x16xf32, #tpu.memory_space<vmem>>, vector<16xf32>,
    %swap3A_819 = arith.constant 6 : i32
    %swap3A_820 = arith.index_cast %swap3A_819 : i32 to index
    %swap3A_821 = arith.constant 0 : index
    %swap3A_822 = tpu.vector_load %arg6[%swap3A_820, %swap3A_821] {strides = array<i32>} : memref<48x16xf32, #tpu.memory_space<vmem>>, vector<16xf32>,
    tpu.vector_store %arg6[%swap3A_820, %swap3A_821], %broadcast_in_dim3A_0 {strides = array<i32>} : memref<48x16xf32, #tpu.memory_space<vmem>>, vector<16xf32>,
    %swap3A_823 = arith.constant 7 : i32
    %swap3A_824 = arith.index_cast %swap3A_823 : i32 to index
    %swap3A_825 = arith.constant 0 : index
    %swap3A_826 = tpu.vector_load %arg6[%swap3A_824, %swap3A_825] {strides = array<i32>} : memref<48x16xf32, #tpu.memory_space<vmem>>, vector<16xf32>,
    tpu.vector_store %arg6[%swap3A_824, %swap3A_825], %broadcast_in_dim3A_0 {strides = array<i32>} : memref<48x16xf32, #tpu.memory_space<vmem>>, vector<16xf32>,
    %swap3A_827 = arith.constant 8 : i32
    %swap3A_828 = arith.index_cast %swap3A_827 : i32 to index
    %swap3A_829 = arith.constant 0 : index
    %swap3A_830 = tpu.vector_load %arg6[%swap3A_828, %swap3A_829] {strides = array<i32>} : memref<48x16xf32, #tpu.memory_space<vmem>>, vector<16xf32>,
    tpu.vector_store %arg6[%swap3A_828, %swap3A_829], %broadcast_in_dim3A_0 {strides = array<i32>} : memref<48x16xf32, #tpu.memory_space<vmem>>, vector<16xf32>,
    %swap3A_831 = arith.constant 9 : i32
    %swap3A_832 = arith.index_cast %swap3A_831 : i32 to index
    %swap3A_833 = arith.constant 0 : index
    %swap3A_834 = tpu.vector_load %arg6[%swap3A_832, %swap3A_833] {strides = array<i32>} : memref<48x16xf32, #tpu.memory_space<vmem>>, vector<16xf32>,
    tpu.vector_store %arg6[%swap3A_832, %swap3A_833], %broadcast_in_dim3A_0 {strides = array<i32>} : memref<48x16xf32, #tpu.memory_space<vmem>>, vector<16xf32>,
    %swap3A_835 = arith.constant 10 : i32
    %swap3A_836 = arith.index_cast %swap3A_835 : i32 to index
    %swap3A_837 = arith.constant 0 : index
    %swap3A_838 = tpu.vector_load %arg6[%swap3A_836, %swap3A_837] {strides = array<i32>} : memref<48x16xf32, #tpu.memory_space<vmem>>, vector<16xf32>,
    tpu.vector_store %arg6[%swap3A_836, %swap3A_837], %broadcast_in_dim3A_0 {strides = array<i32>} : memref<48x16xf32, #tpu.memory_space<vmem>>, vector<16xf32>,
    %swap3A_839 = arith.constant 11 : i32
    %swap3A_840 = arith.index_cast %swap3A_839 : i32 to index
    %swap3A_841 = arith.constant 0 : index
    %swap3A_842 = tpu.vector_load %arg6[%swap3A_840, %swap3A_841] {strides = array<i32>} : memref<48x16xf32, #tpu.memory_space<vmem>>, vector<16xf32>,
    tpu.vector_store %arg6[%swap3A_840, %swap3A_841], %broadcast_in_dim3A_0 {strides = array<i32>} : memref<48x16xf32, #tpu.memory_space<vmem>>, vector<16xf32>,
    %swap3A_843 = arith.constant 12 : i32
    %swap3A_844 = arith.index_cast %swap3A_843 : i32 to index
    %swap3A_845 = arith.constant 0 : index
    %swap3A_846 = tpu.vector_load %arg6[%swap3A_844, %swap3A_845] {strides = array<i32>} : memref<48x16xf32, #tpu.memory_space<vmem>>, vector<16xf32>,
    tpu.vector_store %arg6[%swap3A_844, %swap3A_845], %broadcast_in_dim3A_0 {strides = array<i32>} : memref<48x16xf32, #tpu.memory_space<vmem>>, vector<16xf32>,
    %swap3A_847 = arith.constant 13 : i32
    %swap3A_848 = arith.index_cast %swap3A_847 : i32 to index
    %swap3A_849 = arith.constant 0 : index
    %swap3A_850 = tpu.vector_load %arg6[%swap3A_848, %swap3A_849] {strides = array<i32>} : memref<48x16xf32, #tpu.memory_space<vmem>>, vector<16xf32>,
    tpu.vector_store %arg6[%swap3A_848, %swap3A_849], %broadcast_in_dim3A_0 {strides = array<i32>} : memref<48x16xf32, #tpu.memory_space<vmem>>, vector<16xf32>,
    %swap3A_851 = arith.constant 14 : i32
    %swap3A_852 = arith.index_cast %swap3A_851 : i32 to index
    %swap3A_853 = arith.constant 0 : index
    %swap3A_854 = tpu.vector_load %arg6[%swap3A_852, %swap3A_853] {strides = array<i32>} : memref<48x16xf32, #tpu.memory_space<vmem>>, vector<16xf32>,
    tpu.vector_store %arg6[%swap3A_852, %swap3A_853], %broadcast_in_dim3A_0 {strides = array<i32>} : memref<48x16xf32, #tpu.memory_space<vmem>>, vector<16xf32>,
    %swap3A_855 = arith.constant 15 : i32
    %swap3A_856 = arith.index_cast %swap3A_855 : i32 to index
    %swap3A_857 = arith.constant 0 : index
    %swap3A_858 = tpu.vector_load %arg6[%swap3A_856, %swap3A_857] {strides = array<i32>} : memref<48x16xf32, #tpu.memory_space<vmem>>, vector<16xf32>,
    tpu.vector_store %arg6[%swap3A_856, %swap3A_857], %broadcast_in_dim3A_0 {strides = array<i32>} : memref<48x16xf32, #tpu.memory_space<vmem>>, vector<16xf32>,
    %while3A = arith.constant 0 : i32
    %while3A_859 = arith.constant 0 : i32
    "tpu.trace_start"() <{level = 10 : i32, message = "ph_rr"}> : () -> ()
    %while3A_860 = arith.subi %select_n3A_647, %while3A_859 : i32
    %while3A_861 = arith.addi %while3A_859, %while3A_860 : i32
    %while3A_862 = arith.constant 1 : i32
    %while3A_863 = arith.divsi %while3A_860, %while3A_862 : i32
    %while3A_864 = arith.muli %while3A_863, %while3A_862 : i32
    %while3A_865 = arith.addi %while3A_859, %while3A_864 : i32
    %while3A_866 = arith.constant 1 : i32
    scf.for %while3A_1460 = %while3A_859 to %while3A_865 step %while3A_866  : i32 {
      %mul3A_1461 = arith.constant 16 : i32
      %mul3A_1462 = arith.muli %while3A_1460, %mul3A_1461 : i32
      %get3A_1463 = arith.index_cast %mul3A_1462 : i32 to index
      %get3A_1464 = tpu.vector_load %arg5[%get3A_1463] {strides = array<i32>} : memref<2048xi32, #tpu.memory_space<vmem>>, vector<16xi32>,
      %bitcast_convert_type3A_1465 = tpu.bitcast %get3A_1464 : vector<16xi32> -> vector<16xi32>
      %mul3A_1466 = arith.constant 16 : i32
      %mul3A_1467 = arith.muli %while3A_1460, %mul3A_1466 : i32
      %add3A_1468 = vector.broadcast %mul3A_1467 : i32 to vector<16xi32>
      %add3A_1469 = arith.addi %add3A_1468, %iota3A : vector<16xi32>
      %lt3A = arith.cmpi slt, %add3A_1469, %scan3A_616 : vector<16xi32>
      %xor3A_1470 = arith.xori %bitcast_convert_type3A_1465, %or3A : vector<16xi32>
      %shift_right_logical3A_1471 = arith.constant 16 : i32
      %shift_right_logical3A_1472 = vector.broadcast %shift_right_logical3A_1471 : i32 to vector<16xi32>
      %shift_right_logical3A_1473 = arith.shrui %xor3A_1470, %shift_right_logical3A_1472 : vector<16xi32>
      %eq3A_1474 = arith.constant 0 : i32
      %eq3A_1475 = vector.broadcast %eq3A_1474 : i32 to vector<16xi32>
      %eq3A_1476 = arith.cmpi eq, %shift_right_logical3A_1473, %eq3A_1475 : vector<16xi32>
      %and3A_1477 = arith.andi %eq3A_1476, %lt3A : vector<16xi1>
      %shift_right_logical3A_1478 = arith.constant 12 : i32
      %shift_right_logical3A_1479 = vector.broadcast %shift_right_logical3A_1478 : i32 to vector<16xi32>
      %shift_right_logical3A_1480 = arith.shrui %bitcast_convert_type3A_1465, %shift_right_logical3A_1479 : vector<16xi32>
      %and3A_1481 = arith.constant 15 : i32
      %and3A_1482 = vector.broadcast %and3A_1481 : i32 to vector<16xi32>
      %and3A_1483 = arith.andi %shift_right_logical3A_1480, %and3A_1482 : vector<16xi32>
      %shift_right_logical3A_1484 = arith.constant 8 : i32
      %shift_right_logical3A_1485 = vector.broadcast %shift_right_logical3A_1484 : i32 to vector<16xi32>
      %shift_right_logical3A_1486 = arith.shrui %bitcast_convert_type3A_1465, %shift_right_logical3A_1485 : vector<16xi32>
      %and3A_1487 = arith.constant 15 : i32
      %and3A_1488 = vector.broadcast %and3A_1487 : i32 to vector<16xi32>
      %and3A_1489 = arith.andi %shift_right_logical3A_1486, %and3A_1488 : vector<16xi32>
      tpu.vector_store_idx %arg6[%and3A_1489, %and3A_1483], %broadcast_in_dim3A_2 masked %and3A_1477 {add = true} : memref<48x16xf32, #tpu.memory_space<vmem>>[vector<16xi32>, vector<16xi32>], vector<16xf32>, vector<16xi1>
    }
    %while3A_867 = arith.constant 1 : i32
    scf.for %while3A_1460 = %while3A_865 to %while3A_861 step %while3A_867  : i32 {
      %mul3A_1461 = arith.constant 16 : i32
      %mul3A_1462 = arith.muli %while3A_1460, %mul3A_1461 : i32
      %get3A_1463 = arith.index_cast %mul3A_1462 : i32 to index
      %get3A_1464 = tpu.vector_load %arg5[%get3A_1463] {strides = array<i32>} : memref<2048xi32, #tpu.memory_space<vmem>>, vector<16xi32>,
      %bitcast_convert_type3A_1465 = tpu.bitcast %get3A_1464 : vector<16xi32> -> vector<16xi32>
      %mul3A_1466 = arith.constant 16 : i32
      %mul3A_1467 = arith.muli %while3A_1460, %mul3A_1466 : i32
      %add3A_1468 = vector.broadcast %mul3A_1467 : i32 to vector<16xi32>
      %add3A_1469 = arith.addi %add3A_1468, %iota3A : vector<16xi32>
      %lt3A = arith.cmpi slt, %add3A_1469, %scan3A_616 : vector<16xi32>
      %xor3A_1470 = arith.xori %bitcast_convert_type3A_1465, %or3A : vector<16xi32>
      %shift_right_logical3A_1471 = arith.constant 16 : i32
      %shift_right_logical3A_1472 = vector.broadcast %shift_right_logical3A_1471 : i32 to vector<16xi32>
      %shift_right_logical3A_1473 = arith.shrui %xor3A_1470, %shift_right_logical3A_1472 : vector<16xi32>
      %eq3A_1474 = arith.constant 0 : i32
      %eq3A_1475 = vector.broadcast %eq3A_1474 : i32 to vector<16xi32>
      %eq3A_1476 = arith.cmpi eq, %shift_right_logical3A_1473, %eq3A_1475 : vector<16xi32>
      %and3A_1477 = arith.andi %eq3A_1476, %lt3A : vector<16xi1>
      %shift_right_logical3A_1478 = arith.constant 12 : i32
      %shift_right_logical3A_1479 = vector.broadcast %shift_right_logical3A_1478 : i32 to vector<16xi32>
      %shift_right_logical3A_1480 = arith.shrui %bitcast_convert_type3A_1465, %shift_right_logical3A_1479 : vector<16xi32>
      %and3A_1481 = arith.constant 15 : i32
      %and3A_1482 = vector.broadcast %and3A_1481 : i32 to vector<16xi32>
      %and3A_1483 = arith.andi %shift_right_logical3A_1480, %and3A_1482 : vector<16xi32>
      %shift_right_logical3A_1484 = arith.constant 8 : i32
      %shift_right_logical3A_1485 = vector.broadcast %shift_right_logical3A_1484 : i32 to vector<16xi32>
      %shift_right_logical3A_1486 = arith.shrui %bitcast_convert_type3A_1465, %shift_right_logical3A_1485 : vector<16xi32>
      %and3A_1487 = arith.constant 15 : i32
      %and3A_1488 = vector.broadcast %and3A_1487 : i32 to vector<16xi32>
      %and3A_1489 = arith.andi %shift_right_logical3A_1486, %and3A_1488 : vector<16xi32>
      tpu.vector_store_idx %arg6[%and3A_1489, %and3A_1483], %broadcast_in_dim3A_2 masked %and3A_1477 {add = true} : memref<48x16xf32, #tpu.memory_space<vmem>>[vector<16xi32>, vector<16xi32>], vector<16xf32>, vector<16xi1>
    }
    "tpu.trace_stop"() : () -> ()
    "tpu.trace_start"() <{level = 10 : i32, message = "ph_rmerge"}> : () -> ()
    "tpu.region"() ({
      %run_scoped3A = tpu.sem_alloc : memref<!tpu.dma_semaphore, #tpu.memory_space<semaphore_mem>>
      %dma_start3A_1460 = arith.constant 0 : i32
      %dma_start3A_1461 = arith.constant 0 : i32
      %dma_start3A_1462 = tpu.memref_slice %arg6[%dma_start3A_1460, %dma_start3A_1461] : memref<48x16xf32, #tpu.memory_space<vmem>> -> memref<16x16xf32, #tpu.memory_space<vmem>>
      %dma_start3A_1463 = arith.constant 0 : i32
      %dma_start3A_1464 = arith.constant 0 : i32
      %dma_start3A_1465 = tpu.memref_slice %arg13[%dma_start3A_1463, %dma_start3A_1464] : memref<32x16xf32, #tpu.memory_space<vmem_shared>> -> memref<32x16xf32, #tpu.memory_space<vmem_shared>>
      tpu.enqueue_indirect_dma source(%dma_start3A_1462 : memref<16x16xf32, #tpu.memory_space<vmem>>) target(%dma_start3A_1465 : memref<32x16xf32, #tpu.memory_space<vmem_shared>>) offsets(%iota3A : vector<16xi32>) semaphore(%run_scoped3A : memref<!tpu.dma_semaphore, #tpu.memory_space<semaphore_mem>>) {add = true}
      %dma_wait3A_1466 = arith.constant 0 : i32
      %dma_wait3A_1467 = arith.constant 0 : i32
      %dma_wait3A_1468 = tpu.memref_slice %arg6[%dma_wait3A_1466, %dma_wait3A_1467] : memref<48x16xf32, #tpu.memory_space<vmem>> -> memref<16x16xf32, #tpu.memory_space<vmem>>
      %dma_wait3A_1469 = arith.constant 0 : i32
      %dma_wait3A_1470 = arith.constant 0 : i32
      %dma_wait3A_1471 = tpu.memref_slice %arg13[%dma_wait3A_1469, %dma_wait3A_1470] : memref<32x16xf32, #tpu.memory_space<vmem_shared>> -> memref<32x16xf32, #tpu.memory_space<vmem_shared>>
      tpu.wait_indirect_dma semaphore(%run_scoped3A : memref<!tpu.dma_semaphore, #tpu.memory_space<semaphore_mem>>) src(%dma_wait3A_1468 : memref<16x16xf32, #tpu.memory_space<vmem>>) dst(%dma_wait3A_1471 : memref<32x16xf32, #tpu.memory_space<vmem_shared>>)
      tpu.yield
    }) : () -> ()
    %barrier3A_868 = arith.constant 0 : index
    tpu.barrier barrier_id(%barrier3A_868)
    "tpu.region"() ({
      %run_scoped3A = tpu.sem_alloc : memref<!tpu.dma_semaphore, #tpu.memory_space<semaphore_mem>>
      %dma_start3A_1460 = arith.constant 0 : i32
      %dma_start3A_1461 = arith.constant 0 : i32
      %dma_start3A_1462 = tpu.memref_slice %arg7[%dma_start3A_1460, %dma_start3A_1461] : memref<48x16xf32, #tpu.memory_space<vmem>> -> memref<16x16xf32, #tpu.memory_space<vmem>>
      %dma_start3A_1463 = arith.constant 0 : i32
      %dma_start3A_1464 = arith.constant 0 : i32
      %dma_start3A_1465 = tpu.memref_slice %arg13[%dma_start3A_1463, %dma_start3A_1464] : memref<32x16xf32, #tpu.memory_space<vmem_shared>> -> memref<16x16xf32, #tpu.memory_space<vmem_shared>>
      %dma_start3A_1466 = arith.constant 0 : i32
      %dma_start3A_1467 = arith.constant 0 : i32
      %dma_start3A_1468 = tpu.memref_slice %arg7[%dma_start3A_1466, %dma_start3A_1467] : memref<48x16xf32, #tpu.memory_space<vmem>> -> memref<16x16xf32, #tpu.memory_space<vmem>>
      %dma_start3A_1469 = arith.constant 0 : i32
      %dma_start3A_1470 = arith.constant 0 : i32
      %dma_start3A_1471 = tpu.memref_slice %arg13[%dma_start3A_1469, %dma_start3A_1470] : memref<32x16xf32, #tpu.memory_space<vmem_shared>> -> memref<16x16xf32, #tpu.memory_space<vmem_shared>>
      tpu.enqueue_dma source(%dma_start3A_1471 : memref<16x16xf32, #tpu.memory_space<vmem_shared>>) target(%dma_start3A_1468 : memref<16x16xf32, #tpu.memory_space<vmem>>) target_semaphore(%run_scoped3A : memref<!tpu.dma_semaphore, #tpu.memory_space<semaphore_mem>>)
      %dma_wait3A_1472 = arith.constant 0 : i32
      %dma_wait3A_1473 = arith.constant 0 : i32
      %dma_wait3A_1474 = tpu.memref_slice %arg7[%dma_wait3A_1472, %dma_wait3A_1473] : memref<48x16xf32, #tpu.memory_space<vmem>> -> memref<16x16xf32, #tpu.memory_space<vmem>>
      %dma_wait3A_1475 = arith.constant 0 : i32
      %dma_wait3A_1476 = arith.constant 0 : i32
      %dma_wait3A_1477 = tpu.memref_slice %arg13[%dma_wait3A_1475, %dma_wait3A_1476] : memref<32x16xf32, #tpu.memory_space<vmem_shared>> -> memref<16x16xf32, #tpu.memory_space<vmem_shared>>
      %dma_wait3A_1478 = arith.constant 0 : i32
      %dma_wait3A_1479 = arith.constant 0 : i32
      %dma_wait3A_1480 = tpu.memref_slice %arg7[%dma_wait3A_1478, %dma_wait3A_1479] : memref<48x16xf32, #tpu.memory_space<vmem>> -> memref<16x16xf32, #tpu.memory_space<vmem>>
      %dma_wait3A_1481 = arith.constant 0 : i32
      %dma_wait3A_1482 = arith.constant 0 : i32
      %dma_wait3A_1483 = tpu.memref_slice %arg13[%dma_wait3A_1481, %dma_wait3A_1482] : memref<32x16xf32, #tpu.memory_space<vmem_shared>> -> memref<16x16xf32, #tpu.memory_space<vmem_shared>>
      tpu.wait_dma2 semaphore(%run_scoped3A : memref<!tpu.dma_semaphore, #tpu.memory_space<semaphore_mem>>) src(%dma_wait3A_1483 : memref<16x16xf32, #tpu.memory_space<vmem_shared>>) dst(%dma_wait3A_1480 : memref<16x16xf32, #tpu.memory_space<vmem>>)
      tpu.yield
    }) : () -> ()
    %get3A_869 = arith.constant 0 : i32
    "tpu.trace_stop"() : () -> ()
    "tpu.trace_start"() <{level = 10 : i32, message = "ph_rscan"}> : () -> ()
    %get3A_870 = arith.index_cast %get3A_869 : i32 to index
    %get3A_871 = arith.constant 0 : index
    %get3A_872 = tpu.vector_load %arg7[%get3A_870, %get3A_871] {strides = array<i32>} : memref<48x16xf32, #tpu.memory_space<vmem>>, vector<16xf32>,
    %add3A_873 = arith.addf %broadcast_in_dim3A_0, %get3A_872 : vector<16xf32>
    %get3A_874 = arith.constant 1 : i32
    %get3A_875 = arith.index_cast %get3A_874 : i32 to index
    %get3A_876 = arith.constant 0 : index
    %get3A_877 = tpu.vector_load %arg7[%get3A_875, %get3A_876] {strides = array<i32>} : memref<48x16xf32, #tpu.memory_space<vmem>>, vector<16xf32>,
    %add3A_878 = arith.addf %add3A_873, %get3A_877 : vector<16xf32>
    %get3A_879 = arith.constant 2 : i32
    %get3A_880 = arith.index_cast %get3A_879 : i32 to index
    %get3A_881 = arith.constant 0 : index
    %get3A_882 = tpu.vector_load %arg7[%get3A_880, %get3A_881] {strides = array<i32>} : memref<48x16xf32, #tpu.memory_space<vmem>>, vector<16xf32>,
    %add3A_883 = arith.addf %add3A_878, %get3A_882 : vector<16xf32>
    %get3A_884 = arith.constant 3 : i32
    %get3A_885 = arith.index_cast %get3A_884 : i32 to index
    %get3A_886 = arith.constant 0 : index
    %get3A_887 = tpu.vector_load %arg7[%get3A_885, %get3A_886] {strides = array<i32>} : memref<48x16xf32, #tpu.memory_space<vmem>>, vector<16xf32>,
    %add3A_888 = arith.addf %add3A_883, %get3A_887 : vector<16xf32>
    %get3A_889 = arith.constant 4 : i32
    %get3A_890 = arith.index_cast %get3A_889 : i32 to index
    %get3A_891 = arith.constant 0 : index
    %get3A_892 = tpu.vector_load %arg7[%get3A_890, %get3A_891] {strides = array<i32>} : memref<48x16xf32, #tpu.memory_space<vmem>>, vector<16xf32>,
    %add3A_893 = arith.addf %add3A_888, %get3A_892 : vector<16xf32>
    %get3A_894 = arith.constant 5 : i32
    %get3A_895 = arith.index_cast %get3A_894 : i32 to index
    %get3A_896 = arith.constant 0 : index
    %get3A_897 = tpu.vector_load %arg7[%get3A_895, %get3A_896] {strides = array<i32>} : memref<48x16xf32, #tpu.memory_space<vmem>>, vector<16xf32>,
    %add3A_898 = arith.addf %add3A_893, %get3A_897 : vector<16xf32>
    %get3A_899 = arith.constant 6 : i32
    %get3A_900 = arith.index_cast %get3A_899 : i32 to index
    %get3A_901 = arith.constant 0 : index
    %get3A_902 = tpu.vector_load %arg7[%get3A_900, %get3A_901] {strides = array<i32>} : memref<48x16xf32, #tpu.memory_space<vmem>>, vector<16xf32>,
    %add3A_903 = arith.addf %add3A_898, %get3A_902 : vector<16xf32>
    %get3A_904 = arith.constant 7 : i32
    %get3A_905 = arith.index_cast %get3A_904 : i32 to index
    %get3A_906 = arith.constant 0 : index
    %get3A_907 = tpu.vector_load %arg7[%get3A_905, %get3A_906] {strides = array<i32>} : memref<48x16xf32, #tpu.memory_space<vmem>>, vector<16xf32>,
    %add3A_908 = arith.addf %add3A_903, %get3A_907 : vector<16xf32>
    %get3A_909 = arith.constant 8 : i32
    %get3A_910 = arith.index_cast %get3A_909 : i32 to index
    %get3A_911 = arith.constant 0 : index
    %get3A_912 = tpu.vector_load %arg7[%get3A_910, %get3A_911] {strides = array<i32>} : memref<48x16xf32, #tpu.memory_space<vmem>>, vector<16xf32>,
    %add3A_913 = arith.addf %add3A_908, %get3A_912 : vector<16xf32>
    %get3A_914 = arith.constant 9 : i32
    %get3A_915 = arith.index_cast %get3A_914 : i32 to index
    %get3A_916 = arith.constant 0 : index
    %get3A_917 = tpu.vector_load %arg7[%get3A_915, %get3A_916] {strides = array<i32>} : memref<48x16xf32, #tpu.memory_space<vmem>>, vector<16xf32>,
    %add3A_918 = arith.addf %add3A_913, %get3A_917 : vector<16xf32>
    %get3A_919 = arith.constant 10 : i32
    %get3A_920 = arith.index_cast %get3A_919 : i32 to index
    %get3A_921 = arith.constant 0 : index
    %get3A_922 = tpu.vector_load %arg7[%get3A_920, %get3A_921] {strides = array<i32>} : memref<48x16xf32, #tpu.memory_space<vmem>>, vector<16xf32>,
    %add3A_923 = arith.addf %add3A_918, %get3A_922 : vector<16xf32>
    %get3A_924 = arith.constant 11 : i32
    %get3A_925 = arith.index_cast %get3A_924 : i32 to index
    %get3A_926 = arith.constant 0 : index
    %get3A_927 = tpu.vector_load %arg7[%get3A_925, %get3A_926] {strides = array<i32>} : memref<48x16xf32, #tpu.memory_space<vmem>>, vector<16xf32>,
    %add3A_928 = arith.addf %add3A_923, %get3A_927 : vector<16xf32>
    %get3A_929 = arith.constant 12 : i32
    %get3A_930 = arith.index_cast %get3A_929 : i32 to index
    %get3A_931 = arith.constant 0 : index
    %get3A_932 = tpu.vector_load %arg7[%get3A_930, %get3A_931] {strides = array<i32>} : memref<48x16xf32, #tpu.memory_space<vmem>>, vector<16xf32>,
    %add3A_933 = arith.addf %add3A_928, %get3A_932 : vector<16xf32>
    %get3A_934 = arith.constant 13 : i32
    %get3A_935 = arith.index_cast %get3A_934 : i32 to index
    %get3A_936 = arith.constant 0 : index
    %get3A_937 = tpu.vector_load %arg7[%get3A_935, %get3A_936] {strides = array<i32>} : memref<48x16xf32, #tpu.memory_space<vmem>>, vector<16xf32>,
    %add3A_938 = arith.addf %add3A_933, %get3A_937 : vector<16xf32>
    %get3A_939 = arith.constant 14 : i32
    %get3A_940 = arith.index_cast %get3A_939 : i32 to index
    %get3A_941 = arith.constant 0 : index
    %get3A_942 = tpu.vector_load %arg7[%get3A_940, %get3A_941] {strides = array<i32>} : memref<48x16xf32, #tpu.memory_space<vmem>>, vector<16xf32>,
    %add3A_943 = arith.addf %add3A_938, %get3A_942 : vector<16xf32>
    %get3A_944 = arith.constant 15 : i32
    %get3A_945 = arith.index_cast %get3A_944 : i32 to index
    %get3A_946 = arith.constant 0 : index
    %get3A_947 = tpu.vector_load %arg7[%get3A_945, %get3A_946] {strides = array<i32>} : memref<48x16xf32, #tpu.memory_space<vmem>>, vector<16xf32>,
    %add3A_948 = arith.addf %add3A_943, %get3A_947 : vector<16xf32>
    %rev3A_949 = arith.constant 15 : i32
    %rev3A_950 = vector.broadcast %rev3A_949 : i32 to vector<16xi32>
    %rev3A_951 = tpu.iota {dimensions = array<i32: 0>} : vector<16xi32>
    %rev3A_952 = arith.subi %rev3A_950, %rev3A_951 : vector<16xi32>
    %rev3A_953 = tpu.dynamic_gather %add3A_948[%rev3A_952] in [0] : vector<16xf32>, vector<16xi32> -> vector<16xf32>
    %broadcast_in_dim3A_954 = arith.constant true
    %broadcast_in_dim3A_955 = vector.broadcast %broadcast_in_dim3A_954 : i1 to vector<16xi1>
    %masked_cumsum3A_956 = tpu.scan <sum>, %rev3A_953 masked %broadcast_in_dim3A_955 : vector<16xf32>, vector<16xi1> -> vector<16xf32>
    %rev3A_957 = arith.constant 15 : i32
    %rev3A_958 = vector.broadcast %rev3A_957 : i32 to vector<16xi32>
    %rev3A_959 = tpu.iota {dimensions = array<i32: 0>} : vector<16xi32>
    %rev3A_960 = arith.subi %rev3A_958, %rev3A_959 : vector<16xi32>
    %rev3A_961 = tpu.dynamic_gather %masked_cumsum3A_956[%rev3A_960] in [0] : vector<16xf32>, vector<16xi32> -> vector<16xf32>
    %ge3A_962 = arith.cmpf oge, %rev3A_961, %sub3A_786 : vector<16xf32>
    %all_reduce_population_count3A_963 = tpu.all_reduce %ge3A_962 {dim = 0 : i64, kind = #tpu.reduction_kind<sum>} : vector<16xi1> -> vector<16xi32>
    %sub3A_964 = arith.constant 1 : i32
    %sub3A_965 = vector.broadcast %sub3A_964 : i32 to vector<16xi32>
    %sub3A_966 = arith.subi %all_reduce_population_count3A_963, %sub3A_965 : vector<16xi32>
    %gt3A_967 = arith.cmpi sgt, %iota3A, %sub3A_966 : vector<16xi32>
    %select_n3A_968 = arith.select %gt3A_967, %add3A_948, %broadcast_in_dim3A_0 : vector<16xi1>, vector<16xf32>
    %reduce_sum3A_969 = arith.constant true
    %reduce_sum3A_970 = vector.broadcast %reduce_sum3A_969 : i1 to vector<16xi1>
    %reduce_sum3A_971 = tpu.scan <sum>, %select_n3A_968 masked %reduce_sum3A_970 : vector<16xf32>, vector<16xi1> -> vector<16xf32>
    %reduce_sum3A_972 = vector.extract %reduce_sum3A_971[15] : f32 from vector<16xf32>
    %gather3A_973 = tpu.vector_load_idx %arg7[%iota3A, %sub3A_966] : memref<48x16xf32, #tpu.memory_space<vmem>>[vector<16xi32>, vector<16xi32>], vector<16xf32>,
    %rev3A_974 = arith.constant 15 : i32
    %rev3A_975 = vector.broadcast %rev3A_974 : i32 to vector<16xi32>
    %rev3A_976 = tpu.iota {dimensions = array<i32: 0>} : vector<16xi32>
    %rev3A_977 = arith.subi %rev3A_975, %rev3A_976 : vector<16xi32>
    %rev3A_978 = tpu.dynamic_gather %gather3A_973[%rev3A_977] in [0] : vector<16xf32>, vector<16xi32> -> vector<16xf32>
    %broadcast_in_dim3A_979 = arith.constant true
    %broadcast_in_dim3A_980 = vector.broadcast %broadcast_in_dim3A_979 : i1 to vector<16xi1>
    %masked_cumsum3A_981 = tpu.scan <sum>, %rev3A_978 masked %broadcast_in_dim3A_980 : vector<16xf32>, vector<16xi1> -> vector<16xf32>
    %rev3A_982 = arith.constant 15 : i32
    %rev3A_983 = vector.broadcast %rev3A_982 : i32 to vector<16xi32>
    %rev3A_984 = tpu.iota {dimensions = array<i32: 0>} : vector<16xi32>
    %rev3A_985 = arith.subi %rev3A_983, %rev3A_984 : vector<16xi32>
    %rev3A_986 = tpu.dynamic_gather %masked_cumsum3A_981[%rev3A_985] in [0] : vector<16xf32>, vector<16xi32> -> vector<16xf32>
    %broadcast_in_dim3A_987 = vector.broadcast %reduce_sum3A_972 : f32 to vector<16xf32>
    %add3A_988 = arith.addf %rev3A_986, %broadcast_in_dim3A_987 : vector<16xf32>
    %ge3A_989 = arith.cmpf oge, %add3A_988, %sub3A_786 : vector<16xf32>
    %all_reduce_population_count3A_990 = tpu.all_reduce %ge3A_989 {dim = 0 : i64, kind = #tpu.reduction_kind<sum>} : vector<16xi1> -> vector<16xi32>
    %sub3A_991 = arith.constant 1 : i32
    %sub3A_992 = vector.broadcast %sub3A_991 : i32 to vector<16xi32>
    %sub3A_993 = arith.subi %all_reduce_population_count3A_990, %sub3A_992 : vector<16xi32>
    %gt3A_994 = arith.cmpi sgt, %iota3A, %sub3A_993 : vector<16xi32>
    %select_n3A_995 = arith.select %gt3A_994, %gather3A_973, %broadcast_in_dim3A_0 : vector<16xi1>, vector<16xf32>
    %reduce_sum3A_996 = arith.constant true
    %reduce_sum3A_997 = vector.broadcast %reduce_sum3A_996 : i1 to vector<16xi1>
    %reduce_sum3A_998 = tpu.scan <sum>, %select_n3A_995 masked %reduce_sum3A_997 : vector<16xf32>, vector<16xi1> -> vector<16xf32>
    %reduce_sum3A_999 = vector.extract %reduce_sum3A_998[15] : f32 from vector<16xf32>
    %add3A_1000 = arith.addf %reduce_sum3A_999, %reduce_sum3A_972 : f32
    %mul3A_1001 = arith.constant 16 : i32
    %mul3A_1002 = vector.broadcast %mul3A_1001 : i32 to vector<16xi32>
    %mul3A_1003 = arith.muli %sub3A_966, %mul3A_1002 : vector<16xi32>
    %add3A_1004 = arith.addi %mul3A_1003, %sub3A_993 : vector<16xi32>
    %broadcast_in_dim3A_1005 = vector.broadcast %add3A_1000 : f32 to vector<16xf32>
    "tpu.trace_stop"() : () -> ()
    %sub3A_1006 = arith.subf %sub3A_786, %broadcast_in_dim3A_1005 : vector<16xf32>
    %reduce_max3A_1007 = arith.constant true
    %reduce_max3A_1008 = vector.broadcast %reduce_max3A_1007 : i1 to vector<16xi1>
    %reduce_max3A_1009 = tpu.scan <max>, %broadcast_in_dim3A_1005 masked %reduce_max3A_1008 : vector<16xf32>, vector<16xi1> -> vector<16xf32>
    %reduce_max3A_1010 = vector.extract %reduce_max3A_1009[15] : f32 from vector<16xf32>
    %add3A_1011 = arith.addf %add3A_791, %reduce_max3A_1010 : f32
    %shift_left3A_1012 = arith.constant 8 : i32
    %shift_left3A_1013 = vector.broadcast %shift_left3A_1012 : i32 to vector<16xi32>
    %shift_left3A_1014 = arith.shli %add3A_1004, %shift_left3A_1013 : vector<16xi32>
    %or3A_1015 = arith.ori %or3A, %shift_left3A_1014 : vector<16xi32>
    %swap3A_1016 = arith.constant 0 : i32
    %swap3A_1017 = arith.index_cast %swap3A_1016 : i32 to index
    %swap3A_1018 = arith.constant 0 : index
    %swap3A_1019 = tpu.vector_load %arg6[%swap3A_1017, %swap3A_1018] {strides = array<i32>} : memref<48x16xf32, #tpu.memory_space<vmem>>, vector<16xf32>,
    tpu.vector_store %arg6[%swap3A_1017, %swap3A_1018], %broadcast_in_dim3A_0 {strides = array<i32>} : memref<48x16xf32, #tpu.memory_space<vmem>>, vector<16xf32>,
    %swap3A_1020 = arith.constant 1 : i32
    %swap3A_1021 = arith.index_cast %swap3A_1020 : i32 to index
    %swap3A_1022 = arith.constant 0 : index
    %swap3A_1023 = tpu.vector_load %arg6[%swap3A_1021, %swap3A_1022] {strides = array<i32>} : memref<48x16xf32, #tpu.memory_space<vmem>>, vector<16xf32>,
    tpu.vector_store %arg6[%swap3A_1021, %swap3A_1022], %broadcast_in_dim3A_0 {strides = array<i32>} : memref<48x16xf32, #tpu.memory_space<vmem>>, vector<16xf32>,
    %swap3A_1024 = arith.constant 2 : i32
    %swap3A_1025 = arith.index_cast %swap3A_1024 : i32 to index
    %swap3A_1026 = arith.constant 0 : index
    %swap3A_1027 = tpu.vector_load %arg6[%swap3A_1025, %swap3A_1026] {strides = array<i32>} : memref<48x16xf32, #tpu.memory_space<vmem>>, vector<16xf32>,
    tpu.vector_store %arg6[%swap3A_1025, %swap3A_1026], %broadcast_in_dim3A_0 {strides = array<i32>} : memref<48x16xf32, #tpu.memory_space<vmem>>, vector<16xf32>,
    %swap3A_1028 = arith.constant 3 : i32
    %swap3A_1029 = arith.index_cast %swap3A_1028 : i32 to index
    %swap3A_1030 = arith.constant 0 : index
    %swap3A_1031 = tpu.vector_load %arg6[%swap3A_1029, %swap3A_1030] {strides = array<i32>} : memref<48x16xf32, #tpu.memory_space<vmem>>, vector<16xf32>,
    tpu.vector_store %arg6[%swap3A_1029, %swap3A_1030], %broadcast_in_dim3A_0 {strides = array<i32>} : memref<48x16xf32, #tpu.memory_space<vmem>>, vector<16xf32>,
    %swap3A_1032 = arith.constant 4 : i32
    %swap3A_1033 = arith.index_cast %swap3A_1032 : i32 to index
    %swap3A_1034 = arith.constant 0 : index
    %swap3A_1035 = tpu.vector_load %arg6[%swap3A_1033, %swap3A_1034] {strides = array<i32>} : memref<48x16xf32, #tpu.memory_space<vmem>>, vector<16xf32>,
    tpu.vector_store %arg6[%swap3A_1033, %swap3A_1034], %broadcast_in_dim3A_0 {strides = array<i32>} : memref<48x16xf32, #tpu.memory_space<vmem>>, vector<16xf32>,
    %swap3A_1036 = arith.constant 5 : i32
    %swap3A_1037 = arith.index_cast %swap3A_1036 : i32 to index
    %swap3A_1038 = arith.constant 0 : index
    %swap3A_1039 = tpu.vector_load %arg6[%swap3A_1037, %swap3A_1038] {strides = array<i32>} : memref<48x16xf32, #tpu.memory_space<vmem>>, vector<16xf32>,
    tpu.vector_store %arg6[%swap3A_1037, %swap3A_1038], %broadcast_in_dim3A_0 {strides = array<i32>} : memref<48x16xf32, #tpu.memory_space<vmem>>, vector<16xf32>,
    %swap3A_1040 = arith.constant 6 : i32
    %swap3A_1041 = arith.index_cast %swap3A_1040 : i32 to index
    %swap3A_1042 = arith.constant 0 : index
    %swap3A_1043 = tpu.vector_load %arg6[%swap3A_1041, %swap3A_1042] {strides = array<i32>} : memref<48x16xf32, #tpu.memory_space<vmem>>, vector<16xf32>,
    tpu.vector_store %arg6[%swap3A_1041, %swap3A_1042], %broadcast_in_dim3A_0 {strides = array<i32>} : memref<48x16xf32, #tpu.memory_space<vmem>>, vector<16xf32>,
    %swap3A_1044 = arith.constant 7 : i32
    %swap3A_1045 = arith.index_cast %swap3A_1044 : i32 to index
    %swap3A_1046 = arith.constant 0 : index
    %swap3A_1047 = tpu.vector_load %arg6[%swap3A_1045, %swap3A_1046] {strides = array<i32>} : memref<48x16xf32, #tpu.memory_space<vmem>>, vector<16xf32>,
    tpu.vector_store %arg6[%swap3A_1045, %swap3A_1046], %broadcast_in_dim3A_0 {strides = array<i32>} : memref<48x16xf32, #tpu.memory_space<vmem>>, vector<16xf32>,
    %swap3A_1048 = arith.constant 8 : i32
    %swap3A_1049 = arith.index_cast %swap3A_1048 : i32 to index
    %swap3A_1050 = arith.constant 0 : index
    %swap3A_1051 = tpu.vector_load %arg6[%swap3A_1049, %swap3A_1050] {strides = array<i32>} : memref<48x16xf32, #tpu.memory_space<vmem>>, vector<16xf32>,
    tpu.vector_store %arg6[%swap3A_1049, %swap3A_1050], %broadcast_in_dim3A_0 {strides = array<i32>} : memref<48x16xf32, #tpu.memory_space<vmem>>, vector<16xf32>,
    %swap3A_1052 = arith.constant 9 : i32
    %swap3A_1053 = arith.index_cast %swap3A_1052 : i32 to index
    %swap3A_1054 = arith.constant 0 : index
    %swap3A_1055 = tpu.vector_load %arg6[%swap3A_1053, %swap3A_1054] {strides = array<i32>} : memref<48x16xf32, #tpu.memory_space<vmem>>, vector<16xf32>,
    tpu.vector_store %arg6[%swap3A_1053, %swap3A_1054], %broadcast_in_dim3A_0 {strides = array<i32>} : memref<48x16xf32, #tpu.memory_space<vmem>>, vector<16xf32>,
    %swap3A_1056 = arith.constant 10 : i32
    %swap3A_1057 = arith.index_cast %swap3A_1056 : i32 to index
    %swap3A_1058 = arith.constant 0 : index
    %swap3A_1059 = tpu.vector_load %arg6[%swap3A_1057, %swap3A_1058] {strides = array<i32>} : memref<48x16xf32, #tpu.memory_space<vmem>>, vector<16xf32>,
    tpu.vector_store %arg6[%swap3A_1057, %swap3A_1058], %broadcast_in_dim3A_0 {strides = array<i32>} : memref<48x16xf32, #tpu.memory_space<vmem>>, vector<16xf32>,
    %swap3A_1060 = arith.constant 11 : i32
    %swap3A_1061 = arith.index_cast %swap3A_1060 : i32 to index
    %swap3A_1062 = arith.constant 0 : index
    %swap3A_1063 = tpu.vector_load %arg6[%swap3A_1061, %swap3A_1062] {strides = array<i32>} : memref<48x16xf32, #tpu.memory_space<vmem>>, vector<16xf32>,
    tpu.vector_store %arg6[%swap3A_1061, %swap3A_1062], %broadcast_in_dim3A_0 {strides = array<i32>} : memref<48x16xf32, #tpu.memory_space<vmem>>, vector<16xf32>,
    %swap3A_1064 = arith.constant 12 : i32
    %swap3A_1065 = arith.index_cast %swap3A_1064 : i32 to index
    %swap3A_1066 = arith.constant 0 : index
    %swap3A_1067 = tpu.vector_load %arg6[%swap3A_1065, %swap3A_1066] {strides = array<i32>} : memref<48x16xf32, #tpu.memory_space<vmem>>, vector<16xf32>,
    tpu.vector_store %arg6[%swap3A_1065, %swap3A_1066], %broadcast_in_dim3A_0 {strides = array<i32>} : memref<48x16xf32, #tpu.memory_space<vmem>>, vector<16xf32>,
    %swap3A_1068 = arith.constant 13 : i32
    %swap3A_1069 = arith.index_cast %swap3A_1068 : i32 to index
    %swap3A_1070 = arith.constant 0 : index
    %swap3A_1071 = tpu.vector_load %arg6[%swap3A_1069, %swap3A_1070] {strides = array<i32>} : memref<48x16xf32, #tpu.memory_space<vmem>>, vector<16xf32>,
    tpu.vector_store %arg6[%swap3A_1069, %swap3A_1070], %broadcast_in_dim3A_0 {strides = array<i32>} : memref<48x16xf32, #tpu.memory_space<vmem>>, vector<16xf32>,
    %swap3A_1072 = arith.constant 14 : i32
    %swap3A_1073 = arith.index_cast %swap3A_1072 : i32 to index
    %swap3A_1074 = arith.constant 0 : index
    %swap3A_1075 = tpu.vector_load %arg6[%swap3A_1073, %swap3A_1074] {strides = array<i32>} : memref<48x16xf32, #tpu.memory_space<vmem>>, vector<16xf32>,
    tpu.vector_store %arg6[%swap3A_1073, %swap3A_1074], %broadcast_in_dim3A_0 {strides = array<i32>} : memref<48x16xf32, #tpu.memory_space<vmem>>, vector<16xf32>,
    %swap3A_1076 = arith.constant 15 : i32
    %swap3A_1077 = arith.index_cast %swap3A_1076 : i32 to index
    %swap3A_1078 = arith.constant 0 : index
    %swap3A_1079 = tpu.vector_load %arg6[%swap3A_1077, %swap3A_1078] {strides = array<i32>} : memref<48x16xf32, #tpu.memory_space<vmem>>, vector<16xf32>,
    tpu.vector_store %arg6[%swap3A_1077, %swap3A_1078], %broadcast_in_dim3A_0 {strides = array<i32>} : memref<48x16xf32, #tpu.memory_space<vmem>>, vector<16xf32>,
    %while3A_1080 = arith.constant 0 : i32
    %while3A_1081 = arith.constant 0 : i32
    "tpu.trace_start"() <{level = 10 : i32, message = "ph_rr"}> : () -> ()
    %while3A_1082 = arith.subi %select_n3A_647, %while3A_1081 : i32
    %while3A_1083 = arith.addi %while3A_1081, %while3A_1082 : i32
    %while3A_1084 = arith.constant 1 : i32
    %while3A_1085 = arith.divsi %while3A_1082, %while3A_1084 : i32
    %while3A_1086 = arith.muli %while3A_1085, %while3A_1084 : i32
    %while3A_1087 = arith.addi %while3A_1081, %while3A_1086 : i32
    %while3A_1088 = arith.constant 1 : i32
    scf.for %while3A_1460 = %while3A_1081 to %while3A_1087 step %while3A_1088  : i32 {
      %mul3A_1461 = arith.constant 16 : i32
      %mul3A_1462 = arith.muli %while3A_1460, %mul3A_1461 : i32
      %get3A_1463 = arith.index_cast %mul3A_1462 : i32 to index
      %get3A_1464 = tpu.vector_load %arg5[%get3A_1463] {strides = array<i32>} : memref<2048xi32, #tpu.memory_space<vmem>>, vector<16xi32>,
      %bitcast_convert_type3A_1465 = tpu.bitcast %get3A_1464 : vector<16xi32> -> vector<16xi32>
      %mul3A_1466 = arith.constant 16 : i32
      %mul3A_1467 = arith.muli %while3A_1460, %mul3A_1466 : i32
      %add3A_1468 = vector.broadcast %mul3A_1467 : i32 to vector<16xi32>
      %add3A_1469 = arith.addi %add3A_1468, %iota3A : vector<16xi32>
      %lt3A = arith.cmpi slt, %add3A_1469, %scan3A_616 : vector<16xi32>
      %xor3A_1470 = arith.xori %bitcast_convert_type3A_1465, %or3A_1015 : vector<16xi32>
      %shift_right_logical3A_1471 = arith.constant 8 : i32
      %shift_right_logical3A_1472 = vector.broadcast %shift_right_logical3A_1471 : i32 to vector<16xi32>
      %shift_right_logical3A_1473 = arith.shrui %xor3A_1470, %shift_right_logical3A_1472 : vector<16xi32>
      %eq3A_1474 = arith.constant 0 : i32
      %eq3A_1475 = vector.broadcast %eq3A_1474 : i32 to vector<16xi32>
      %eq3A_1476 = arith.cmpi eq, %shift_right_logical3A_1473, %eq3A_1475 : vector<16xi32>
      %and3A_1477 = arith.andi %eq3A_1476, %lt3A : vector<16xi1>
      %shift_right_logical3A_1478 = arith.constant 4 : i32
      %shift_right_logical3A_1479 = vector.broadcast %shift_right_logical3A_1478 : i32 to vector<16xi32>
      %shift_right_logical3A_1480 = arith.shrui %bitcast_convert_type3A_1465, %shift_right_logical3A_1479 : vector<16xi32>
      %and3A_1481 = arith.constant 15 : i32
      %and3A_1482 = vector.broadcast %and3A_1481 : i32 to vector<16xi32>
      %and3A_1483 = arith.andi %shift_right_logical3A_1480, %and3A_1482 : vector<16xi32>
      %shift_right_logical3A_1484 = arith.constant 0 : i32
      %shift_right_logical3A_1485 = vector.broadcast %shift_right_logical3A_1484 : i32 to vector<16xi32>
      %shift_right_logical3A_1486 = arith.shrui %bitcast_convert_type3A_1465, %shift_right_logical3A_1485 : vector<16xi32>
      %and3A_1487 = arith.constant 15 : i32
      %and3A_1488 = vector.broadcast %and3A_1487 : i32 to vector<16xi32>
      %and3A_1489 = arith.andi %shift_right_logical3A_1486, %and3A_1488 : vector<16xi32>
      tpu.vector_store_idx %arg6[%and3A_1489, %and3A_1483], %broadcast_in_dim3A_2 masked %and3A_1477 {add = true} : memref<48x16xf32, #tpu.memory_space<vmem>>[vector<16xi32>, vector<16xi32>], vector<16xf32>, vector<16xi1>
    }
    %while3A_1089 = arith.constant 1 : i32
    scf.for %while3A_1460 = %while3A_1087 to %while3A_1083 step %while3A_1089  : i32 {
      %mul3A_1461 = arith.constant 16 : i32
      %mul3A_1462 = arith.muli %while3A_1460, %mul3A_1461 : i32
      %get3A_1463 = arith.index_cast %mul3A_1462 : i32 to index
      %get3A_1464 = tpu.vector_load %arg5[%get3A_1463] {strides = array<i32>} : memref<2048xi32, #tpu.memory_space<vmem>>, vector<16xi32>,
      %bitcast_convert_type3A_1465 = tpu.bitcast %get3A_1464 : vector<16xi32> -> vector<16xi32>
      %mul3A_1466 = arith.constant 16 : i32
      %mul3A_1467 = arith.muli %while3A_1460, %mul3A_1466 : i32
      %add3A_1468 = vector.broadcast %mul3A_1467 : i32 to vector<16xi32>
      %add3A_1469 = arith.addi %add3A_1468, %iota3A : vector<16xi32>
      %lt3A = arith.cmpi slt, %add3A_1469, %scan3A_616 : vector<16xi32>
      %xor3A_1470 = arith.xori %bitcast_convert_type3A_1465, %or3A_1015 : vector<16xi32>
      %shift_right_logical3A_1471 = arith.constant 8 : i32
      %shift_right_logical3A_1472 = vector.broadcast %shift_right_logical3A_1471 : i32 to vector<16xi32>
      %shift_right_logical3A_1473 = arith.shrui %xor3A_1470, %shift_right_logical3A_1472 : vector<16xi32>
      %eq3A_1474 = arith.constant 0 : i32
      %eq3A_1475 = vector.broadcast %eq3A_1474 : i32 to vector<16xi32>
      %eq3A_1476 = arith.cmpi eq, %shift_right_logical3A_1473, %eq3A_1475 : vector<16xi32>
      %and3A_1477 = arith.andi %eq3A_1476, %lt3A : vector<16xi1>
      %shift_right_logical3A_1478 = arith.constant 4 : i32
      %shift_right_logical3A_1479 = vector.broadcast %shift_right_logical3A_1478 : i32 to vector<16xi32>
      %shift_right_logical3A_1480 = arith.shrui %bitcast_convert_type3A_1465, %shift_right_logical3A_1479 : vector<16xi32>
      %and3A_1481 = arith.constant 15 : i32
      %and3A_1482 = vector.broadcast %and3A_1481 : i32 to vector<16xi32>
      %and3A_1483 = arith.andi %shift_right_logical3A_1480, %and3A_1482 : vector<16xi32>
      %shift_right_logical3A_1484 = arith.constant 0 : i32
      %shift_right_logical3A_1485 = vector.broadcast %shift_right_logical3A_1484 : i32 to vector<16xi32>
      %shift_right_logical3A_1486 = arith.shrui %bitcast_convert_type3A_1465, %shift_right_logical3A_1485 : vector<16xi32>
      %and3A_1487 = arith.constant 15 : i32
      %and3A_1488 = vector.broadcast %and3A_1487 : i32 to vector<16xi32>
      %and3A_1489 = arith.andi %shift_right_logical3A_1486, %and3A_1488 : vector<16xi32>
      tpu.vector_store_idx %arg6[%and3A_1489, %and3A_1483], %broadcast_in_dim3A_2 masked %and3A_1477 {add = true} : memref<48x16xf32, #tpu.memory_space<vmem>>[vector<16xi32>, vector<16xi32>], vector<16xf32>, vector<16xi1>
    }
    "tpu.trace_stop"() : () -> ()
    "tpu.trace_start"() <{level = 10 : i32, message = "ph_rmerge"}> : () -> ()
    "tpu.region"() ({
      %run_scoped3A = tpu.sem_alloc : memref<!tpu.dma_semaphore, #tpu.memory_space<semaphore_mem>>
      %dma_start3A_1460 = arith.constant 0 : i32
      %dma_start3A_1461 = arith.constant 0 : i32
      %dma_start3A_1462 = tpu.memref_slice %arg6[%dma_start3A_1460, %dma_start3A_1461] : memref<48x16xf32, #tpu.memory_space<vmem>> -> memref<16x16xf32, #tpu.memory_space<vmem>>
      %dma_start3A_1463 = arith.constant 0 : i32
      %dma_start3A_1464 = arith.constant 0 : i32
      %dma_start3A_1465 = tpu.memref_slice %arg14[%dma_start3A_1463, %dma_start3A_1464] : memref<32x16xf32, #tpu.memory_space<vmem_shared>> -> memref<32x16xf32, #tpu.memory_space<vmem_shared>>
      tpu.enqueue_indirect_dma source(%dma_start3A_1462 : memref<16x16xf32, #tpu.memory_space<vmem>>) target(%dma_start3A_1465 : memref<32x16xf32, #tpu.memory_space<vmem_shared>>) offsets(%iota3A : vector<16xi32>) semaphore(%run_scoped3A : memref<!tpu.dma_semaphore, #tpu.memory_space<semaphore_mem>>) {add = true}
      %dma_wait3A_1466 = arith.constant 0 : i32
      %dma_wait3A_1467 = arith.constant 0 : i32
      %dma_wait3A_1468 = tpu.memref_slice %arg6[%dma_wait3A_1466, %dma_wait3A_1467] : memref<48x16xf32, #tpu.memory_space<vmem>> -> memref<16x16xf32, #tpu.memory_space<vmem>>
      %dma_wait3A_1469 = arith.constant 0 : i32
      %dma_wait3A_1470 = arith.constant 0 : i32
      %dma_wait3A_1471 = tpu.memref_slice %arg14[%dma_wait3A_1469, %dma_wait3A_1470] : memref<32x16xf32, #tpu.memory_space<vmem_shared>> -> memref<32x16xf32, #tpu.memory_space<vmem_shared>>
      tpu.wait_indirect_dma semaphore(%run_scoped3A : memref<!tpu.dma_semaphore, #tpu.memory_space<semaphore_mem>>) src(%dma_wait3A_1468 : memref<16x16xf32, #tpu.memory_space<vmem>>) dst(%dma_wait3A_1471 : memref<32x16xf32, #tpu.memory_space<vmem_shared>>)
      tpu.yield
    }) : () -> ()
    %barrier3A_1090 = arith.constant 0 : index
    tpu.barrier barrier_id(%barrier3A_1090)
    "tpu.region"() ({
      %run_scoped3A = tpu.sem_alloc : memref<!tpu.dma_semaphore, #tpu.memory_space<semaphore_mem>>
      %dma_start3A_1460 = arith.constant 0 : i32
      %dma_start3A_1461 = arith.constant 0 : i32
      %dma_start3A_1462 = tpu.memref_slice %arg7[%dma_start3A_1460, %dma_start3A_1461] : memref<48x16xf32, #tpu.memory_space<vmem>> -> memref<16x16xf32, #tpu.memory_space<vmem>>
      %dma_start3A_1463 = arith.constant 0 : i32
      %dma_start3A_1464 = arith.constant 0 : i32
      %dma_start3A_1465 = tpu.memref_slice %arg14[%dma_start3A_1463, %dma_start3A_1464] : memref<32x16xf32, #tpu.memory_space<vmem_shared>> -> memref<16x16xf32, #tpu.memory_space<vmem_shared>>
      %dma_start3A_1466 = arith.constant 0 : i32
      %dma_start3A_1467 = arith.constant 0 : i32
      %dma_start3A_1468 = tpu.memref_slice %arg7[%dma_start3A_1466, %dma_start3A_1467] : memref<48x16xf32, #tpu.memory_space<vmem>> -> memref<16x16xf32, #tpu.memory_space<vmem>>
      %dma_start3A_1469 = arith.constant 0 : i32
      %dma_start3A_1470 = arith.constant 0 : i32
      %dma_start3A_1471 = tpu.memref_slice %arg14[%dma_start3A_1469, %dma_start3A_1470] : memref<32x16xf32, #tpu.memory_space<vmem_shared>> -> memref<16x16xf32, #tpu.memory_space<vmem_shared>>
      tpu.enqueue_dma source(%dma_start3A_1471 : memref<16x16xf32, #tpu.memory_space<vmem_shared>>) target(%dma_start3A_1468 : memref<16x16xf32, #tpu.memory_space<vmem>>) target_semaphore(%run_scoped3A : memref<!tpu.dma_semaphore, #tpu.memory_space<semaphore_mem>>)
      %dma_wait3A_1472 = arith.constant 0 : i32
      %dma_wait3A_1473 = arith.constant 0 : i32
      %dma_wait3A_1474 = tpu.memref_slice %arg7[%dma_wait3A_1472, %dma_wait3A_1473] : memref<48x16xf32, #tpu.memory_space<vmem>> -> memref<16x16xf32, #tpu.memory_space<vmem>>
      %dma_wait3A_1475 = arith.constant 0 : i32
      %dma_wait3A_1476 = arith.constant 0 : i32
      %dma_wait3A_1477 = tpu.memref_slice %arg14[%dma_wait3A_1475, %dma_wait3A_1476] : memref<32x16xf32, #tpu.memory_space<vmem_shared>> -> memref<16x16xf32, #tpu.memory_space<vmem_shared>>
      %dma_wait3A_1478 = arith.constant 0 : i32
      %dma_wait3A_1479 = arith.constant 0 : i32
      %dma_wait3A_1480 = tpu.memref_slice %arg7[%dma_wait3A_1478, %dma_wait3A_1479] : memref<48x16xf32, #tpu.memory_space<vmem>> -> memref<16x16xf32, #tpu.memory_space<vmem>>
      %dma_wait3A_1481 = arith.constant 0 : i32
      %dma_wait3A_1482 = arith.constant 0 : i32
      %dma_wait3A_1483 = tpu.memref_slice %arg14[%dma_wait3A_1481, %dma_wait3A_1482] : memref<32x16xf32, #tpu.memory_space<vmem_shared>> -> memref<16x16xf32, #tpu.memory_space<vmem_shared>>
      tpu.wait_dma2 semaphore(%run_scoped3A : memref<!tpu.dma_semaphore, #tpu.memory_space<semaphore_mem>>) src(%dma_wait3A_1483 : memref<16x16xf32, #tpu.memory_space<vmem_shared>>) dst(%dma_wait3A_1480 : memref<16x16xf32, #tpu.memory_space<vmem>>)
      tpu.yield
    }) : () -> ()
    %get3A_1091 = arith.constant 0 : i32
    "tpu.trace_stop"() : () -> ()
    "tpu.trace_start"() <{level = 10 : i32, message = "ph_rscan"}> : () -> ()
    %get3A_1092 = arith.index_cast %get3A_1091 : i32 to index
    %get3A_1093 = arith.constant 0 : index
    %get3A_1094 = tpu.vector_load %arg7[%get3A_1092, %get3A_1093] {strides = array<i32>} : memref<48x16xf32, #tpu.memory_space<vmem>>, vector<16xf32>,
    %add3A_1095 = arith.addf %broadcast_in_dim3A_0, %get3A_1094 : vector<16xf32>
    %get3A_1096 = arith.constant 1 : i32
    %get3A_1097 = arith.index_cast %get3A_1096 : i32 to index
    %get3A_1098 = arith.constant 0 : index
    %get3A_1099 = tpu.vector_load %arg7[%get3A_1097, %get3A_1098] {strides = array<i32>} : memref<48x16xf32, #tpu.memory_space<vmem>>, vector<16xf32>,
    %add3A_1100 = arith.addf %add3A_1095, %get3A_1099 : vector<16xf32>
    %get3A_1101 = arith.constant 2 : i32
    %get3A_1102 = arith.index_cast %get3A_1101 : i32 to index
    %get3A_1103 = arith.constant 0 : index
    %get3A_1104 = tpu.vector_load %arg7[%get3A_1102, %get3A_1103] {strides = array<i32>} : memref<48x16xf32, #tpu.memory_space<vmem>>, vector<16xf32>,
    %add3A_1105 = arith.addf %add3A_1100, %get3A_1104 : vector<16xf32>
    %get3A_1106 = arith.constant 3 : i32
    %get3A_1107 = arith.index_cast %get3A_1106 : i32 to index
    %get3A_1108 = arith.constant 0 : index
    %get3A_1109 = tpu.vector_load %arg7[%get3A_1107, %get3A_1108] {strides = array<i32>} : memref<48x16xf32, #tpu.memory_space<vmem>>, vector<16xf32>,
    %add3A_1110 = arith.addf %add3A_1105, %get3A_1109 : vector<16xf32>
    %get3A_1111 = arith.constant 4 : i32
    %get3A_1112 = arith.index_cast %get3A_1111 : i32 to index
    %get3A_1113 = arith.constant 0 : index
    %get3A_1114 = tpu.vector_load %arg7[%get3A_1112, %get3A_1113] {strides = array<i32>} : memref<48x16xf32, #tpu.memory_space<vmem>>, vector<16xf32>,
    %add3A_1115 = arith.addf %add3A_1110, %get3A_1114 : vector<16xf32>
    %get3A_1116 = arith.constant 5 : i32
    %get3A_1117 = arith.index_cast %get3A_1116 : i32 to index
    %get3A_1118 = arith.constant 0 : index
    %get3A_1119 = tpu.vector_load %arg7[%get3A_1117, %get3A_1118] {strides = array<i32>} : memref<48x16xf32, #tpu.memory_space<vmem>>, vector<16xf32>,
    %add3A_1120 = arith.addf %add3A_1115, %get3A_1119 : vector<16xf32>
    %get3A_1121 = arith.constant 6 : i32
    %get3A_1122 = arith.index_cast %get3A_1121 : i32 to index
    %get3A_1123 = arith.constant 0 : index
    %get3A_1124 = tpu.vector_load %arg7[%get3A_1122, %get3A_1123] {strides = array<i32>} : memref<48x16xf32, #tpu.memory_space<vmem>>, vector<16xf32>,
    %add3A_1125 = arith.addf %add3A_1120, %get3A_1124 : vector<16xf32>
    %get3A_1126 = arith.constant 7 : i32
    %get3A_1127 = arith.index_cast %get3A_1126 : i32 to index
    %get3A_1128 = arith.constant 0 : index
    %get3A_1129 = tpu.vector_load %arg7[%get3A_1127, %get3A_1128] {strides = array<i32>} : memref<48x16xf32, #tpu.memory_space<vmem>>, vector<16xf32>,
    %add3A_1130 = arith.addf %add3A_1125, %get3A_1129 : vector<16xf32>
    %get3A_1131 = arith.constant 8 : i32
    %get3A_1132 = arith.index_cast %get3A_1131 : i32 to index
    %get3A_1133 = arith.constant 0 : index
    %get3A_1134 = tpu.vector_load %arg7[%get3A_1132, %get3A_1133] {strides = array<i32>} : memref<48x16xf32, #tpu.memory_space<vmem>>, vector<16xf32>,
    %add3A_1135 = arith.addf %add3A_1130, %get3A_1134 : vector<16xf32>
    %get3A_1136 = arith.constant 9 : i32
    %get3A_1137 = arith.index_cast %get3A_1136 : i32 to index
    %get3A_1138 = arith.constant 0 : index
    %get3A_1139 = tpu.vector_load %arg7[%get3A_1137, %get3A_1138] {strides = array<i32>} : memref<48x16xf32, #tpu.memory_space<vmem>>, vector<16xf32>,
    %add3A_1140 = arith.addf %add3A_1135, %get3A_1139 : vector<16xf32>
    %get3A_1141 = arith.constant 10 : i32
    %get3A_1142 = arith.index_cast %get3A_1141 : i32 to index
    %get3A_1143 = arith.constant 0 : index
    %get3A_1144 = tpu.vector_load %arg7[%get3A_1142, %get3A_1143] {strides = array<i32>} : memref<48x16xf32, #tpu.memory_space<vmem>>, vector<16xf32>,
    %add3A_1145 = arith.addf %add3A_1140, %get3A_1144 : vector<16xf32>
    %get3A_1146 = arith.constant 11 : i32
    %get3A_1147 = arith.index_cast %get3A_1146 : i32 to index
    %get3A_1148 = arith.constant 0 : index
    %get3A_1149 = tpu.vector_load %arg7[%get3A_1147, %get3A_1148] {strides = array<i32>} : memref<48x16xf32, #tpu.memory_space<vmem>>, vector<16xf32>,
    %add3A_1150 = arith.addf %add3A_1145, %get3A_1149 : vector<16xf32>
    %get3A_1151 = arith.constant 12 : i32
    %get3A_1152 = arith.index_cast %get3A_1151 : i32 to index
    %get3A_1153 = arith.constant 0 : index
    %get3A_1154 = tpu.vector_load %arg7[%get3A_1152, %get3A_1153] {strides = array<i32>} : memref<48x16xf32, #tpu.memory_space<vmem>>, vector<16xf32>,
    %add3A_1155 = arith.addf %add3A_1150, %get3A_1154 : vector<16xf32>
    %get3A_1156 = arith.constant 13 : i32
    %get3A_1157 = arith.index_cast %get3A_1156 : i32 to index
    %get3A_1158 = arith.constant 0 : index
    %get3A_1159 = tpu.vector_load %arg7[%get3A_1157, %get3A_1158] {strides = array<i32>} : memref<48x16xf32, #tpu.memory_space<vmem>>, vector<16xf32>,
    %add3A_1160 = arith.addf %add3A_1155, %get3A_1159 : vector<16xf32>
    %get3A_1161 = arith.constant 14 : i32
    %get3A_1162 = arith.index_cast %get3A_1161 : i32 to index
    %get3A_1163 = arith.constant 0 : index
    %get3A_1164 = tpu.vector_load %arg7[%get3A_1162, %get3A_1163] {strides = array<i32>} : memref<48x16xf32, #tpu.memory_space<vmem>>, vector<16xf32>,
    %add3A_1165 = arith.addf %add3A_1160, %get3A_1164 : vector<16xf32>
    %get3A_1166 = arith.constant 15 : i32
    %get3A_1167 = arith.index_cast %get3A_1166 : i32 to index
    %get3A_1168 = arith.constant 0 : index
    %get3A_1169 = tpu.vector_load %arg7[%get3A_1167, %get3A_1168] {strides = array<i32>} : memref<48x16xf32, #tpu.memory_space<vmem>>, vector<16xf32>,
    %add3A_1170 = arith.addf %add3A_1165, %get3A_1169 : vector<16xf32>
    %rev3A_1171 = arith.constant 15 : i32
    %rev3A_1172 = vector.broadcast %rev3A_1171 : i32 to vector<16xi32>
    %rev3A_1173 = tpu.iota {dimensions = array<i32: 0>} : vector<16xi32>
    %rev3A_1174 = arith.subi %rev3A_1172, %rev3A_1173 : vector<16xi32>
    %rev3A_1175 = tpu.dynamic_gather %add3A_1170[%rev3A_1174] in [0] : vector<16xf32>, vector<16xi32> -> vector<16xf32>
    %broadcast_in_dim3A_1176 = arith.constant true
    %broadcast_in_dim3A_1177 = vector.broadcast %broadcast_in_dim3A_1176 : i1 to vector<16xi1>
    %masked_cumsum3A_1178 = tpu.scan <sum>, %rev3A_1175 masked %broadcast_in_dim3A_1177 : vector<16xf32>, vector<16xi1> -> vector<16xf32>
    %rev3A_1179 = arith.constant 15 : i32
    %rev3A_1180 = vector.broadcast %rev3A_1179 : i32 to vector<16xi32>
    %rev3A_1181 = tpu.iota {dimensions = array<i32: 0>} : vector<16xi32>
    %rev3A_1182 = arith.subi %rev3A_1180, %rev3A_1181 : vector<16xi32>
    %rev3A_1183 = tpu.dynamic_gather %masked_cumsum3A_1178[%rev3A_1182] in [0] : vector<16xf32>, vector<16xi32> -> vector<16xf32>
    %ge3A_1184 = arith.cmpf oge, %rev3A_1183, %sub3A_1006 : vector<16xf32>
    %all_reduce_population_count3A_1185 = tpu.all_reduce %ge3A_1184 {dim = 0 : i64, kind = #tpu.reduction_kind<sum>} : vector<16xi1> -> vector<16xi32>
    %sub3A_1186 = arith.constant 1 : i32
    %sub3A_1187 = vector.broadcast %sub3A_1186 : i32 to vector<16xi32>
    %sub3A_1188 = arith.subi %all_reduce_population_count3A_1185, %sub3A_1187 : vector<16xi32>
    %gt3A_1189 = arith.cmpi sgt, %iota3A, %sub3A_1188 : vector<16xi32>
    %select_n3A_1190 = arith.select %gt3A_1189, %add3A_1170, %broadcast_in_dim3A_0 : vector<16xi1>, vector<16xf32>
    %reduce_sum3A_1191 = arith.constant true
    %reduce_sum3A_1192 = vector.broadcast %reduce_sum3A_1191 : i1 to vector<16xi1>
    %reduce_sum3A_1193 = tpu.scan <sum>, %select_n3A_1190 masked %reduce_sum3A_1192 : vector<16xf32>, vector<16xi1> -> vector<16xf32>
    %reduce_sum3A_1194 = vector.extract %reduce_sum3A_1193[15] : f32 from vector<16xf32>
    %gather3A_1195 = tpu.vector_load_idx %arg7[%iota3A, %sub3A_1188] : memref<48x16xf32, #tpu.memory_space<vmem>>[vector<16xi32>, vector<16xi32>], vector<16xf32>,
    %rev3A_1196 = arith.constant 15 : i32
    %rev3A_1197 = vector.broadcast %rev3A_1196 : i32 to vector<16xi32>
    %rev3A_1198 = tpu.iota {dimensions = array<i32: 0>} : vector<16xi32>
    %rev3A_1199 = arith.subi %rev3A_1197, %rev3A_1198 : vector<16xi32>
    %rev3A_1200 = tpu.dynamic_gather %gather3A_1195[%rev3A_1199] in [0] : vector<16xf32>, vector<16xi32> -> vector<16xf32>
    %broadcast_in_dim3A_1201 = arith.constant true
    %broadcast_in_dim3A_1202 = vector.broadcast %broadcast_in_dim3A_1201 : i1 to vector<16xi1>
    %masked_cumsum3A_1203 = tpu.scan <sum>, %rev3A_1200 masked %broadcast_in_dim3A_1202 : vector<16xf32>, vector<16xi1> -> vector<16xf32>
    %rev3A_1204 = arith.constant 15 : i32
    %rev3A_1205 = vector.broadcast %rev3A_1204 : i32 to vector<16xi32>
    %rev3A_1206 = tpu.iota {dimensions = array<i32: 0>} : vector<16xi32>
    %rev3A_1207 = arith.subi %rev3A_1205, %rev3A_1206 : vector<16xi32>
    %rev3A_1208 = tpu.dynamic_gather %masked_cumsum3A_1203[%rev3A_1207] in [0] : vector<16xf32>, vector<16xi32> -> vector<16xf32>
    %broadcast_in_dim3A_1209 = vector.broadcast %reduce_sum3A_1194 : f32 to vector<16xf32>
    %add3A_1210 = arith.addf %rev3A_1208, %broadcast_in_dim3A_1209 : vector<16xf32>
    %ge3A_1211 = arith.cmpf oge, %add3A_1210, %sub3A_1006 : vector<16xf32>
    %all_reduce_population_count3A_1212 = tpu.all_reduce %ge3A_1211 {dim = 0 : i64, kind = #tpu.reduction_kind<sum>} : vector<16xi1> -> vector<16xi32>
    %sub3A_1213 = arith.constant 1 : i32
    %sub3A_1214 = vector.broadcast %sub3A_1213 : i32 to vector<16xi32>
    %sub3A_1215 = arith.subi %all_reduce_population_count3A_1212, %sub3A_1214 : vector<16xi32>
    %gt3A_1216 = arith.cmpi sgt, %iota3A, %sub3A_1215 : vector<16xi32>
    %select_n3A_1217 = arith.select %gt3A_1216, %gather3A_1195, %broadcast_in_dim3A_0 : vector<16xi1>, vector<16xf32>
    %reduce_sum3A_1218 = arith.constant true
    %reduce_sum3A_1219 = vector.broadcast %reduce_sum3A_1218 : i1 to vector<16xi1>
    %reduce_sum3A_1220 = tpu.scan <sum>, %select_n3A_1217 masked %reduce_sum3A_1219 : vector<16xf32>, vector<16xi1> -> vector<16xf32>
    %reduce_sum3A_1221 = vector.extract %reduce_sum3A_1220[15] : f32 from vector<16xf32>
    %add3A_1222 = arith.addf %reduce_sum3A_1221, %reduce_sum3A_1194 : f32
    %mul3A_1223 = arith.constant 16 : i32
    %mul3A_1224 = vector.broadcast %mul3A_1223 : i32 to vector<16xi32>
    %mul3A_1225 = arith.muli %sub3A_1188, %mul3A_1224 : vector<16xi32>
    %add3A_1226 = arith.addi %mul3A_1225, %sub3A_1215 : vector<16xi32>
    %broadcast_in_dim3A_1227 = vector.broadcast %add3A_1222 : f32 to vector<16xf32>
    "tpu.trace_stop"() : () -> ()
    %sub3A_1228 = arith.subf %sub3A_1006, %broadcast_in_dim3A_1227 : vector<16xf32>
    %reduce_max3A_1229 = arith.constant true
    %reduce_max3A_1230 = vector.broadcast %reduce_max3A_1229 : i1 to vector<16xi1>
    %reduce_max3A_1231 = tpu.scan <max>, %broadcast_in_dim3A_1227 masked %reduce_max3A_1230 : vector<16xf32>, vector<16xi1> -> vector<16xf32>
    %reduce_max3A_1232 = vector.extract %reduce_max3A_1231[15] : f32 from vector<16xf32>
    %add3A_1233 = arith.addf %add3A_1011, %reduce_max3A_1232 : f32
    %shift_left3A_1234 = arith.constant 0 : i32
    %shift_left3A_1235 = vector.broadcast %shift_left3A_1234 : i32 to vector<16xi32>
    %shift_left3A_1236 = arith.shli %add3A_1226, %shift_left3A_1235 : vector<16xi32>
    %or3A_1237 = arith.ori %or3A_1015, %shift_left3A_1236 : vector<16xi32>
    "tpu.trace_start"() <{level = 10 : i32, message = "ph_fsum"}> : () -> ()
    %scan3A_1238 = arith.constant 0 : i32
    %scan3A_1239 = arith.constant 128 : i32
    %scan3A_1240 = arith.addi %scan3A_1238, %scan3A_1239 : i32
    %scan3A_1241 = arith.constant 4 : i32
    %scan3A_1242 = scf.for %scan3A_1460 = %scan3A_1238 to %scan3A_1240 step %scan3A_1241 iter_args(%scan3A_1461 = %broadcast_in_dim3A_0) -> (vector<16xf32>)  : i32 {
      %mul3A_1462 = arith.constant 16 : i32
      %mul3A_1463 = arith.muli %scan3A_1460, %mul3A_1462 : i32
      %get3A_1464 = arith.index_cast %mul3A_1463 : i32 to index
      %get3A_1465 = tpu.vector_load %arg4[%get3A_1464] {strides = array<i32>} : memref<2048xf32, #tpu.memory_space<vmem>>, vector<16xf32>,
      %bitcast_convert_type3A_1466 = tpu.bitcast %get3A_1465 : vector<16xf32> -> vector<16xi32>
      %shift_right_logical3A_1467 = arith.constant 31 : i32
      %shift_right_logical3A_1468 = vector.broadcast %shift_right_logical3A_1467 : i32 to vector<16xi32>
      %shift_right_logical3A_1469 = arith.shrui %bitcast_convert_type3A_1466, %shift_right_logical3A_1468 : vector<16xi32>
      %eq3A_1470 = arith.constant 0 : i32
      %eq3A_1471 = vector.broadcast %eq3A_1470 : i32 to vector<16xi32>
      %eq3A_1472 = arith.cmpi eq, %shift_right_logical3A_1469, %eq3A_1471 : vector<16xi32>
      %or3A_1473 = arith.constant -2147483648 : i32
      %or3A_1474 = vector.broadcast %or3A_1473 : i32 to vector<16xi32>
      %or3A_1475 = arith.ori %bitcast_convert_type3A_1466, %or3A_1474 : vector<16xi32>
      %not3A_1476 = arith.constant dense<-1> : vector<16xi32>
      %not3A_1477 = arith.xori %bitcast_convert_type3A_1466, %not3A_1476 : vector<16xi32>
      %select_n3A_1478 = arith.select %eq3A_1472, %or3A_1475, %not3A_1477 : vector<16xi1>, vector<16xi32>
      %gt3A_1479 = arith.cmpi ugt, %select_n3A_1478, %or3A_1237 : vector<16xi32>
      %select_n3A_1480 = arith.select %gt3A_1479, %get3A_1465, %broadcast_in_dim3A_0 : vector<16xi1>, vector<16xf32>
      %add3A_1481 = arith.addf %scan3A_1461, %select_n3A_1480 : vector<16xf32>
      %scan3A_1482 = arith.constant 1 : i32
      %scan3A_1483 = arith.addi %scan3A_1460, %scan3A_1482 : i32
      %mul3A_1484 = arith.constant 16 : i32
      %mul3A_1485 = arith.muli %scan3A_1483, %mul3A_1484 : i32
      %get3A_1486 = arith.index_cast %mul3A_1485 : i32 to index
      %get3A_1487 = tpu.vector_load %arg4[%get3A_1486] {strides = array<i32>} : memref<2048xf32, #tpu.memory_space<vmem>>, vector<16xf32>,
      %bitcast_convert_type3A_1488 = tpu.bitcast %get3A_1487 : vector<16xf32> -> vector<16xi32>
      %shift_right_logical3A_1489 = arith.constant 31 : i32
      %shift_right_logical3A_1490 = vector.broadcast %shift_right_logical3A_1489 : i32 to vector<16xi32>
      %shift_right_logical3A_1491 = arith.shrui %bitcast_convert_type3A_1488, %shift_right_logical3A_1490 : vector<16xi32>
      %eq3A_1492 = arith.constant 0 : i32
      %eq3A_1493 = vector.broadcast %eq3A_1492 : i32 to vector<16xi32>
      %eq3A_1494 = arith.cmpi eq, %shift_right_logical3A_1491, %eq3A_1493 : vector<16xi32>
      %or3A_1495 = arith.constant -2147483648 : i32
      %or3A_1496 = vector.broadcast %or3A_1495 : i32 to vector<16xi32>
      %or3A_1497 = arith.ori %bitcast_convert_type3A_1488, %or3A_1496 : vector<16xi32>
      %not3A_1498 = arith.constant dense<-1> : vector<16xi32>
      %not3A_1499 = arith.xori %bitcast_convert_type3A_1488, %not3A_1498 : vector<16xi32>
      %select_n3A_1500 = arith.select %eq3A_1494, %or3A_1497, %not3A_1499 : vector<16xi1>, vector<16xi32>
      %gt3A_1501 = arith.cmpi ugt, %select_n3A_1500, %or3A_1237 : vector<16xi32>
      %select_n3A_1502 = arith.select %gt3A_1501, %get3A_1487, %broadcast_in_dim3A_0 : vector<16xi1>, vector<16xf32>
      %add3A_1503 = arith.addf %add3A_1481, %select_n3A_1502 : vector<16xf32>
      %scan3A_1504 = arith.constant 2 : i32
      %scan3A_1505 = arith.addi %scan3A_1460, %scan3A_1504 : i32
      %mul3A_1506 = arith.constant 16 : i32
      %mul3A_1507 = arith.muli %scan3A_1505, %mul3A_1506 : i32
      %get3A_1508 = arith.index_cast %mul3A_1507 : i32 to index
      %get3A_1509 = tpu.vector_load %arg4[%get3A_1508] {strides = array<i32>} : memref<2048xf32, #tpu.memory_space<vmem>>, vector<16xf32>,
      %bitcast_convert_type3A_1510 = tpu.bitcast %get3A_1509 : vector<16xf32> -> vector<16xi32>
      %shift_right_logical3A_1511 = arith.constant 31 : i32
      %shift_right_logical3A_1512 = vector.broadcast %shift_right_logical3A_1511 : i32 to vector<16xi32>
      %shift_right_logical3A_1513 = arith.shrui %bitcast_convert_type3A_1510, %shift_right_logical3A_1512 : vector<16xi32>
      %eq3A_1514 = arith.constant 0 : i32
      %eq3A_1515 = vector.broadcast %eq3A_1514 : i32 to vector<16xi32>
      %eq3A_1516 = arith.cmpi eq, %shift_right_logical3A_1513, %eq3A_1515 : vector<16xi32>
      %or3A_1517 = arith.constant -2147483648 : i32
      %or3A_1518 = vector.broadcast %or3A_1517 : i32 to vector<16xi32>
      %or3A_1519 = arith.ori %bitcast_convert_type3A_1510, %or3A_1518 : vector<16xi32>
      %not3A_1520 = arith.constant dense<-1> : vector<16xi32>
      %not3A_1521 = arith.xori %bitcast_convert_type3A_1510, %not3A_1520 : vector<16xi32>
      %select_n3A_1522 = arith.select %eq3A_1516, %or3A_1519, %not3A_1521 : vector<16xi1>, vector<16xi32>
      %gt3A_1523 = arith.cmpi ugt, %select_n3A_1522, %or3A_1237 : vector<16xi32>
      %select_n3A_1524 = arith.select %gt3A_1523, %get3A_1509, %broadcast_in_dim3A_0 : vector<16xi1>, vector<16xf32>
      %add3A_1525 = arith.addf %add3A_1503, %select_n3A_1524 : vector<16xf32>
      %scan3A_1526 = arith.constant 3 : i32
      %scan3A_1527 = arith.addi %scan3A_1460, %scan3A_1526 : i32
      %mul3A_1528 = arith.constant 16 : i32
      %mul3A_1529 = arith.muli %scan3A_1527, %mul3A_1528 : i32
      %get3A_1530 = arith.index_cast %mul3A_1529 : i32 to index
      %get3A_1531 = tpu.vector_load %arg4[%get3A_1530] {strides = array<i32>} : memref<2048xf32, #tpu.memory_space<vmem>>, vector<16xf32>,
      %bitcast_convert_type3A_1532 = tpu.bitcast %get3A_1531 : vector<16xf32> -> vector<16xi32>
      %shift_right_logical3A_1533 = arith.constant 31 : i32
      %shift_right_logical3A_1534 = vector.broadcast %shift_right_logical3A_1533 : i32 to vector<16xi32>
      %shift_right_logical3A_1535 = arith.shrui %bitcast_convert_type3A_1532, %shift_right_logical3A_1534 : vector<16xi32>
      %eq3A_1536 = arith.constant 0 : i32
      %eq3A_1537 = vector.broadcast %eq3A_1536 : i32 to vector<16xi32>
      %eq3A_1538 = arith.cmpi eq, %shift_right_logical3A_1535, %eq3A_1537 : vector<16xi32>
      %or3A_1539 = arith.constant -2147483648 : i32
      %or3A_1540 = vector.broadcast %or3A_1539 : i32 to vector<16xi32>
      %or3A_1541 = arith.ori %bitcast_convert_type3A_1532, %or3A_1540 : vector<16xi32>
      %not3A_1542 = arith.constant dense<-1> : vector<16xi32>
      %not3A_1543 = arith.xori %bitcast_convert_type3A_1532, %not3A_1542 : vector<16xi32>
      %select_n3A_1544 = arith.select %eq3A_1538, %or3A_1541, %not3A_1543 : vector<16xi1>, vector<16xi32>
      %gt3A_1545 = arith.cmpi ugt, %select_n3A_1544, %or3A_1237 : vector<16xi32>
      %select_n3A_1546 = arith.select %gt3A_1545, %get3A_1531, %broadcast_in_dim3A_0 : vector<16xi1>, vector<16xf32>
      %add3A_1547 = arith.addf %add3A_1525, %select_n3A_1546 : vector<16xf32>
      scf.yield %add3A_1547 : vector<16xf32>
    }
    %scan3A_1243 = arith.constant 128 : i32
    %swap3A_1244 = arith.constant 0 : i32
    "tpu.trace_stop"() : () -> ()
    %swap3A_1245 = arith.index_cast %swap3A_1244 : i32 to index
    %swap3A_1246 = arith.constant 0 : index
    %swap3A_1247 = tpu.vector_load %arg6[%swap3A_1245, %swap3A_1246] {strides = array<i32>} : memref<48x16xf32, #tpu.memory_space<vmem>>, vector<16xf32>,
    tpu.vector_store %arg6[%swap3A_1245, %swap3A_1246], %scan3A_1242 {strides = array<i32>} : memref<48x16xf32, #tpu.memory_space<vmem>>, vector<16xf32>,
    %swap3A_1248 = arith.constant 1 : i32
    %swap3A_1249 = arith.index_cast %swap3A_1248 : i32 to index
    %swap3A_1250 = arith.constant 0 : index
    %swap3A_1251 = tpu.vector_load %arg6[%swap3A_1249, %swap3A_1250] {strides = array<i32>} : memref<48x16xf32, #tpu.memory_space<vmem>>, vector<16xf32>,
    tpu.vector_store %arg6[%swap3A_1249, %swap3A_1250], %broadcast_in_dim3A_0 {strides = array<i32>} : memref<48x16xf32, #tpu.memory_space<vmem>>, vector<16xf32>,
    %swap3A_1252 = arith.constant 2 : i32
    %swap3A_1253 = arith.index_cast %swap3A_1252 : i32 to index
    %swap3A_1254 = arith.constant 0 : index
    %swap3A_1255 = tpu.vector_load %arg6[%swap3A_1253, %swap3A_1254] {strides = array<i32>} : memref<48x16xf32, #tpu.memory_space<vmem>>, vector<16xf32>,
    tpu.vector_store %arg6[%swap3A_1253, %swap3A_1254], %broadcast_in_dim3A_0 {strides = array<i32>} : memref<48x16xf32, #tpu.memory_space<vmem>>, vector<16xf32>,
    %swap3A_1256 = arith.constant 3 : i32
    %swap3A_1257 = arith.index_cast %swap3A_1256 : i32 to index
    %swap3A_1258 = arith.constant 0 : index
    %swap3A_1259 = tpu.vector_load %arg6[%swap3A_1257, %swap3A_1258] {strides = array<i32>} : memref<48x16xf32, #tpu.memory_space<vmem>>, vector<16xf32>,
    tpu.vector_store %arg6[%swap3A_1257, %swap3A_1258], %broadcast_in_dim3A_0 {strides = array<i32>} : memref<48x16xf32, #tpu.memory_space<vmem>>, vector<16xf32>,
    %swap3A_1260 = arith.constant 4 : i32
    %swap3A_1261 = arith.index_cast %swap3A_1260 : i32 to index
    %swap3A_1262 = arith.constant 0 : index
    %swap3A_1263 = tpu.vector_load %arg6[%swap3A_1261, %swap3A_1262] {strides = array<i32>} : memref<48x16xf32, #tpu.memory_space<vmem>>, vector<16xf32>,
    tpu.vector_store %arg6[%swap3A_1261, %swap3A_1262], %broadcast_in_dim3A_0 {strides = array<i32>} : memref<48x16xf32, #tpu.memory_space<vmem>>, vector<16xf32>,
    %swap3A_1264 = arith.constant 5 : i32
    %swap3A_1265 = arith.index_cast %swap3A_1264 : i32 to index
    %swap3A_1266 = arith.constant 0 : index
    %swap3A_1267 = tpu.vector_load %arg6[%swap3A_1265, %swap3A_1266] {strides = array<i32>} : memref<48x16xf32, #tpu.memory_space<vmem>>, vector<16xf32>,
    tpu.vector_store %arg6[%swap3A_1265, %swap3A_1266], %broadcast_in_dim3A_0 {strides = array<i32>} : memref<48x16xf32, #tpu.memory_space<vmem>>, vector<16xf32>,
    %swap3A_1268 = arith.constant 6 : i32
    %swap3A_1269 = arith.index_cast %swap3A_1268 : i32 to index
    %swap3A_1270 = arith.constant 0 : index
    %swap3A_1271 = tpu.vector_load %arg6[%swap3A_1269, %swap3A_1270] {strides = array<i32>} : memref<48x16xf32, #tpu.memory_space<vmem>>, vector<16xf32>,
    tpu.vector_store %arg6[%swap3A_1269, %swap3A_1270], %broadcast_in_dim3A_0 {strides = array<i32>} : memref<48x16xf32, #tpu.memory_space<vmem>>, vector<16xf32>,
    %swap3A_1272 = arith.constant 7 : i32
    %swap3A_1273 = arith.index_cast %swap3A_1272 : i32 to index
    %swap3A_1274 = arith.constant 0 : index
    %swap3A_1275 = tpu.vector_load %arg6[%swap3A_1273, %swap3A_1274] {strides = array<i32>} : memref<48x16xf32, #tpu.memory_space<vmem>>, vector<16xf32>,
    tpu.vector_store %arg6[%swap3A_1273, %swap3A_1274], %broadcast_in_dim3A_0 {strides = array<i32>} : memref<48x16xf32, #tpu.memory_space<vmem>>, vector<16xf32>,
    %swap3A_1276 = arith.constant 8 : i32
    %swap3A_1277 = arith.index_cast %swap3A_1276 : i32 to index
    %swap3A_1278 = arith.constant 0 : index
    %swap3A_1279 = tpu.vector_load %arg6[%swap3A_1277, %swap3A_1278] {strides = array<i32>} : memref<48x16xf32, #tpu.memory_space<vmem>>, vector<16xf32>,
    tpu.vector_store %arg6[%swap3A_1277, %swap3A_1278], %broadcast_in_dim3A_0 {strides = array<i32>} : memref<48x16xf32, #tpu.memory_space<vmem>>, vector<16xf32>,
    %swap3A_1280 = arith.constant 9 : i32
    %swap3A_1281 = arith.index_cast %swap3A_1280 : i32 to index
    %swap3A_1282 = arith.constant 0 : index
    %swap3A_1283 = tpu.vector_load %arg6[%swap3A_1281, %swap3A_1282] {strides = array<i32>} : memref<48x16xf32, #tpu.memory_space<vmem>>, vector<16xf32>,
    tpu.vector_store %arg6[%swap3A_1281, %swap3A_1282], %broadcast_in_dim3A_0 {strides = array<i32>} : memref<48x16xf32, #tpu.memory_space<vmem>>, vector<16xf32>,
    %swap3A_1284 = arith.constant 10 : i32
    %swap3A_1285 = arith.index_cast %swap3A_1284 : i32 to index
    %swap3A_1286 = arith.constant 0 : index
    %swap3A_1287 = tpu.vector_load %arg6[%swap3A_1285, %swap3A_1286] {strides = array<i32>} : memref<48x16xf32, #tpu.memory_space<vmem>>, vector<16xf32>,
    tpu.vector_store %arg6[%swap3A_1285, %swap3A_1286], %broadcast_in_dim3A_0 {strides = array<i32>} : memref<48x16xf32, #tpu.memory_space<vmem>>, vector<16xf32>,
    %swap3A_1288 = arith.constant 11 : i32
    %swap3A_1289 = arith.index_cast %swap3A_1288 : i32 to index
    %swap3A_1290 = arith.constant 0 : index
    %swap3A_1291 = tpu.vector_load %arg6[%swap3A_1289, %swap3A_1290] {strides = array<i32>} : memref<48x16xf32, #tpu.memory_space<vmem>>, vector<16xf32>,
    tpu.vector_store %arg6[%swap3A_1289, %swap3A_1290], %broadcast_in_dim3A_0 {strides = array<i32>} : memref<48x16xf32, #tpu.memory_space<vmem>>, vector<16xf32>,
    %swap3A_1292 = arith.constant 12 : i32
    %swap3A_1293 = arith.index_cast %swap3A_1292 : i32 to index
    %swap3A_1294 = arith.constant 0 : index
    %swap3A_1295 = tpu.vector_load %arg6[%swap3A_1293, %swap3A_1294] {strides = array<i32>} : memref<48x16xf32, #tpu.memory_space<vmem>>, vector<16xf32>,
    tpu.vector_store %arg6[%swap3A_1293, %swap3A_1294], %broadcast_in_dim3A_0 {strides = array<i32>} : memref<48x16xf32, #tpu.memory_space<vmem>>, vector<16xf32>,
    %swap3A_1296 = arith.constant 13 : i32
    %swap3A_1297 = arith.index_cast %swap3A_1296 : i32 to index
    %swap3A_1298 = arith.constant 0 : index
    %swap3A_1299 = tpu.vector_load %arg6[%swap3A_1297, %swap3A_1298] {strides = array<i32>} : memref<48x16xf32, #tpu.memory_space<vmem>>, vector<16xf32>,
    tpu.vector_store %arg6[%swap3A_1297, %swap3A_1298], %broadcast_in_dim3A_0 {strides = array<i32>} : memref<48x16xf32, #tpu.memory_space<vmem>>, vector<16xf32>,
    %swap3A_1300 = arith.constant 14 : i32
    %swap3A_1301 = arith.index_cast %swap3A_1300 : i32 to index
    %swap3A_1302 = arith.constant 0 : index
    %swap3A_1303 = tpu.vector_load %arg6[%swap3A_1301, %swap3A_1302] {strides = array<i32>} : memref<48x16xf32, #tpu.memory_space<vmem>>, vector<16xf32>,
    tpu.vector_store %arg6[%swap3A_1301, %swap3A_1302], %broadcast_in_dim3A_0 {strides = array<i32>} : memref<48x16xf32, #tpu.memory_space<vmem>>, vector<16xf32>,
    %swap3A_1304 = arith.constant 15 : i32
    %swap3A_1305 = arith.index_cast %swap3A_1304 : i32 to index
    %swap3A_1306 = arith.constant 0 : index
    %swap3A_1307 = tpu.vector_load %arg6[%swap3A_1305, %swap3A_1306] {strides = array<i32>} : memref<48x16xf32, #tpu.memory_space<vmem>>, vector<16xf32>,
    tpu.vector_store %arg6[%swap3A_1305, %swap3A_1306], %broadcast_in_dim3A_0 {strides = array<i32>} : memref<48x16xf32, #tpu.memory_space<vmem>>, vector<16xf32>,
    "tpu.trace_start"() <{level = 10 : i32, message = "ph_fmerge"}> : () -> ()
    %add3A_1308 = arith.constant 16 : i32
    %add3A_1309 = vector.broadcast %add3A_1308 : i32 to vector<16xi32>
    %add3A_1310 = arith.addi %iota3A, %add3A_1309 : vector<16xi32>
    "tpu.region"() ({
      %run_scoped3A = tpu.sem_alloc : memref<!tpu.dma_semaphore, #tpu.memory_space<semaphore_mem>>
      %dma_start3A_1460 = arith.constant 0 : i32
      %dma_start3A_1461 = arith.constant 0 : i32
      %dma_start3A_1462 = tpu.memref_slice %arg6[%dma_start3A_1460, %dma_start3A_1461] : memref<48x16xf32, #tpu.memory_space<vmem>> -> memref<16x16xf32, #tpu.memory_space<vmem>>
      %dma_start3A_1463 = arith.constant 0 : i32
      %dma_start3A_1464 = arith.constant 0 : i32
      %dma_start3A_1465 = tpu.memref_slice %arg11[%dma_start3A_1463, %dma_start3A_1464] : memref<48x16xf32, #tpu.memory_space<vmem_shared>> -> memref<48x16xf32, #tpu.memory_space<vmem_shared>>
      tpu.enqueue_indirect_dma source(%dma_start3A_1462 : memref<16x16xf32, #tpu.memory_space<vmem>>) target(%dma_start3A_1465 : memref<48x16xf32, #tpu.memory_space<vmem_shared>>) offsets(%add3A_1310 : vector<16xi32>) semaphore(%run_scoped3A : memref<!tpu.dma_semaphore, #tpu.memory_space<semaphore_mem>>) {add = true}
      %dma_wait3A_1466 = arith.constant 0 : i32
      %dma_wait3A_1467 = arith.constant 0 : i32
      %dma_wait3A_1468 = tpu.memref_slice %arg6[%dma_wait3A_1466, %dma_wait3A_1467] : memref<48x16xf32, #tpu.memory_space<vmem>> -> memref<16x16xf32, #tpu.memory_space<vmem>>
      %dma_wait3A_1469 = arith.constant 0 : i32
      %dma_wait3A_1470 = arith.constant 0 : i32
      %dma_wait3A_1471 = tpu.memref_slice %arg11[%dma_wait3A_1469, %dma_wait3A_1470] : memref<48x16xf32, #tpu.memory_space<vmem_shared>> -> memref<48x16xf32, #tpu.memory_space<vmem_shared>>
      tpu.wait_indirect_dma semaphore(%run_scoped3A : memref<!tpu.dma_semaphore, #tpu.memory_space<semaphore_mem>>) src(%dma_wait3A_1468 : memref<16x16xf32, #tpu.memory_space<vmem>>) dst(%dma_wait3A_1471 : memref<48x16xf32, #tpu.memory_space<vmem_shared>>)
      tpu.yield
    }) : () -> ()
    %barrier3A_1311 = arith.constant 0 : index
    tpu.barrier barrier_id(%barrier3A_1311)
    "tpu.region"() ({
      %run_scoped3A = tpu.sem_alloc : memref<!tpu.dma_semaphore, #tpu.memory_space<semaphore_mem>>
      %dma_start3A_1460 = arith.constant 0 : i32
      %dma_start3A_1461 = arith.constant 0 : i32
      %dma_start3A_1462 = tpu.memref_slice %arg7[%dma_start3A_1460, %dma_start3A_1461] : memref<48x16xf32, #tpu.memory_space<vmem>> -> memref<16x16xf32, #tpu.memory_space<vmem>>
      %dma_start3A_1463 = arith.constant 16 : i32
      %dma_start3A_1464 = arith.constant 0 : i32
      %dma_start3A_1465 = tpu.memref_slice %arg11[%dma_start3A_1463, %dma_start3A_1464] : memref<48x16xf32, #tpu.memory_space<vmem_shared>> -> memref<16x16xf32, #tpu.memory_space<vmem_shared>>
      %dma_start3A_1466 = arith.constant 0 : i32
      %dma_start3A_1467 = arith.constant 0 : i32
      %dma_start3A_1468 = tpu.memref_slice %arg7[%dma_start3A_1466, %dma_start3A_1467] : memref<48x16xf32, #tpu.memory_space<vmem>> -> memref<16x16xf32, #tpu.memory_space<vmem>>
      %dma_start3A_1469 = arith.constant 16 : i32
      %dma_start3A_1470 = arith.constant 0 : i32
      %dma_start3A_1471 = tpu.memref_slice %arg11[%dma_start3A_1469, %dma_start3A_1470] : memref<48x16xf32, #tpu.memory_space<vmem_shared>> -> memref<16x16xf32, #tpu.memory_space<vmem_shared>>
      tpu.enqueue_dma source(%dma_start3A_1471 : memref<16x16xf32, #tpu.memory_space<vmem_shared>>) target(%dma_start3A_1468 : memref<16x16xf32, #tpu.memory_space<vmem>>) target_semaphore(%run_scoped3A : memref<!tpu.dma_semaphore, #tpu.memory_space<semaphore_mem>>)
      %dma_wait3A_1472 = arith.constant 0 : i32
      %dma_wait3A_1473 = arith.constant 0 : i32
      %dma_wait3A_1474 = tpu.memref_slice %arg7[%dma_wait3A_1472, %dma_wait3A_1473] : memref<48x16xf32, #tpu.memory_space<vmem>> -> memref<16x16xf32, #tpu.memory_space<vmem>>
      %dma_wait3A_1475 = arith.constant 16 : i32
      %dma_wait3A_1476 = arith.constant 0 : i32
      %dma_wait3A_1477 = tpu.memref_slice %arg11[%dma_wait3A_1475, %dma_wait3A_1476] : memref<48x16xf32, #tpu.memory_space<vmem_shared>> -> memref<16x16xf32, #tpu.memory_space<vmem_shared>>
      %dma_wait3A_1478 = arith.constant 0 : i32
      %dma_wait3A_1479 = arith.constant 0 : i32
      %dma_wait3A_1480 = tpu.memref_slice %arg7[%dma_wait3A_1478, %dma_wait3A_1479] : memref<48x16xf32, #tpu.memory_space<vmem>> -> memref<16x16xf32, #tpu.memory_space<vmem>>
      %dma_wait3A_1481 = arith.constant 16 : i32
      %dma_wait3A_1482 = arith.constant 0 : i32
      %dma_wait3A_1483 = tpu.memref_slice %arg11[%dma_wait3A_1481, %dma_wait3A_1482] : memref<48x16xf32, #tpu.memory_space<vmem_shared>> -> memref<16x16xf32, #tpu.memory_space<vmem_shared>>
      tpu.wait_dma2 semaphore(%run_scoped3A : memref<!tpu.dma_semaphore, #tpu.memory_space<semaphore_mem>>) src(%dma_wait3A_1483 : memref<16x16xf32, #tpu.memory_space<vmem_shared>>) dst(%dma_wait3A_1480 : memref<16x16xf32, #tpu.memory_space<vmem>>)
      tpu.yield
    }) : () -> ()
    %get3A_1312 = arith.constant 0 : i32
    "tpu.trace_stop"() : () -> ()
    %get3A_1313 = arith.index_cast %get3A_1312 : i32 to index
    %get3A_1314 = arith.constant 0 : index
    %get3A_1315 = tpu.vector_load %arg7[%get3A_1313, %get3A_1314] {strides = array<i32>} : memref<48x16xf32, #tpu.memory_space<vmem>>, vector<16xf32>,
    %add3A_1316 = arith.addf %broadcast_in_dim3A_0, %get3A_1315 : vector<16xf32>
    %get3A_1317 = arith.constant 1 : i32
    %get3A_1318 = arith.index_cast %get3A_1317 : i32 to index
    %get3A_1319 = arith.constant 0 : index
    %get3A_1320 = tpu.vector_load %arg7[%get3A_1318, %get3A_1319] {strides = array<i32>} : memref<48x16xf32, #tpu.memory_space<vmem>>, vector<16xf32>,
    %add3A_1321 = arith.addf %add3A_1316, %get3A_1320 : vector<16xf32>
    %get3A_1322 = arith.constant 2 : i32
    %get3A_1323 = arith.index_cast %get3A_1322 : i32 to index
    %get3A_1324 = arith.constant 0 : index
    %get3A_1325 = tpu.vector_load %arg7[%get3A_1323, %get3A_1324] {strides = array<i32>} : memref<48x16xf32, #tpu.memory_space<vmem>>, vector<16xf32>,
    %add3A_1326 = arith.addf %add3A_1321, %get3A_1325 : vector<16xf32>
    %get3A_1327 = arith.constant 3 : i32
    %get3A_1328 = arith.index_cast %get3A_1327 : i32 to index
    %get3A_1329 = arith.constant 0 : index
    %get3A_1330 = tpu.vector_load %arg7[%get3A_1328, %get3A_1329] {strides = array<i32>} : memref<48x16xf32, #tpu.memory_space<vmem>>, vector<16xf32>,
    %add3A_1331 = arith.addf %add3A_1326, %get3A_1330 : vector<16xf32>
    %get3A_1332 = arith.constant 4 : i32
    %get3A_1333 = arith.index_cast %get3A_1332 : i32 to index
    %get3A_1334 = arith.constant 0 : index
    %get3A_1335 = tpu.vector_load %arg7[%get3A_1333, %get3A_1334] {strides = array<i32>} : memref<48x16xf32, #tpu.memory_space<vmem>>, vector<16xf32>,
    %add3A_1336 = arith.addf %add3A_1331, %get3A_1335 : vector<16xf32>
    %get3A_1337 = arith.constant 5 : i32
    %get3A_1338 = arith.index_cast %get3A_1337 : i32 to index
    %get3A_1339 = arith.constant 0 : index
    %get3A_1340 = tpu.vector_load %arg7[%get3A_1338, %get3A_1339] {strides = array<i32>} : memref<48x16xf32, #tpu.memory_space<vmem>>, vector<16xf32>,
    %add3A_1341 = arith.addf %add3A_1336, %get3A_1340 : vector<16xf32>
    %get3A_1342 = arith.constant 6 : i32
    %get3A_1343 = arith.index_cast %get3A_1342 : i32 to index
    %get3A_1344 = arith.constant 0 : index
    %get3A_1345 = tpu.vector_load %arg7[%get3A_1343, %get3A_1344] {strides = array<i32>} : memref<48x16xf32, #tpu.memory_space<vmem>>, vector<16xf32>,
    %add3A_1346 = arith.addf %add3A_1341, %get3A_1345 : vector<16xf32>
    %get3A_1347 = arith.constant 7 : i32
    %get3A_1348 = arith.index_cast %get3A_1347 : i32 to index
    %get3A_1349 = arith.constant 0 : index
    %get3A_1350 = tpu.vector_load %arg7[%get3A_1348, %get3A_1349] {strides = array<i32>} : memref<48x16xf32, #tpu.memory_space<vmem>>, vector<16xf32>,
    %add3A_1351 = arith.addf %add3A_1346, %get3A_1350 : vector<16xf32>
    %get3A_1352 = arith.constant 8 : i32
    %get3A_1353 = arith.index_cast %get3A_1352 : i32 to index
    %get3A_1354 = arith.constant 0 : index
    %get3A_1355 = tpu.vector_load %arg7[%get3A_1353, %get3A_1354] {strides = array<i32>} : memref<48x16xf32, #tpu.memory_space<vmem>>, vector<16xf32>,
    %add3A_1356 = arith.addf %add3A_1351, %get3A_1355 : vector<16xf32>
    %get3A_1357 = arith.constant 9 : i32
    %get3A_1358 = arith.index_cast %get3A_1357 : i32 to index
    %get3A_1359 = arith.constant 0 : index
    %get3A_1360 = tpu.vector_load %arg7[%get3A_1358, %get3A_1359] {strides = array<i32>} : memref<48x16xf32, #tpu.memory_space<vmem>>, vector<16xf32>,
    %add3A_1361 = arith.addf %add3A_1356, %get3A_1360 : vector<16xf32>
    %get3A_1362 = arith.constant 10 : i32
    %get3A_1363 = arith.index_cast %get3A_1362 : i32 to index
    %get3A_1364 = arith.constant 0 : index
    %get3A_1365 = tpu.vector_load %arg7[%get3A_1363, %get3A_1364] {strides = array<i32>} : memref<48x16xf32, #tpu.memory_space<vmem>>, vector<16xf32>,
    %add3A_1366 = arith.addf %add3A_1361, %get3A_1365 : vector<16xf32>
    %get3A_1367 = arith.constant 11 : i32
    %get3A_1368 = arith.index_cast %get3A_1367 : i32 to index
    %get3A_1369 = arith.constant 0 : index
    %get3A_1370 = tpu.vector_load %arg7[%get3A_1368, %get3A_1369] {strides = array<i32>} : memref<48x16xf32, #tpu.memory_space<vmem>>, vector<16xf32>,
    %add3A_1371 = arith.addf %add3A_1366, %get3A_1370 : vector<16xf32>
    %get3A_1372 = arith.constant 12 : i32
    %get3A_1373 = arith.index_cast %get3A_1372 : i32 to index
    %get3A_1374 = arith.constant 0 : index
    %get3A_1375 = tpu.vector_load %arg7[%get3A_1373, %get3A_1374] {strides = array<i32>} : memref<48x16xf32, #tpu.memory_space<vmem>>, vector<16xf32>,
    %add3A_1376 = arith.addf %add3A_1371, %get3A_1375 : vector<16xf32>
    %get3A_1377 = arith.constant 13 : i32
    %get3A_1378 = arith.index_cast %get3A_1377 : i32 to index
    %get3A_1379 = arith.constant 0 : index
    %get3A_1380 = tpu.vector_load %arg7[%get3A_1378, %get3A_1379] {strides = array<i32>} : memref<48x16xf32, #tpu.memory_space<vmem>>, vector<16xf32>,
    %add3A_1381 = arith.addf %add3A_1376, %get3A_1380 : vector<16xf32>
    %get3A_1382 = arith.constant 14 : i32
    %get3A_1383 = arith.index_cast %get3A_1382 : i32 to index
    %get3A_1384 = arith.constant 0 : index
    %get3A_1385 = tpu.vector_load %arg7[%get3A_1383, %get3A_1384] {strides = array<i32>} : memref<48x16xf32, #tpu.memory_space<vmem>>, vector<16xf32>,
    %add3A_1386 = arith.addf %add3A_1381, %get3A_1385 : vector<16xf32>
    %get3A_1387 = arith.constant 15 : i32
    %get3A_1388 = arith.index_cast %get3A_1387 : i32 to index
    %get3A_1389 = arith.constant 0 : index
    %get3A_1390 = tpu.vector_load %arg7[%get3A_1388, %get3A_1389] {strides = array<i32>} : memref<48x16xf32, #tpu.memory_space<vmem>>, vector<16xf32>,
    %add3A_1391 = arith.addf %add3A_1386, %get3A_1390 : vector<16xf32>
    %reduce_sum3A_1392 = arith.constant true
    %reduce_sum3A_1393 = vector.broadcast %reduce_sum3A_1392 : i1 to vector<16xi1>
    %reduce_sum3A_1394 = tpu.scan <sum>, %add3A_1391 masked %reduce_sum3A_1393 : vector<16xf32>, vector<16xi1> -> vector<16xf32>
    %reduce_sum3A_1395 = vector.extract %reduce_sum3A_1394[15] : f32 from vector<16xf32>
    %ge3A_1396 = arith.constant -2147483648 : i32
    %ge3A_1397 = vector.broadcast %ge3A_1396 : i32 to vector<16xi32>
    %ge3A_1398 = arith.cmpi uge, %or3A_1237, %ge3A_1397 : vector<16xi32>
    %xor3A = arith.constant -2147483648 : i32
    %xor3A_1399 = vector.broadcast %xor3A : i32 to vector<16xi32>
    %xor3A_1400 = arith.xori %or3A_1237, %xor3A_1399 : vector<16xi32>
    %not3A = arith.constant dense<-1> : vector<16xi32>
    %not3A_1401 = arith.xori %or3A_1237, %not3A : vector<16xi32>
    %select_n3A_1402 = arith.select %ge3A_1398, %xor3A_1400, %not3A_1401 : vector<16xi1>, vector<16xi32>
    %bitcast_convert_type3A = tpu.bitcast %select_n3A_1402 : vector<16xi32> -> vector<16xf32>
    %broadcast_in_dim3A_1403 = vector.broadcast %reduce_sum3A_1395 : f32 to vector<16xf32>
    %broadcast_in_dim3A_1404 = arith.constant 6.550000e+02 : f32
    %broadcast_in_dim3A_1405 = vector.broadcast %broadcast_in_dim3A_1404 : f32 to vector<16xf32>
    %broadcast_in_dim3A_1406 = vector.broadcast %add3A_1233 : f32 to vector<16xf32>
    %sub3A_1407 = arith.subf %broadcast_in_dim3A_1405, %broadcast_in_dim3A_1406 : vector<16xf32>
    %mul3A_1408 = arith.mulf %sub3A_1407, %bitcast_convert_type3A : vector<16xf32>
    %add3A_1409 = arith.addf %broadcast_in_dim3A_1403, %mul3A_1408 : vector<16xf32>
    %broadcast_in_dim3A_1410 = vector.broadcast %reduce_sum3A_545 : f32 to vector<16xf32>
    %bitcast_convert_type3A_1411 = tpu.bitcast %broadcast_in_dim3A_1410 : vector<16xf32> -> vector<16xi32>
    %shift_right_logical3A = arith.constant 1 : i32
    %shift_right_logical3A_1412 = vector.broadcast %shift_right_logical3A : i32 to vector<16xi32>
    %shift_right_logical3A_1413 = arith.shrui %bitcast_convert_type3A_1411, %shift_right_logical3A_1412 : vector<16xi32>
    %sub3A_1414 = arith.constant 1597463007 : i32
    %sub3A_1415 = vector.broadcast %sub3A_1414 : i32 to vector<16xi32>
    %sub3A_1416 = arith.subi %sub3A_1415, %shift_right_logical3A_1413 : vector<16xi32>
    %bitcast_convert_type3A_1417 = tpu.bitcast %sub3A_1416 : vector<16xi32> -> vector<16xf32>
    %mul3A_1418 = arith.constant 5.000000e-01 : f32
    %mul3A_1419 = vector.broadcast %mul3A_1418 : f32 to vector<16xf32>
    %mul3A_1420 = arith.mulf %mul3A_1419, %broadcast_in_dim3A_1410 : vector<16xf32>
    %mul3A_1421 = arith.mulf %mul3A_1420, %bitcast_convert_type3A_1417 : vector<16xf32>
    %mul3A_1422 = arith.mulf %mul3A_1421, %bitcast_convert_type3A_1417 : vector<16xf32>
    %sub3A_1423 = arith.constant 1.500000e+00 : f32
    %sub3A_1424 = vector.broadcast %sub3A_1423 : f32 to vector<16xf32>
    %sub3A_1425 = arith.subf %sub3A_1424, %mul3A_1422 : vector<16xf32>
    %mul3A_1426 = arith.mulf %bitcast_convert_type3A_1417, %sub3A_1425 : vector<16xf32>
    %mul3A_1427 = arith.constant 5.000000e-01 : f32
    %mul3A_1428 = vector.broadcast %mul3A_1427 : f32 to vector<16xf32>
    %mul3A_1429 = arith.mulf %mul3A_1428, %broadcast_in_dim3A_1410 : vector<16xf32>
    %mul3A_1430 = arith.mulf %mul3A_1429, %mul3A_1426 : vector<16xf32>
    %mul3A_1431 = arith.mulf %mul3A_1430, %mul3A_1426 : vector<16xf32>
    %sub3A_1432 = arith.constant 1.500000e+00 : f32
    %sub3A_1433 = vector.broadcast %sub3A_1432 : f32 to vector<16xf32>
    %sub3A_1434 = arith.subf %sub3A_1433, %mul3A_1431 : vector<16xf32>
    %mul3A_1435 = arith.mulf %mul3A_1426, %sub3A_1434 : vector<16xf32>
    %mul3A_1436 = arith.constant 5.000000e-01 : f32
    %mul3A_1437 = vector.broadcast %mul3A_1436 : f32 to vector<16xf32>
    %mul3A_1438 = arith.mulf %mul3A_1437, %broadcast_in_dim3A_1410 : vector<16xf32>
    %mul3A_1439 = arith.mulf %mul3A_1438, %mul3A_1435 : vector<16xf32>
    %mul3A_1440 = arith.mulf %mul3A_1439, %mul3A_1435 : vector<16xf32>
    %sub3A_1441 = arith.constant 1.500000e+00 : f32
    %sub3A_1442 = vector.broadcast %sub3A_1441 : f32 to vector<16xf32>
    %sub3A_1443 = arith.subf %sub3A_1442, %mul3A_1440 : vector<16xf32>
    %mul3A_1444 = arith.mulf %mul3A_1435, %sub3A_1443 : vector<16xf32>
    %mul3A_1445 = arith.mulf %broadcast_in_dim3A_1410, %mul3A_1444 : vector<16xf32>
    %broadcast_in_dim3A_1446 = arith.constant 9.99999996E-13 : f32
    %broadcast_in_dim3A_1447 = vector.broadcast %broadcast_in_dim3A_1446 : f32 to vector<16xf32>
    %max3A = arith.maximumf %mul3A_1445, %broadcast_in_dim3A_1447 : vector<16xf32>
    %gt3A_1448 = arith.constant 0.000000e+00 : f32
    %gt3A_1449 = vector.broadcast %gt3A_1448 : f32 to vector<16xf32>
    %gt3A_1450 = arith.cmpf ogt, %broadcast_in_dim3A_1410, %gt3A_1449 : vector<16xf32>
    %div3A_1451 = arith.divf %add3A_1409, %max3A : vector<16xf32>
    %select_n3A_1452 = arith.select %gt3A_1450, %div3A_1451, %broadcast_in_dim3A_0 : vector<16xi1>, vector<16xf32>
    %swap3A_1453 = arith.constant 0 : index
    %swap3A_1454 = tpu.vector_load %arg8[%swap3A_1453] {strides = array<i32>} : memref<16xf32, #tpu.memory_space<vmem>>, vector<16xf32>,
    tpu.vector_store %arg8[%swap3A_1453], %select_n3A_1452 {strides = array<i32>} : memref<16xf32, #tpu.memory_space<vmem>>, vector<16xf32>,
    %eq3A_1455 = arith.constant 0 : i32
    %eq3A_1456 = arith.cmpi eq, %arg1, %eq3A_1455 : i32
    %convert_element_type3A_1457 = arith.extui %eq3A_1456 : i1 to i32
    %cond3A_1458 = arith.constant 0 : i32
    %cond3A_1459 = arith.cmpi ne, %convert_element_type3A_1457, %cond3A_1458 : i32
    scf.if %cond3A_1459 {
      "tpu.region"() ({
        %run_scoped3A = tpu.sem_alloc : memref<!tpu.dma_semaphore, #tpu.memory_space<semaphore_mem>>
        tpu.enqueue_dma source(%arg8 : memref<16xf32, #tpu.memory_space<vmem>>) target(%arg3 : memref<16xf32, #tpu.memory_space<hbm>>) target_semaphore(%run_scoped3A : memref<!tpu.dma_semaphore, #tpu.memory_space<semaphore_mem>>)
        tpu.wait_dma2 semaphore(%run_scoped3A : memref<!tpu.dma_semaphore, #tpu.memory_space<semaphore_mem>>) src(%arg8 : memref<16xf32, #tpu.memory_space<vmem>>) dst(%arg3 : memref<16xf32, #tpu.memory_space<hbm>>)
        tpu.yield
      }) : () -> ()
    } else {
    }
    return
  }
}

</mosaic_0001>

<sc_bundles>
// kernel: kernel.3.cloned.1.call-start
scs
__scs_entry_jumppad:
0x0: {  	(pc) =	sbr.rel $0x88, $3  }
0x1: {  	(tag) =	ssettag $0x0;
	lr =	simm.s32 $0x1  }
0x2: {  	[smem:$0x3FA0] =	sst lr;
	_ =	strace $0xD0000000  }
0x3: {  	_ = 	snop  }
0x4: {  	_ = 	snop  }
0x5: {  	_ = 	snop  }
0x6: {  	_ = 	snop  }
0x7: {  	_ = 	snop  }
__scs_overlays_trampoline_lowered:
0x8: {  	[smem:$0x3FAF] =	sst s0  }
0x9: {  	[smem:$0x3FB0] =	sst s1  }
0xa: {  	[smem:$0x3FB1] =	sst s2  }
0xb: {  	[smem:$0x3FB2] =	sst s3  }
0xc: {  	[smem:$0x3FB3] =	sst s4  }
0xd: {  	[smem:$0x3FB4] =	sst s5  }
0xe: {  	[smem:$0x3FB5] =	sst s6  }
0xf: {  	[smem:$0x3FB6] =	sst s7  }
0x10: {  	[smem:$0x3FB7] =	sst s8  }
0x11: {  	[smem:$0x3FB8] =	sst s9;
	s0 =	simm.s32 @!p0 $0x0  }
0x12: {  	s1 =	sld [smem:$0x3F9E];
	s0 =	simm.s32 @p0 $0x1  }
0x13: {  	[smem:$0x3FB9] =	sst s0;
	s0 =	simm.s32 @!p1 $0x0  }
0x14: {  	s2 =	sld [smem:$0x3F9D];
	s0 =	simm.s32 @p1 $0x1  }
0x15: {  	[smem:$0x3FBA] =	sst s0;
	s0 =	simm.s32 @!p2 $0x0  }
0x16: {  	s3 =	sld [smem:$0x3FDB];
	s0 =	simm.s32 @p2 $0x1  }
0x17: {  	s4 =	simm.s32 $0x1BF5;
	[smem:$0x3FBC] =	sst s0  }
0x18: {  	s0 =	sld [smem:$0x3F9F];
	_ =	swait.ge [sflag:s4], $0x0  }
0x19: {  	s7 =	sld [smem:$0x3FA0]  }
0x1a: {  	s8 =	sadd.s32 $0xFFFFE003, lr  }
0x1b: {  	s9 =	sadd.s32 $0xFFFFFEF7, lr;
	s5 =	simm.s32 $0xFFFFFFFF;
	p2 =	slt.u32 s8, $0xFFFFF086  }
0x1c: {  	p1 =	slt.u32 s9, $0xF7A;
	s5 =	simm.s32 @!p2 $0x0  }
0x1d: {  	s5 =	simm.s32 @p1 $0x1;
	p0 =	seq.s32 s7, s2  }
0x1e: {  	s7 =	smul.u32 @!p0 $0xF7A, s2;
	p2 =	seq.s32 @!p0 s5, $0x0  }
0x1f: {  	s9 =	smul.u32 $0xF7A, s1;
	s8 =	simm.s32 @!p0 $0x1BF5;
	p2 =	por !p2, p0  }
0x20: {  	[sflag:s8] =	ssyncset.s32 @!p0 $0xFFFFF086;
	s6 =	sadd.s32 @!p0 s3, s7;
	s7 =	simm.s32 @!p0 $0x108  }
0x21: {  	s3 =	sadd.s32 s3, s9;
	s6 =	sadd.s32 @!p0 $0x88, s6;
	s7 =	simm.s32 @p2 $0x1082  }
0x22: {  	[simem:s7], [sflag:s8] =	dma.local @!p0 [hbm:s6], $0xF7A  }
0x23: {  	s9 =	sor.u32 $0xD0000000, s2;
	s6 =	simm.s32 $0x108;
	_ =	swait.ge @!p0 [sflag:s8], $0x0  }
0x24: {  	s3 =	sadd.s32 $0x88, s3;
	s6 =	simm.s32 @!p1 $0x1082;
	[sflag:s4] =	ssyncset.s32 $0xFFFFF086  }
0x25: {  	[simem:s6], [sflag:s4] =	dma.local [hbm:s3], $0xF7A  }
0x26: {  	[smem:$0x3FA0] =	sst s1;
	(tag) =	ssettag s2;
	_ =	strace s9  }
0x27: {  	s1 =	sld [smem:$0x3FB0]  }
0x28: {  	s2 =	sld [smem:$0x3FB1]  }
0x29: {  	s4 =	sld [smem:$0x3FB3]  }
0x2a: {  	p0 =	seq.s32 s5, $0x0;
	s5 =	sld [smem:$0x3FB4]  }
0x2b: {  	s6 =	sld [smem:$0x3FB5]  }
0x2c: {  	s7 =	sld [smem:$0x3FB6]  }
0x2d: {  	s3 =	simm.s32 $0x108;
	s8 =	sld [smem:$0x3FB7]  }
0x2e: {  	s3 =	simm.s32 @!p0 $0x1082;
	s9 =	sld [smem:$0x3FB8]  }
0x2f: {  	lr =	sadd.s32 s0, s3;
	s0 =	sld [smem:$0x3FAF]  }
0x30: {  	s3 =	sld [smem:$0x3FB2]  }
0x31: {  	[smem:$0x3FBB] =	sst s10  }
0x32: {  	s10 =	sld [smem:$0x3FB9];
	_ =	sdelay $0x3  }
0x33: {  	p0 =	seq.s32 s10, $0x1;
	s10 =	sld [smem:$0x3FBB];
	_ =	sdelay $0x3  }
0x34: {  	[smem:$0x3FBB] =	sst s10  }
0x35: {  	s10 =	sld [smem:$0x3FBA];
	_ =	sdelay $0x3  }
0x36: {  	p1 =	seq.s32 s10, $0x1;
	s10 =	sld [smem:$0x3FBB];
	_ =	sdelay $0x3  }
0x37: {  	[smem:$0x3FBB] =	sst s10  }
0x38: {  	s10 =	sld [smem:$0x3FBC]  }
0x39: {  	_ = 	snop;
	(pc) =	sbr.ind lr, $3  }
0x3a: {  	_ = 	snop  }
0x3b: {  	_ = 	snop  }
0x3c: {  	p2 =	seq.s32 s10, $0x1;
	s10 =	sld [smem:$0x3FBB]  }
0x3d: {  	_ =	shalt  }
0x3e: {  	_ =	shalt  }
0x3f: {  	_ =	shalt  }
0x40: {  	_ =	shalt  }
0x41: {  	_ =	shalt  }
0x42: {  	_ =	shalt  }
0x43: {  	_ =	shalt  }
0x44: {  	_ =	shalt  }
0x45: {  	_ =	shalt  }
0x46: {  	_ =	shalt  }
0x47: {  	_ =	shalt  }
0x48: {  	_ =	shalt  }
0x49: {  	_ =	shalt  }
0x4a: {  	_ =	shalt  }
0x4b: {  	_ =	shalt  }
0x4c: {  	_ =	shalt  }
0x4d: {  	_ =	shalt  }
0x4e: {  	_ =	shalt  }
0x4f: {  	_ =	shalt  }
0x50: {  	_ =	shalt  }
0x51: {  	_ =	shalt  }
0x52: {  	_ =	shalt  }
0x53: {  	_ =	shalt  }
0x54: {  	_ =	shalt  }
0x55: {  	_ =	shalt  }
0x56: {  	_ =	shalt  }
0x57: {  	_ =	shalt  }
0x58: {  	_ =	shalt  }
0x59: {  	_ =	shalt  }
0x5a: {  	_ =	shalt  }
0x5b: {  	_ =	shalt  }
0x5c: {  	_ =	shalt  }
0x5d: {  	_ =	shalt  }
0x5e: {  	_ =	shalt  }
0x5f: {  	_ =	shalt  }
0x60: {  	_ =	shalt  }
0x61: {  	_ =	shalt  }
0x62: {  	_ =	shalt  }
0x63: {  	_ =	shalt  }
0x64: {  	_ =	shalt  }
0x65: {  	_ =	shalt  }
0x66: {  	_ =	shalt  }
0x67: {  	_ =	shalt  }
0x68: {  	_ =	shalt  }
0x69: {  	_ =	shalt  }
0x6a: {  	_ =	shalt  }
0x6b: {  	_ =	shalt  }
0x6c: {  	_ =	shalt  }
0x6d: {  	_ =	shalt  }
0x6e: {  	_ =	shalt  }
0x6f: {  	_ =	shalt  }
0x70: {  	_ =	shalt  }
0x71: {  	_ =	shalt  }
0x72: {  	_ =	shalt  }
0x73: {  	_ =	shalt  }
0x74: {  	_ =	shalt  }
0x75: {  	_ =	shalt  }
0x76: {  	_ =	shalt  }
0x77: {  	_ =	shalt  }
0x78: {  	_ =	shalt  }
0x79: {  	_ =	shalt  }
0x7a: {  	_ =	shalt  }
0x7b: {  	_ =	shalt  }
0x7c: {  	_ =	shalt  }
0x7d: {  	_ =	shalt  }
0x7e: {  	_ =	shalt  }
0x7f: {  	_ =	shalt  }
0x80: {  	_ =	shalt  }
0x81: {  	_ =	shalt  }
0x82: {  	_ =	shalt  }
0x83: {  	_ =	shalt  }
0x84: {  	_ =	shalt  }
0x85: {  	_ =	shalt  }
0x86: {  	_ =	shalt  }
0x87: {  	_ =	shalt  }
.Lfunc_end0:
.L_simem_size_0:
called_computation_lowered:
.L_overlay_start_0:
0x88: {  	s0 =	sld [smem:$0x3FD9]  }
0x89: {  	s1 =	sld [smem:$0x3FFE];
	_ =	sdelay $0x3  }
0x8a: {  	s0 =	sadd.s32 s1, s0  }
0x8b: {  	[smem:$0x3FC7] =	sst s0  }
0x8c: {  	_ = 	snop  }
0x8d: {  	s0 =	sld [smem:$0x3FC9]  }
0x8e: {  	s17 =	sld [smem:$0x3FD0];
	(tm) =	ssettm $0x1  }
0x8f: {  	s2 =	sld [smem:$0x3FFB];
	_ =	sdelay $0x3  }
0x90: {  	_ =	strace s2  }
0x91: {  	s2 =	sld [smem:$0x3FFC];
	_ =	sdelay $0x3  }
0x92: {  	_ =	strace s2  }
0x93: {  	s2 =	sld [smem:$0x3FFD];
	_ =	sdelay $0x3  }
0x94: {  	_ =	strace s2  }
0x95: {  	_ =	strace $0x8FFFFFFF  }
0x96: {  	s18 =	sld [smem:$0x3FDB];
	_ =	sdelay $0x1  }
0x97: {  	s3 =	simm.s32 $_scs_section_size  }
0x98: {  	s4 =	simm.s32 $_size__tile_overlayer_lowered;
	s5 =	simm.s32 $_tile_overlayer_lowered  }
0x99: {  	s21 =	simm.s32 $0x1BFF;
	s20 =	sshll.u32 s5, $0x1;
	s2 =	sadd.s32 s3, s18  }
0x9a: {  	s6 =	simm.s32 $0x0;
	s19 =	sshll.u32 s4, $0x1;
	s4 =	sadd.s32 s20, s2  }
0x9b: {  	[timem:s6], [sflag:s21] =	dma.local [hbm:s4], s19  }
0x9c: {  	_ =	swait.ge [sflag:s21], s19  }
0x9d: {  	s3 =	ssub.s32 $0x0, s19;
	[sflag:s21] =	ssyncset.done $0x0  }
0x9e: {  	[sflag:s21] =	ssyncadd.s32 s3;
	_ =	sdelay $0x1  }
0x9f: {  	s22 =	simm.s32 $0x1B8B  }
0xa0: {  	_ =	swait.ge [sflag:s22], $0x1  }
0xa1: {  	[sflag:s22] =	ssyncset.done $0x0  }
0xa2: {  	s23 =	simm.s32 $0x1B8E;
	[sflag:s22] =	ssyncadd.s32 $0xFFFFFFFF  }
0xa3: {  	s24 =	simm.s32 $execute0_lowered;
	[smem:$0x3FD2] =	sst s23  }
0xa4: {  	s3 =	sshll.u32 s24, $0x1;
	_ =	strace $0x80000046;
	[dreg:$0x1] =	wrdreg $0xFFFFFFFF  }
0xa5: {  	s25 =	simm.s32 $_size_execute0_lowered;
	s2 =	sadd.s32 s2, s3;
	[dreg:$0x0] =	wrdreg $0x0  }
0xa6: {  	s3 =	sshll.u32 s25, $0x1;
	[dreg:$0x2] =	wrdreg s2  }
0xa7: {  	[dreg:$0x3] =	wrdreg s3  }
0xa8: {  	[dreg:$0x4] =	wrdreg $0xC0  }
0xa9: {  	_ =	task [dreg:s6], $0x5FFFF  }
0xaa: {  	[dreg:$0x1] =	wrdreg $0xFFFFFFFF  }
0xab: {  	[dreg:$0x0] =	wrdreg $0x60  }
0xac: {  	[dreg:$0x2] =	wrdreg s0  }
0xad: {  	[dreg:$0x3] =	wrdreg s17  }
0xae: {  	[dreg:$0x4] =	wrdreg $0x19100  }
0xaf: {  	[dreg:$0x5] =	wrdreg $0x19400  }
0xb0: {  	[dreg:$0x6] =	wrdreg $0x19600  }
0xb1: {  	[dreg:$0x7] =	wrdreg $0x19800  }
0xb2: {  	[dreg:$0x8] =	wrdreg $0x9  }
0xb3: {  	_ =	task.clear_ibuf [dreg:s6], $0x9FFFF;
	_ =	strace $0x90000046  }
0xb4: {  	s26 =	simm.s32 $0x9;
	_ =	strace $0x80000056  }
0xb5: {  	_ =	swait.ge [sflag:s26], $0x1  }
0xb6: {  	[sflag:s26] =	ssyncadd.s32 $0xFFFFFFFF  }
0xb7: {  	_ =	strace $0x90000056  }
0xb8: {  	_ =	sfence  }
0xb9: {  	s28 =	sld [smem:$0x0];
	_ =	sdelay $0x1  }
0xba: {  	s29 =	srdreg.scid  }
0xbb: {  	s30 =	sshll.u32 s29, $0xD;
	s31 =	sshrl.u32 s29, $0x2  }
0xbc: {  	s1 =	sand.u32 $0x1, s29;
	s2 =	sand.u32 $0x4000, s30;
	s0 =	sadd.s32 s31, s28  }
0xbd: {  	s1 =	sor.u32 s2, s1;
	s0 =	sshll.u32 s0, $0x11  }
0xbe: {  	s0 =	sor.u32 s0, s1  }
0xbf: {  	s0 =	sadd.s32 $0x8F2B, s0  }
0xc0: {  	[sflag:s0] =	ssyncadd.remote.s32 $0x1  }
0xc1: {  	_ =	sfence.sel $0xFFFF  }
0xc2: {  	[dreg:$0x0] =	wrdreg $0xFFFFFFFF;
	(pc) =	sbr.abs _section_cstart, $3  }
0xc3: {  	[dreg:$0x1] =	wrdreg $0xFFFFFFFF  }
0xc4: {  	_ =	task.clear_ibuf [dreg:s6], $0x2FFFF;
	_ =	strace $0x9FFFFFFF  }
0xc5: {  	(tm) =	ssettm $0x7FFFFFFF  }
tec
execute0_lowered:
.L_overlay_start_1:
0x0: {  	(tag) =	ssettag $0x1  }
0x1: {  	s7 =	rddreg [dreg:$0x0]  }
0x2: {  	s1 =	rddreg [dreg:$0x1]  }
0x3: {  	s2 =	rddreg [dreg:$0x2]  }
0x4: {  	s6 =	rddreg [dreg:$0x3]  }
0x5: {  	s5 =	rddreg [dreg:$0x4]  }
0x6: {  	s4 =	rddreg [dreg:$0x5];
	s8 =	simm.s32 $0x0;
	s3 =	stileid.u32  }
0x7: {  	[smem:$0x7FF] =	sst s8;
	s9 =	sshll.u32 s3, $0x8  }
0x8: {  	s0 =	rddreg [dreg:$0x6];
	_ =	strace $0x80000047;
	s7 =	sadd.s32 s7, s9  }
0x9: {  	v0 =	vimm.f32 $0.0e+00;
	[tilespmem:s8], [sflag:$0x1] =	stream.linear.gather [hbm4b:s7+s8], $0x800, $0x38;
	[tilespmem:$0x19A0] =	vst v63  }
0xa: {  	[tilespmem:$0x1610] =	vst v0  }
0xb: {  	[tilespmem:$0x1000] =	vst v0  }
0xc: {  	[tilespmem:$0x1620] =	vst v0  }
0xd: {  	[tilespmem:$0x1010] =	vst v0  }
0xe: {  	[tilespmem:$0x1630] =	vst v0  }
0xf: {  	[tilespmem:$0x1020] =	vst v0  }
0x10: {  	[tilespmem:$0x1640] =	vst v0  }
0x11: {  	[tilespmem:$0x1030] =	vst v0  }
0x12: {  	[tilespmem:$0x1650] =	vst v0  }
0x13: {  	[tilespmem:$0x1040] =	vst v0  }
0x14: {  	[tilespmem:$0x1660] =	vst v0  }
0x15: {  	[tilespmem:$0x1050] =	vst v0  }
0x16: {  	[tilespmem:$0x1670] =	vst v0  }
0x17: {  	[tilespmem:$0x1060] =	vst v0  }
0x18: {  	[tilespmem:$0x1680] =	vst v0  }
0x19: {  	[tilespmem:$0x1070] =	vst v0  }
0x1a: {  	[tilespmem:$0x1690] =	vst v0  }
0x1b: {  	[tilespmem:$0x1080] =	vst v0  }
0x1c: {  	[tilespmem:$0x16A0] =	vst v0  }
0x1d: {  	[tilespmem:$0x1090] =	vst v0  }
0x1e: {  	[tilespmem:$0x16B0] =	vst v0  }
0x1f: {  	[tilespmem:$0x10A0] =	vst v0  }
0x20: {  	[tilespmem:$0x16C0] =	vst v0  }
0x21: {  	[tilespmem:$0x10B0] =	vst v0  }
0x22: {  	[tilespmem:$0x16D0] =	vst v0  }
0x23: {  	[tilespmem:$0x10C0] =	vst v0  }
0x24: {  	[tilespmem:$0x16E0] =	vst v0  }
0x25: {  	[tilespmem:$0x10D0] =	vst v0  }
0x26: {  	[tilespmem:$0x16F0] =	vst v0  }
0x27: {  	[tilespmem:$0x10E0] =	vst v0  }
0x28: {  	[tilespmem:$0x1700] =	vst v0  }
0x29: {  	[tilespmem:$0x10F0] =	vst v0  }
0x2a: {  	[tilespmem:$0x1710] =	vst v0  }
0x2b: {  	[tilespmem:$0x1100] =	vst v0  }
0x2c: {  	[tilespmem:$0x1720] =	vst v0  }
0x2d: {  	[tilespmem:$0x1110] =	vst v0  }
0x2e: {  	[tilespmem:$0x1730] =	vst v0  }
0x2f: {  	[tilespmem:$0x1120] =	vst v0  }
0x30: {  	[tilespmem:$0x1740] =	vst v0  }
0x31: {  	[tilespmem:$0x1130] =	vst v0  }
0x32: {  	[tilespmem:$0x1750] =	vst v0  }
0x33: {  	[tilespmem:$0x1140] =	vst v0  }
0x34: {  	[tilespmem:$0x1760] =	vst v0  }
0x35: {  	[tilespmem:$0x1150] =	vst v0  }
0x36: {  	[tilespmem:$0x1770] =	vst v0  }
0x37: {  	[tilespmem:$0x1160] =	vst v0  }
0x38: {  	[tilespmem:$0x1780] =	vst v0  }
0x39: {  	[tilespmem:$0x1170] =	vst v0  }
0x3a: {  	[tilespmem:$0x1790] =	vst v0  }
0x3b: {  	[tilespmem:$0x1180] =	vst v0  }
0x3c: {  	[tilespmem:$0x17A0] =	vst v0  }
0x3d: {  	[tilespmem:$0x1190] =	vst v0  }
0x3e: {  	[tilespmem:$0x17B0] =	vst v0  }
0x3f: {  	[tilespmem:$0x11A0] =	vst v0  }
0x40: {  	[tilespmem:$0x17C0] =	vst v0  }
0x41: {  	[tilespmem:$0x11B0] =	vst v0  }
0x42: {  	[tilespmem:$0x17D0] =	vst v0  }
0x43: {  	[tilespmem:$0x11C0] =	vst v0  }
0x44: {  	[tilespmem:$0x17E0] =	vst v0  }
0x45: {  	[tilespmem:$0x11D0] =	vst v0  }
0x46: {  	[tilespmem:$0x17F0] =	vst v0  }
0x47: {  	[tilespmem:$0x11E0] =	vst v0  }
0x48: {  	[tilespmem:$0x1800] =	vst v0  }
0x49: {  	[tilespmem:$0x11F0] =	vst v0  }
0x4a: {  	[tilespmem:$0x1810] =	vst v0  }
0x4b: {  	[tilespmem:$0x1200] =	vst v0  }
0x4c: {  	[tilespmem:$0x1820] =	vst v0  }
0x4d: {  	[tilespmem:$0x1210] =	vst v0  }
0x4e: {  	[tilespmem:$0x1830] =	vst v0  }
0x4f: {  	[tilespmem:$0x1220] =	vst v0  }
0x50: {  	[tilespmem:$0x1840] =	vst v0  }
0x51: {  	[tilespmem:$0x1230] =	vst v0  }
0x52: {  	[tilespmem:$0x1850] =	vst v0  }
0x53: {  	[tilespmem:$0x1240] =	vst v0  }
0x54: {  	[tilespmem:$0x1860] =	vst v0  }
0x55: {  	[tilespmem:$0x1250] =	vst v0  }
0x56: {  	[tilespmem:$0x1870] =	vst v0  }
0x57: {  	[tilespmem:$0x1260] =	vst v0  }
0x58: {  	[tilespmem:$0x1880] =	vst v0  }
0x59: {  	[tilespmem:$0x1270] =	vst v0  }
0x5a: {  	[tilespmem:$0x1890] =	vst v0  }
0x5b: {  	[tilespmem:$0x1280] =	vst v0  }
0x5c: {  	[tilespmem:$0x18A0] =	vst v0  }
0x5d: {  	[tilespmem:$0x1290] =	vst v0  }
0x5e: {  	[tilespmem:$0x18B0] =	vst v0  }
0x5f: {  	[tilespmem:$0x12A0] =	vst v0  }
0x60: {  	[tilespmem:$0x18C0] =	vst v0  }
0x61: {  	[tilespmem:$0x12B0] =	vst v0  }
0x62: {  	[tilespmem:$0x18D0] =	vst v0  }
0x63: {  	[tilespmem:$0x12C0] =	vst v0  }
0x64: {  	[tilespmem:$0x18E0] =	vst v0  }
0x65: {  	[tilespmem:$0x12D0] =	vst v0  }
0x66: {  	[tilespmem:$0x18F0] =	vst v0  }
0x67: {  	[tilespmem:$0x12E0] =	vst v0  }
0x68: {  	p0 =	sne.s32 s3, $0x0;
	[tilespmem:$0x1900] =	vst v0  }
0x69: {  	s3 =	simm.s32 @!p0 $0x1610;
	s7 =	simm.s32 @!p0 $0x2;
	[tilespmem:$0x12F0] =	vst v0  }
0x6a: {  	[spmem:s2] =	stream.linear.scatter @!p0 [tilespmem:s3], [sflag:$0x2], $0x300, $0x38;
	[tilespmem:$0x19A0] =	vst v63  }
0x6b: {  	_ =	swait.ge @!p0 [sflag:s7], $0x300  }
0x6c: {  	[sflag:s7] =	ssyncset.done @!p0 $0x0  }
0x6d: {  	[sflag:s7] =	ssyncadd.s32 @!p0 $0xFFFFFD00  }
0x6e: {  	[spmem:s6] =	stream.linear.scatter @!p0 [tilespmem:s3], [sflag:$0x2], $0x200, $0x38;
	[tilespmem:$0x19A0] =	vst v63  }
0x6f: {  	_ =	swait.ge @!p0 [sflag:s7], $0x200  }
0x70: {  	[sflag:s7] =	ssyncset.done @!p0 $0x0  }
0x71: {  	[sflag:s7] =	ssyncadd.s32 @!p0 $0xFFFFFE00  }
0x72: {  	[spmem:s5] =	stream.linear.scatter @!p0 [tilespmem:s3], [sflag:$0x2], $0x200, $0x38;
	[tilespmem:$0x19A0] =	vst v63  }
0x73: {  	_ =	swait.ge @!p0 [sflag:s7], $0x200  }
0x74: {  	[sflag:s7] =	ssyncset.done @!p0 $0x0  }
0x75: {  	[sflag:s7] =	ssyncadd.s32 @!p0 $0xFFFFFE00  }
0x76: {  	[spmem:s4] =	stream.linear.scatter @!p0 [tilespmem:s3], [sflag:$0x2], $0x200, $0x38;
	[tilespmem:$0x19A0] =	vst v63  }
0x77: {  	_ =	swait.ge @!p0 [sflag:s7], $0x200  }
0x78: {  	[sflag:s7] =	ssyncset.done @!p0 $0x0  }
0x79: {  	s31 =	simm.s32 $0x1;
	[sflag:s7] =	ssyncadd.s32 @!p0 $0xFFFFFE00  }
0x7a: {  	_ =	swait.ge [sflag:s31], $0x800  }
0x7b: {  	[sflag:s31] =	ssyncset.done $0x0  }
0x7c: {  	s9 =	simm.s32 $0x1000;
	s8 =	simm.s32 $0x20;
	[sflag:s31] =	ssyncadd.s32 $0xFFFFF800  }
0x7d: {  	v1 =	vimm.f32 $1.000000000e+00;
	s3 =	sadd.s32 $0x100, s2;
	s7 =	simm.s32 $0xFFFFFFFC;
	_ =	strace $0x80000048  }
.LBB2_1:
0x7e: {  	v2 =	vld [tilespmem:s8+$0xFFFFFFE0];
	_ =	sdelay $0x4  }
0x7f: {  	v3 =	vand.u32 $0x7FFFFFFF, v2  }
0x80: {  	v4 =	vxor.u32 $0xFFFFFFFF, v2;
	vm0 =	vlt.s32 v2, $0x0;
	v3 =	vxor.u32 $0x80000000, v3  }
0x81: {  	v3 =	vsel vm0, v4, v3  }
0x82: {  	v4 =	vshrl.u32 v3, $0x14  }
0x83: {  	v3 =	vshrl.u32 v3, $0x1C;
	v4 =	vand.u32 $0xF0, v4  }
0x84: {  	v3 =	vor.u32 v3, v4;
	_ =	sdelay $0x4  }
0x85: {  	[tilespmem:v3+s9+$0x0] =	vst.idx.add.f32.msk $0xffff, v1  }
0x86: {  	v3 =	vld [tilespmem:s8+$0xFFFFFFF0];
	_ =	sdelay $0x4  }
0x87: {  	v61 =	vand.u32 $0x7FFFFFFF, v3  }
0x88: {  	v5 =	vxor.u32 $0xFFFFFFFF, v3;
	vm13 =	vlt.s32 v3, $0x0;
	v4 =	vxor.u32 $0x80000000, v61  }
0x89: {  	v4 =	vsel vm13, v5, v4  }
0x8a: {  	v5 =	vshrl.u32 v4, $0x14  }
0x8b: {  	v4 =	vshrl.u32 v4, $0x1C;
	v5 =	vand.u32 $0xF0, v5  }
0x8c: {  	v4 =	vor.u32 v4, v5;
	_ =	sdelay $0x4  }
0x8d: {  	[tilespmem:v4+s9+$0x0] =	vst.idx.add.f32.msk $0xffff, v1  }
0x8e: {  	v4 =	vld [tilespmem:s8+$0x0];
	_ =	sdelay $0x4  }
0x8f: {  	v62 =	vand.u32 $0x7FFFFFFF, v4  }
0x90: {  	v6 =	vxor.u32 $0xFFFFFFFF, v4;
	vm14 =	vlt.s32 v4, $0x0;
	v5 =	vxor.u32 $0x80000000, v62  }
0x91: {  	v5 =	vsel vm14, v6, v5  }
0x92: {  	v6 =	vshrl.u32 v5, $0x14  }
0x93: {  	v5 =	vshrl.u32 v5, $0x1C;
	v6 =	vand.u32 $0xF0, v6  }
0x94: {  	v5 =	vor.u32 v5, v6;
	_ =	sdelay $0x4  }
0x95: {  	[tilespmem:v5+s9+$0x0] =	vst.idx.add.f32.msk $0xffff, v1  }
0x96: {  	v5 =	vld [tilespmem:s8+$0x10];
	_ =	sdelay $0x4  }
0x97: {  	v2 =	vmul.f32 v2, v2;
	v63 =	vand.u32 $0x7FFFFFFF, v5  }
0x98: {  	v7 =	vxor.u32 $0xFFFFFFFF, v5;
	vm15 =	vlt.s32 v5, $0x0;
	v6 =	vxor.u32 $0x80000000, v63  }
0x99: {  	v6 =	vsel vm15, v7, v6  }
0x9a: {  	v0 =	vadd.f32 v2, v0;
	v2 =	vshrl.u32 v6, $0x14  }
0x9b: {  	s7 =	sadd.s32 $0x4, s7;
	v3 =	vmul.f32 v3, v3;
	v6 =	vshrl.u32 v6, $0x1C;
	v2 =	vand.u32 $0xF0, v2  }
0x9c: {  	p1 =	slt.u32 s7, $0x7C;
	v2 =	vor.u32 v6, v2  }
.Ltmp0:
0x9d: {  	v0 =	vadd.f32 v3, v0;
	v3 =	vmul.f32 v4, v4;
	(pc) =	sbr.rel @p1 .LBB2_1-.Ltmp0, $3  }
0x9e: {  	_ = 	snop  }
0x9f: {  	v0 =	vadd.f32 v3, v0;
	v3 =	vmul.f32 v5, v5;
	_ =	sdelay $0x1  }
0xa0: {  	s8 =	sadd.s32 $0x40, s8;
	v0 =	vadd.f32 v3, v0;
	[tilespmem:v2+s9+$0x0] =	vst.idx.add.f32.msk $0xffff, v1  }
0xa1: {  	v1 =	vlaneseq.u32;
	_ =	sdelay $0x1  }
0xa2: {  	_ =	strace $0x90000048;
	[tilespmem:$0x1200] =	vst v0  }
0xa3: {  	_ =	strace $0x80000049  }
0xa4: {  	vm0 =	vmmov $0xffff;
	s7 =	simm.s32 $0x1000;
	s8 =	simm.s32 $0x2;
	v0 =	vor.u32 $0x20, v1;
	[bflag:$0x0] =	sbarrier.arrive $0xFFFF  }
0xa5: {  	[spmem:s2] =	stream.indirect_vreg.scatter.add.f32 [tilespmem:s7], [sflag:$0x2], $0x10, v1, vm0, $0x2000b8;
	[tilespmem:$0x19A0] =	vst v63  }
0xa6: {  	_ =	swait.ge [sflag:s8], $0x100  }
0xa7: {  	[sflag:s8] =	ssyncset.done $0x0  }
0xa8: {  	s9 =	simm.s32 $0x1200;
	[sflag:s8] =	ssyncadd.s32 $0xFFFFFF00  }
0xa9: {  	[spmem:s2] =	stream.indirect_vreg.scatter.add.f32 [tilespmem:s9], [sflag:$0x2], $0x10, v0, vm0, $0x2000b8;
	[tilespmem:$0x19A0] =	vst v63  }
0xaa: {  	_ =	swait.ge [sflag:s8], $0x100  }
0xab: {  	[sflag:s8] =	ssyncset.done $0x0  }
0xac: {  	[sflag:s8] =	ssyncadd.s32 $0xFFFFFF00  }
0xad: {  	s31 =	simm.s32 $0x1300;
	[bflag:$0x0] =	sbarrier.arrive $0xFFFF  }
0xae: {  	[tilespmem:s31], [sflag:$0x2] =	stream.linear.gather [spmem:s2], $0x300, $0x200038;
	[tilespmem:$0x19A0] =	vst v63  }
0xaf: {  	_ =	swait.ge [sflag:s8], $0x300  }
0xb0: {  	[sflag:s8] =	ssyncset.done $0x0  }
0xb1: {  	[sflag:s8] =	ssyncadd.s32 $0xFFFFFD00  }
0xb2: {  	_ =	strace $0x90000049  }
0xb3: {  	_ =	strace $0x8000004A  }
0xb4: {  	v0 =	vld [tilespmem:$0x1300];
	_ =	sdelay $0x1  }
0xb5: {  	v2 =	vld [tilespmem:$0x1310];
	_ =	sdelay $0x1  }
0xb6: {  	v3 =	vld [tilespmem:$0x1320]  }
0xb7: {  	v0 =	vadd.f32 $0.0e+00, v0  }
0xb8: {  	v4 =	vld [tilespmem:$0x1330]  }
0xb9: {  	v0 =	vadd.f32 v2, v0  }
0xba: {  	v2 =	vld [tilespmem:$0x1340]  }
0xbb: {  	v0 =	vadd.f32 v3, v0  }
0xbc: {  	v3 =	vld [tilespmem:$0x1350]  }
0xbd: {  	v0 =	vadd.f32 v4, v0  }
0xbe: {  	v4 =	vld [tilespmem:$0x1360]  }
0xbf: {  	v0 =	vadd.f32 v2, v0  }
0xc0: {  	v2 =	vld [tilespmem:$0x1370]  }
0xc1: {  	v0 =	vadd.f32 v3, v0  }
0xc2: {  	v3 =	vld [tilespmem:$0x1380]  }
0xc3: {  	v0 =	vadd.f32 v4, v0  }
0xc4: {  	v4 =	vld [tilespmem:$0x1390]  }
0xc5: {  	v0 =	vadd.f32 v2, v0  }
0xc6: {  	v2 =	vld [tilespmem:$0x13A0]  }
0xc7: {  	v0 =	vadd.f32 v3, v0  }
0xc8: {  	v3 =	vld [tilespmem:$0x13B0]  }
0xc9: {  	v0 =	vadd.f32 v4, v0  }
0xca: {  	v4 =	vld [tilespmem:$0x13C0]  }
0xcb: {  	v0 =	vadd.f32 v2, v0  }
0xcc: {  	v2 =	vld [tilespmem:$0x13D0]  }
0xcd: {  	v0 =	vadd.f32 v3, v0  }
0xce: {  	v3 =	vld [tilespmem:$0x13E0]  }
0xcf: {  	v0 =	vadd.f32 v4, v0  }
0xd0: {  	v4 =	vld [tilespmem:$0x13F0]  }
0xd1: {  	v0 =	vadd.f32 v2, v0;
	_ =	sdelay $0x1  }
0xd2: {  	v0 =	vadd.f32 v3, v0  }
0xd3: {  	v2 =	vmul.u32 $0xFFFFFFFF, v1  }
0xd4: {  	v3 =	vadd.f32 v4, v0  }
0xd5: {  	v2 =	vadd.s32 $0xF, v2  }
0xd6: {  	v0 =	vperm.xlane v3, v2;
	_ =	sdelay $0x1  }
0xd7: {  	(xrf2) =	vadd.scan.msk.f32 $0xffff, v0;
	_ =	sdelay $0x9  }
0xd8: {  	v0, _, _ =	vpop (xrf2)  }
0xd9: {  	v0 =	vperm.xlane v0, v2;
	_ =	sdelay $0x1  }
0xda: {  	vm1 =	vge.f32 v0, $6.550000000e+02;
	v0 =	vmul.u32 $0x10, v1  }
0xdb: {  	v4 =	vmpcnt.ones.xlane vm1  }
0xdc: {  	v0 =	vadd.s32 $0xFFFFFFFF, v0  }
0xdd: {  	v0 =	vadd.s32 v0, v4;
	_ =	sdelay $0x4  }
0xde: {  	v0 =	vld.idx.msk [tilespmem:v0+s31+$0x0], $0xffff;
	_ =	sdelay $0x2  }
0xdf: {  	v5 =	vadd.s32 $0xFFFFFFFF, v4  }
0xe0: {  	vm1 =	vlt.s32 v5, v1  }
0xe1: {  	v1 =	vnsel vm1, $0x0, v3;
	v3 =	vperm.xlane v0, v2  }
0xe2: {  	(xrf2) =	vadd.scan.msk.f32 $0xffff, v1  }
0xe3: {  	(xrf2) =	vadd.scan.msk.f32 $0xffff, v3;
	_ =	sdelay $0x8  }
0xe4: {  	v4, _, _ =	vpop (xrf2)  }
0xe5: {  	v7 =	vimm.f32 $0.0e+00;
	v1, _, _ =	vpop (xrf2)  }
0xe6: {  	_ =	strace $0x9000004A;
	[tilespmem:$0x1000] =	vst v7  }
0xe7: {  	[tilespmem:$0x1010] =	vst v7  }
0xe8: {  	[tilespmem:$0x1020] =	vst v7  }
0xe9: {  	[tilespmem:$0x1030] =	vst v7  }
0xea: {  	[tilespmem:$0x1040] =	vst v7  }
0xeb: {  	[tilespmem:$0x1050] =	vst v7  }
0xec: {  	v1 =	vperm.xlane v1, v2;
	v2 =	vbroadcast v4, $0xF;
	[tilespmem:$0x1060] =	vst v7  }
0xed: {  	[tilespmem:$0x1070] =	vst v7  }
0xee: {  	[tilespmem:$0x1080] =	vst v7;
	v1 =	vadd.f32 v2, v1  }
0xef: {  	[tilespmem:$0x1090] =	vst v7  }
0xf0: {  	[tilespmem:$0x10A0] =	vst v7;
	vm1 =	vge.f32 v1, $6.550000000e+02  }
0xf1: {  	[tilespmem:$0x10B0] =	vst v7;
	v1 =	vmpcnt.ones.xlane vm1  }
0xf2: {  	[tilespmem:$0x10C0] =	vst v7  }
0xf3: {  	[tilespmem:$0x10D0] =	vst v7;
	v6 =	vadd.s32 $0xFFFFFFFF, v1  }
0xf4: {  	[tilespmem:$0x10E0] =	vst v7;
	v1 =	vshll.u32 v5, $0x1C;
	v2 =	vshll.u32 v6, $0x18  }
0xf5: {  	s10 =	simm.s32 $0x800;
	v8 =	vimm.f32 $1.000000000e+00;
	[tilespmem:$0x10F0] =	vst v7;
	v3 =	vadd.s32 v1, v2  }
0xf6: {  	s9 =	simm.s32 $0x20;
	s8 =	simm.s32 $0xFFFFFFFC;
	v7 =	vimm.s32 $0x0;
	v5 =	vld [tilespmem:$0x1500];
	_ =	strace $0x8000004B;
	v1 =	vimm.s32 $0x0;
	v2 =	vshrl.u32 v3, $0x18  }
.LBB2_3:
0xf7: {  	v9 =	vld [tilespmem:s9+$0xFFFFFFE0];
	_ =	sdelay $0x4  }
0xf8: {  	v10 =	vor.u32 $0x80000000, v9;
	v11 =	vxor.u32 $0xFFFFFFFF, v9;
	vm1 =	vlt.s32 v9, $0x0  }
0xf9: {  	v9 =	vsel vm1, v11, v10  }
0xfa: {  	v10 =	vshrl.u32 v9, $0x18  }
0xfb: {  	vm1 =	veq.s32 v10, v2  }
0xfc: {  	v10 =	vsel vm1, $0x1, v7  }
0xfd: {  	(xrf0) =	vadd.scan.msk.s32 $0xffff, v10;
	_ =	sdelay $0x5  }
0xfe: {  	v10, _, _ =	vpop (xrf0)  }
0xff: {  	v11 =	vshrl.u32 v9, $0x14;
	v12 =	vshrl.u32 v9, $0xC;
	v10 =	vadd.s32 v10, v1  }
0x100: {  	v12 =	vand.u32 $0xF0, v12;
	v11 =	vand.u32 $0xF, v11;
	v10 =	vadd.s32 $0xFFFFFFFF, v10  }
0x101: {  	v11 =	vor.u32 v11, v12;
	_ =	sdelay $0x3  }
0x102: {  	[tilespmem:v10+s10+$0x0] =	vst.idx.msk vm1, v9  }
0x103: {  	[tilespmem:v11+s7+$0x0] =	vst.idx.add.f32.msk vm1, v8  }
0x104: {  	v9 =	vld [tilespmem:s9+$0xFFFFFFF0];
	_ =	sdelay $0x4  }
0x105: {  	v10 =	vor.u32 $0x80000000, v9;
	v11 =	vxor.u32 $0xFFFFFFFF, v9;
	vm2 =	vlt.s32 v9, $0x0  }
0x106: {  	v9 =	vsel vm2, v11, v10  }
0x107: {  	v10 =	vshrl.u32 v9, $0x18  }
0x108: {  	vm2 =	veq.s32 v10, v2  }
0x109: {  	v10 =	vsel vm2, $0x1, v7  }
0x10a: {  	(xrf0) =	vadd.scan.msk.s32 $0xffff, v10;
	_ =	sdelay $0x1  }
0x10b: {  	v10 =	vmpcnt.ones.xlane vm1;
	_ =	sdelay $0x3  }
0x10c: {  	v1 =	vadd.s32 v1, v10;
	v10, _, _ =	vpop (xrf0)  }
0x10d: {  	v11 =	vshrl.u32 v9, $0x14;
	v60 =	vshrl.u32 v9, $0xC;
	v10 =	vadd.s32 v10, v1  }
0x10e: {  	v12 =	vand.u32 $0xF0, v60;
	v11 =	vand.u32 $0xF, v11;
	v10 =	vadd.s32 $0xFFFFFFFF, v10  }
0x10f: {  	v11 =	vor.u32 v11, v12;
	_ =	sdelay $0x3  }
0x110: {  	[tilespmem:v10+s10+$0x0] =	vst.idx.msk vm2, v9  }
0x111: {  	[tilespmem:v11+s7+$0x0] =	vst.idx.add.f32.msk vm2, v8  }
0x112: {  	v9 =	vld [tilespmem:s9+$0x0];
	_ =	sdelay $0x4  }
0x113: {  	v10 =	vor.u32 $0x80000000, v9;
	v11 =	vxor.u32 $0xFFFFFFFF, v9;
	vm1 =	vlt.s32 v9, $0x0  }
0x114: {  	v9 =	vsel vm1, v11, v10  }
0x115: {  	v10 =	vshrl.u32 v9, $0x18  }
0x116: {  	vm1 =	veq.s32 v10, v2  }
0x117: {  	v10 =	vsel vm1, $0x1, v7  }
0x118: {  	(xrf0) =	vadd.scan.msk.s32 $0xffff, v10;
	_ =	sdelay $0x1  }
0x119: {  	v10 =	vmpcnt.ones.xlane vm2;
	_ =	sdelay $0x3  }
0x11a: {  	v1 =	vadd.s32 v1, v10;
	v10, _, _ =	vpop (xrf0)  }
0x11b: {  	v11 =	vshrl.u32 v9, $0x14;
	v61 =	vshrl.u32 v9, $0xC;
	v10 =	vadd.s32 v10, v1  }
0x11c: {  	v12 =	vand.u32 $0xF0, v61;
	v11 =	vand.u32 $0xF, v11;
	v10 =	vadd.s32 $0xFFFFFFFF, v10  }
0x11d: {  	v11 =	vor.u32 v11, v12;
	_ =	sdelay $0x3  }
0x11e: {  	[tilespmem:v10+s10+$0x0] =	vst.idx.msk vm1, v9  }
0x11f: {  	[tilespmem:v11+s7+$0x0] =	vst.idx.add.f32.msk vm1, v8  }
0x120: {  	v9 =	vld [tilespmem:s9+$0x10];
	_ =	sdelay $0x4  }
0x121: {  	v10 =	vor.u32 $0x80000000, v9;
	v11 =	vxor.u32 $0xFFFFFFFF, v9;
	vm2 =	vlt.s32 v9, $0x0  }
0x122: {  	v9 =	vsel vm2, v11, v10  }
0x123: {  	v10 =	vshrl.u32 v9, $0x18  }
0x124: {  	vm2 =	veq.s32 v10, v2  }
0x125: {  	v10 =	vsel vm2, $0x1, v7  }
0x126: {  	(xrf0) =	vadd.scan.msk.s32 $0xffff, v10;
	_ =	sdelay $0x1  }
0x127: {  	v10 =	vmpcnt.ones.xlane vm1;
	_ =	sdelay $0x3  }
0x128: {  	v1 =	vadd.s32 v1, v10;
	v10, _, _ =	vpop (xrf0)  }
0x129: {  	v11 =	vshrl.u32 v9, $0x14;
	v62 =	vshrl.u32 v9, $0xC;
	v10 =	vadd.s32 v10, v1  }
0x12a: {  	s8 =	sadd.s32 $0x4, s8;
	v12 =	vand.u32 $0xF0, v62;
	v11 =	vand.u32 $0xF, v11;
	v10 =	vadd.s32 $0xFFFFFFFF, v10  }
0x12b: {  	p1 =	slt.u32 s8, $0x7C;
	v11 =	vor.u32 v11, v12  }
.Ltmp1:
0x12c: {  	_ = 	snop;
	(pc) =	sbr.rel @p1 .LBB2_3-.Ltmp1, $4  }
0x12d: {  	_ = 	snop  }
0x12e: {  	v63 =	vmpcnt.ones.xlane vm2  }
0x12f: {  	[tilespmem:v10+s10+$0x0] =	vst.idx.msk vm2, v9  }
0x130: {  	s9 =	sadd.s32 $0x40, s9;
	v1 =	vadd.s32 v1, v63;
	[tilespmem:v11+s7+$0x0] =	vst.idx.add.f32.msk vm2, v8  }
0x131: {  	v2 =	vlaneseq.u32  }
0x132: {  	vm1 =	vlt.s32 v6, v2  }
0x133: {  	v0 =	vnsel vm1, $0x0, v0  }
0x134: {  	(xrf2) =	vadd.scan.msk.f32 $0xffff, v0;
	_ =	sdelay $0x9  }
0x135: {  	(v2sf) =	vpush v4, $0xF;
	v0, _, _ =	vpop (xrf2)  }
0x136: {  	(v2sf) =	vpush v0, $0xF;
	_ =	sdelay $0xd  }
0x137: {  	s7 =	spop (v2sf)  }
0x138: {  	s8 =	spop (v2sf)  }
0x139: {  	s7 =	sadd.f32 s8, s7;
	_ =	sdelay $0x1  }
0x13a: {  	v4 =	vmov s7  }
0x13b: {  	(xrf0) =	vmax.scan.msk.f32 $0xffff, v4;
	_ =	sdelay $0x5  }
0x13c: {  	v0, _, _ =	vpop (xrf0)  }
0x13d: {  	(v2sf) =	vpush v0, $0xF;
	_ =	sdelay $0x4  }
0x13e: {  	(xrf2) =	vadd.scan.msk.f32 $0xffff, v5;
	_ =	sdelay $0x9  }
0x13f: {  	v0, _, _ =	vpop (xrf2);
	s7 =	spop (v2sf)  }
0x140: {  	v5 =	vxor.u32 $0x80000000, v1;
	_ =	strace $0x9000004B  }
0x141: {  	(xrf0) =	vmax.scan.msk.u32 $0xffff, v5;
	_ =	sdelay $0x5  }
0x142: {  	v5, _, _ =	vpop (xrf0)  }
0x143: {  	(v2sf) =	vpush v5, $0xF;
	_ =	sdelay $0xe  }
0x144: {  	s11 =	spop (v2sf)  }
0x145: {  	s10 =	simm.s32 $0x1000;
	s9 =	simm.s32 $0x2;
	_ =	strace $0x8000004C  }
0x146: {  	[spmem:s6] =	stream.indirect_vreg.scatter.add.f32 [tilespmem:s10], [sflag:$0x2], $0x10, v2, vm0, $0x2000b8;
	[tilespmem:$0x19A0] =	vst v63  }
0x147: {  	_ =	swait.ge [sflag:s9], $0x100  }
0x148: {  	[sflag:s9] =	ssyncset.done $0x0  }
0x149: {  	[sflag:s9] =	ssyncadd.s32 $0xFFFFFF00  }
0x14a: {  	s8 =	simm.s32 $0x1300;
	[bflag:$0x0] =	sbarrier.arrive $0xFFFF  }
0x14b: {  	[tilespmem:s8], [sflag:$0x2] =	stream.linear.gather [spmem:s6], $0x100, $0x200038;
	[tilespmem:$0x19A0] =	vst v63  }
0x14c: {  	_ =	swait.ge [sflag:s9], $0x100  }
0x14d: {  	[sflag:s9] =	ssyncset.done $0x0  }
0x14e: {  	[sflag:s9] =	ssyncadd.s32 $0xFFFFFF00  }
0x14f: {  	_ =	strace $0x9000004C  }
0x150: {  	_ =	strace $0x8000004D  }
0x151: {  	v5 =	vld [tilespmem:$0x1300];
	_ =	sdelay $0x1  }
0x152: {  	v6 =	vld [tilespmem:$0x1310];
	_ =	sdelay $0x1  }
0x153: {  	v7 =	vld [tilespmem:$0x1320]  }
0x154: {  	v5 =	vadd.f32 $0.0e+00, v5  }
0x155: {  	v8 =	vld [tilespmem:$0x1330]  }
0x156: {  	v5 =	vadd.f32 v6, v5  }
0x157: {  	v6 =	vld [tilespmem:$0x1340]  }
0x158: {  	v5 =	vadd.f32 v7, v5  }
0x159: {  	v7 =	vld [tilespmem:$0x1350]  }
0x15a: {  	v5 =	vadd.f32 v8, v5  }
0x15b: {  	v8 =	vld [tilespmem:$0x1360]  }
0x15c: {  	v5 =	vadd.f32 v6, v5  }
0x15d: {  	v6 =	vld [tilespmem:$0x1370]  }
0x15e: {  	v5 =	vadd.f32 v7, v5  }
0x15f: {  	v7 =	vld [tilespmem:$0x1380]  }
0x160: {  	v5 =	vadd.f32 v8, v5  }
0x161: {  	v8 =	vld [tilespmem:$0x1390]  }
0x162: {  	v5 =	vadd.f32 v6, v5  }
0x163: {  	v6 =	vld [tilespmem:$0x13A0]  }
0x164: {  	v5 =	vadd.f32 v7, v5  }
0x165: {  	v7 =	vld [tilespmem:$0x13B0]  }
0x166: {  	v5 =	vadd.f32 v8, v5  }
0x167: {  	v8 =	vld [tilespmem:$0x13C0]  }
0x168: {  	v5 =	vadd.f32 v6, v5  }
0x169: {  	v6 =	vld [tilespmem:$0x13D0]  }
0x16a: {  	v5 =	vadd.f32 v7, v5  }
0x16b: {  	v7 =	vld [tilespmem:$0x13E0]  }
0x16c: {  	v5 =	vadd.f32 v8, v5  }
0x16d: {  	v8 =	vld [tilespmem:$0x13F0]  }
0x16e: {  	v5 =	vadd.f32 v6, v5;
	_ =	sdelay $0x1  }
0x16f: {  	v5 =	vadd.f32 v7, v5  }
0x170: {  	v6 =	vmul.u32 $0xFFFFFFFF, v2  }
0x171: {  	v7 =	vadd.f32 v8, v5  }
0x172: {  	v5 =	vadd.s32 $0xF, v6  }
0x173: {  	v6 =	vperm.xlane v7, v5;
	_ =	sdelay $0x1  }
0x174: {  	(xrf2) =	vadd.scan.msk.f32 $0xffff, v6;
	_ =	sdelay $0x9  }
0x175: {  	v6, _, _ =	vpop (xrf2)  }
0x176: {  	v8 =	vsub.f32 $6.550000000e+02, v4;
	v4 =	vperm.xlane v6, v5;
	_ =	sdelay $0x1  }
0x177: {  	vm1 =	vge.f32 v4, v8;
	v4 =	vmul.u32 $0x10, v2  }
0x178: {  	v9 =	vmpcnt.ones.xlane vm1  }
0x179: {  	v6 =	vadd.s32 $0xFFFFFFFF, v4  }
0x17a: {  	v4 =	vadd.s32 v6, v9;
	_ =	sdelay $0x4  }
0x17b: {  	v4 =	vld.idx.msk [tilespmem:v4+s8+$0x0], $0xffff;
	_ =	sdelay $0x2  }
0x17c: {  	v9 =	vadd.s32 $0xFFFFFFFF, v9  }
0x17d: {  	vm1 =	vlt.s32 v9, v2  }
0x17e: {  	v7 =	vnsel vm1, $0x0, v7;
	v10 =	vperm.xlane v4, v5  }
0x17f: {  	(xrf2) =	vadd.scan.msk.f32 $0xffff, v7  }
0x180: {  	(xrf2) =	vadd.scan.msk.f32 $0xffff, v10;
	_ =	sdelay $0x8  }
0x181: {  	v7, _, _ =	vpop (xrf2)  }
0x182: {  	v10, _, _ =	vpop (xrf2)  }
0x183: {  	v11 =	vbroadcast v7, $0xF;
	v10 =	vperm.xlane v10, v5;
	_ =	sdelay $0x1  }
0x184: {  	v10 =	vadd.f32 v11, v10;
	_ =	sdelay $0x1  }
0x185: {  	vm1 =	vge.f32 v10, v8  }
0x186: {  	v10 =	vmpcnt.ones.xlane vm1;
	_ =	sdelay $0x1  }
0x187: {  	v10 =	vadd.s32 $0xFFFFFFFF, v10  }
0x188: {  	vm1 =	vlt.s32 v10, v2  }
0x189: {  	v4 =	vnsel vm1, $0x0, v4  }
0x18a: {  	(xrf2) =	vadd.scan.msk.f32 $0xffff, v4;
	_ =	sdelay $0x9  }
0x18b: {  	(v2sf) =	vpush v7, $0xF;
	v4, _, _ =	vpop (xrf2)  }
0x18c: {  	(v2sf) =	vpush v4, $0xF;
	_ =	sdelay $0xd  }
0x18d: {  	s28 =	spop (v2sf)  }
0x18e: {  	s12 =	spop (v2sf)  }
0x18f: {  	s6 =	sadd.f32 s12, s28;
	_ =	sdelay $0x1  }
0x190: {  	_ =	strace $0x9000004D;
	v7 =	vmov s6  }
0x191: {  	(xrf0) =	vmax.scan.msk.f32 $0xffff, v7;
	_ =	sdelay $0x5  }
0x192: {  	v4 =	vimm.f32 $0.0e+00;
	v63, _, _ =	vpop (xrf0)  }
0x193: {  	[tilespmem:$0x1000] =	vst v4;
	(v2sf) =	vpush v63, $0xF  }
0x194: {  	[tilespmem:$0x1010] =	vst v4  }
0x195: {  	[tilespmem:$0x1020] =	vst v4  }
0x196: {  	[tilespmem:$0x1030] =	vst v4  }
0x197: {  	s29 =	sadd.s32 $0x8000000F, s11;
	[tilespmem:$0x1040] =	vst v4  }
0x198: {  	s11 =	sand.u32 $0xF, s29;
	[tilespmem:$0x1050] =	vst v4  }
0x199: {  	s30 =	sshra.s32 s29, $0x1F;
	p1 =	slt.s32 s29, $0x1;
	p2 =	sne.s32 s11, $0x0;
	[tilespmem:$0x1060] =	vst v4  }
0x19a: {  	s31 =	sshrl.u32 s30, $0x1C;
	p1 =	por !p1, !p2;
	[tilespmem:$0x1070] =	vst v4  }
0x19b: {  	s11 =	simm.s32 $0x1;
	p1 =	por !p1, !p1;
	[tilespmem:$0x1080] =	vst v4;
	s6 =	sadd.s32 s31, s29  }
0x19c: {  	s11 =	simm.s32 @!p1 $0x0;
	[tilespmem:$0x1090] =	vst v4;
	s6 =	sshra.s32 s6, $0x4  }
0x19d: {  	[tilespmem:$0x10A0] =	vst v4;
	s6 =	ssub.s32 s6, s11  }
0x19e: {  	[tilespmem:$0x10B0] =	vst v4;
	p1 =	slt.s32 s6, $0x1  }
.Ltmp2:
0x19f: {  	[tilespmem:$0x10C0] =	vst v4;
	(pc) =	sbr.rel @p1 .LBB2_11-.Ltmp2, $4  }
0x1a0: {  	[tilespmem:$0x10D0] =	vst v4  }
0x1a1: {  	v9 =	vshll.u32 v9, $0x14;
	v10 =	vshll.u32 v10, $0x10;
	[tilespmem:$0x10E0] =	vst v4  }
0x1a2: {  	v9 =	vadd.s32 v9, v10;
	[tilespmem:$0x10F0] =	vst v4;
	s11 =	spop (v2sf)  }
0x1a3: {  	v3 =	vor.u32 v3, v9;
	v7 =	vsub.f32 v8, v7;
	_ =	strace $0x8000004E  }
0x1a4: {  	p3 =	sne.s32 s6, $0x1  }
.Ltmp3:
0x1a5: {  	_ = 	snop;
	(pc) =	sbr.rel @!p3 .LBB2_6-.Ltmp3, $3  }
0x1a6: {  	_ =	sdelay $0x1  }
0x1a7: {  	s13 =	simm.s32 $0x800  }
0x1a8: {  	s12 =	simm.s32 $0x0;
	v8 =	vimm.f32 $1.000000000e+00;
	p2 =	por $0x0, $0x0;
	v9 =	vld [tilespmem:s13+$0x0];
	s13 =	sadd.s32 $0xFFFFFFFF, s6  }
0x1a9: {  	_ =	sdelay $0x2  }
0x1aa: {  	v10 =	vor.u32 s12, v2  }
0x1ab: {  	vm1 =	vlt.s32 v10, v1;
	v10 =	vand.u32 $0xFFFF0000, v9  }
0x1ac: {  	vm2 =	veq.s32 v10, v3;
	v10 =	vshrl.u32 v9, $0xC;
	v9 =	vshrl.u32 v9, $0x4  }
0x1ad: {  	vm1 =	vmand vm1, vm2;
	v9 =	vand.u32 $0xF0, v9;
	v10 =	vand.u32 $0xF, v10  }
0x1ae: {  	v9 =	vor.u32 v10, v9  }
0x1af: {  	p3 =	sne.s32 s13, $0x1  }
.Ltmp4:
0x1b0: {  	_ = 	snop;
	(pc) =	sbr.rel @!p3 .LBB2_8-.Ltmp4, $3  }
0x1b1: {  	_ =	sdelay $0x1  }
0x1b2: {  	s14 =	simm.s32 $0x810;
	[tilespmem:v9+s10+$0x0] =	vst.idx.add.f32.msk vm1, v8  }
0x1b3: {  	s15 =	sadd.s32 $0xFFFFFFFF, s13;
	p2 =	por $0x1, $0x1;
	s13 =	simm.s32 $0x0;
	v9 =	vld [tilespmem:s14+$0x0]  }
.LBB2_9:
0x1b4: {  	p3 =	sne.s32 s15, $0x1;
	_ =	sdelay $0x1  }
0x1b5: {  	s13 =	sadd.s32 $0x10, s13  }
0x1b6: {  	v10 =	vor.u32 s13, v2  }
0x1b7: {  	vm1 =	vlt.s32 v10, v1;
	v10 =	vand.u32 $0xFFFF0000, v9  }
0x1b8: {  	vm2 =	veq.s32 v10, v3;
	v10 =	vshrl.u32 v9, $0xC;
	v9 =	vshrl.u32 v9, $0x4  }
0x1b9: {  	vm1 =	vmand vm1, vm2;
	v9 =	vand.u32 $0xF0, v9;
	v10 =	vand.u32 $0xF, v10  }
0x1ba: {  	v9 =	vor.u32 v10, v9;
	_ =	sdelay $0x1  }
.Ltmp5:
0x1bb: {  	(pc) =	sbr.rel @p3 .LBB2_9-.Ltmp5, $3  }
0x1bc: {  	_ =	sdelay $0x1  }
0x1bd: {  	s14 =	sadd.s32 $0x10, s14;
	[tilespmem:v9+s10+$0x0] =	vst.idx.add.f32.msk vm1, v8  }
0x1be: {  	s15 =	sadd.s32 $0xFFFFFFFF, s15;
	v9 =	vld [tilespmem:s14+$0x0]  }
.LBB2_10:
0x1bf: {  	_ = 	snop  }
0x1c0: {  	s13 =	sadd.s32 @p2 $0x10, s13  }
0x1c1: {  	s12 =	smov.u32 @p2 s13  }
0x1c2: {  	v10 =	vor.u32 s12, v2  }
0x1c3: {  	vm1 =	vlt.s32 v10, v1;
	v61 =	vand.u32 $0xFFFF0000, v9  }
0x1c4: {  	v62 =	vshrl.u32 v9, $0xC;
	v63 =	vshrl.u32 v9, $0x4;
	vm2 =	veq.s32 v61, v3  }
0x1c5: {  	v9 =	vand.u32 $0xF0, v63;
	v10 =	vand.u32 $0xF, v62;
	vm1 =	vmand vm1, vm2  }
0x1c6: {  	v9 =	vor.u32 v10, v9;
	_ =	sdelay $0x4  }
0x1c7: {  	[tilespmem:v9+s10+$0x0] =	vst.idx.add.f32.msk vm1, v8  }
.LBB2_11:
0x1c8: {  	_ =	sdelay $0x1  }
0x1c9: {  	_ =	strace $0x9000004E  }
0x1ca: {  	_ =	strace $0x8000004F  }
0x1cb: {  	[spmem:s5] =	stream.indirect_vreg.scatter.add.f32 [tilespmem:s10], [sflag:$0x2], $0x10, v2, vm0, $0x2000b8;
	[tilespmem:$0x19A0] =	vst v63  }
0x1cc: {  	_ =	swait.ge [sflag:s9], $0x100  }
0x1cd: {  	[sflag:s9] =	ssyncset.done $0x0  }
0x1ce: {  	[sflag:s9] =	ssyncadd.s32 $0xFFFFFF00  }
0x1cf: {  	[bflag:$0x0] =	sbarrier.arrive $0xFFFF  }
0x1d0: {  	[tilespmem:s8], [sflag:$0x2] =	stream.linear.gather [spmem:s5], $0x100, $0x200038;
	[tilespmem:$0x19A0] =	vst v63  }
0x1d1: {  	_ =	swait.ge [sflag:s9], $0x100  }
0x1d2: {  	[sflag:s9] =	ssyncset.done $0x0  }
0x1d3: {  	[sflag:s9] =	ssyncadd.s32 $0xFFFFFF00  }
0x1d4: {  	_ =	strace $0x9000004F  }
0x1d5: {  	_ =	strace $0x80000050  }
0x1d6: {  	v8 =	vld [tilespmem:$0x1300];
	_ =	sdelay $0x1  }
0x1d7: {  	v9 =	vld [tilespmem:$0x1310];
	_ =	sdelay $0x1  }
0x1d8: {  	v10 =	vld [tilespmem:$0x1320]  }
0x1d9: {  	v8 =	vadd.f32 $0.0e+00, v8  }
0x1da: {  	v11 =	vld [tilespmem:$0x1330]  }
0x1db: {  	v8 =	vadd.f32 v9, v8  }
0x1dc: {  	v49 =	vld [tilespmem:$0x1340]  }
0x1dd: {  	v8 =	vadd.f32 v10, v8  }
0x1de: {  	v50 =	vld [tilespmem:$0x1350]  }
0x1df: {  	v8 =	vadd.f32 v11, v8  }
0x1e0: {  	v51 =	vld [tilespmem:$0x1360]  }
0x1e1: {  	v8 =	vadd.f32 v49, v8  }
0x1e2: {  	v52 =	vld [tilespmem:$0x1370]  }
0x1e3: {  	v8 =	vadd.f32 v50, v8  }
0x1e4: {  	v53 =	vld [tilespmem:$0x1380]  }
0x1e5: {  	v8 =	vadd.f32 v51, v8  }
0x1e6: {  	v54 =	vld [tilespmem:$0x1390]  }
0x1e7: {  	v8 =	vadd.f32 v52, v8  }
0x1e8: {  	v55 =	vld [tilespmem:$0x13A0]  }
0x1e9: {  	v8 =	vadd.f32 v53, v8  }
0x1ea: {  	v56 =	vld [tilespmem:$0x13B0]  }
0x1eb: {  	v8 =	vadd.f32 v54, v8  }
0x1ec: {  	v57 =	vld [tilespmem:$0x13C0]  }
0x1ed: {  	v8 =	vadd.f32 v55, v8  }
0x1ee: {  	v58 =	vld [tilespmem:$0x13D0]  }
0x1ef: {  	v8 =	vadd.f32 v56, v8  }
0x1f0: {  	v59 =	vld [tilespmem:$0x13E0]  }
0x1f1: {  	v8 =	vadd.f32 v57, v8  }
0x1f2: {  	v60 =	vld [tilespmem:$0x13F0]  }
0x1f3: {  	v8 =	vadd.f32 v58, v8;
	_ =	sdelay $0x1  }
0x1f4: {  	v8 =	vadd.f32 v59, v8;
	_ =	sdelay $0x1  }
0x1f5: {  	v8 =	vadd.f32 v60, v8;
	_ =	sdelay $0x1  }
0x1f6: {  	v61 =	vperm.xlane v8, v5;
	_ =	sdelay $0x1  }
0x1f7: {  	(xrf2) =	vadd.scan.msk.f32 $0xffff, v61;
	_ =	sdelay $0x9  }
0x1f8: {  	v9, _, _ =	vpop (xrf2)  }
0x1f9: {  	v9 =	vperm.xlane v9, v5;
	_ =	sdelay $0x1  }
0x1fa: {  	vm1 =	vge.f32 v9, v7  }
0x1fb: {  	v9 =	vmpcnt.ones.xlane vm1;
	_ =	sdelay $0x1  }
0x1fc: {  	v6 =	vadd.s32 v6, v9;
	_ =	sdelay $0x4  }
0x1fd: {  	v6 =	vld.idx.msk [tilespmem:v6+s8+$0x0], $0xffff;
	_ =	sdelay $0x2  }
0x1fe: {  	v9 =	vadd.s32 $0xFFFFFFFF, v9  }
0x1ff: {  	vm1 =	vlt.s32 v9, v2  }
0x200: {  	v8 =	vnsel vm1, $0x0, v8;
	v62 =	vperm.xlane v6, v5  }
0x201: {  	(xrf2) =	vadd.scan.msk.f32 $0xffff, v8  }
0x202: {  	(xrf2) =	vadd.scan.msk.f32 $0xffff, v62;
	_ =	sdelay $0x8  }
0x203: {  	v8, _, _ =	vpop (xrf2)  }
0x204: {  	v10, _, _ =	vpop (xrf2)  }
0x205: {  	v63 =	vbroadcast v8, $0xF;
	v5 =	vperm.xlane v10, v5;
	_ =	sdelay $0x1  }
0x206: {  	v5 =	vadd.f32 v63, v5;
	_ =	sdelay $0x1  }
0x207: {  	vm1 =	vge.f32 v5, v7  }
0x208: {  	v5 =	vmpcnt.ones.xlane vm1;
	_ =	sdelay $0x1  }
0x209: {  	v5 =	vadd.s32 $0xFFFFFFFF, v5  }
0x20a: {  	vm1 =	vlt.s32 v5, v2  }
0x20b: {  	v2 =	vnsel vm1, $0x0, v6  }
0x20c: {  	(xrf2) =	vadd.scan.msk.f32 $0xffff, v2;
	_ =	sdelay $0x9  }
0x20d: {  	(v2sf) =	vpush v8, $0xF;
	v2, _, _ =	vpop (xrf2)  }
0x20e: {  	(v2sf) =	vpush v2, $0xF;
	_ =	sdelay $0xd  }
0x20f: {  	s30 =	spop (v2sf)  }
0x210: {  	s31 =	spop (v2sf)  }
0x211: {  	s5 =	sadd.f32 s31, s30;
	_ =	sdelay $0x1  }
0x212: {  	_ =	strace $0x90000050;
	v2 =	vmov s5  }
0x213: {  	(xrf0) =	vmax.scan.msk.f32 $0xffff, v2;
	_ =	sdelay $0x5  }
0x214: {  	v6, _, _ =	vpop (xrf0)  }
0x215: {  	[tilespmem:$0x1000] =	vst v4;
	(v2sf) =	vpush v6, $0xF  }
0x216: {  	[tilespmem:$0x1010] =	vst v4  }
0x217: {  	[tilespmem:$0x1020] =	vst v4  }
0x218: {  	[tilespmem:$0x1030] =	vst v4  }
0x219: {  	[tilespmem:$0x1040] =	vst v4  }
0x21a: {  	[tilespmem:$0x1050] =	vst v4  }
0x21b: {  	[tilespmem:$0x1060] =	vst v4  }
0x21c: {  	[tilespmem:$0x1070] =	vst v4  }
0x21d: {  	[tilespmem:$0x1080] =	vst v4  }
0x21e: {  	[tilespmem:$0x1090] =	vst v4  }
0x21f: {  	[tilespmem:$0x10A0] =	vst v4  }
0x220: {  	[tilespmem:$0x10B0] =	vst v4  }
.Ltmp6:
0x221: {  	[tilespmem:$0x10C0] =	vst v4;
	(pc) =	sbr.rel @p1 .LBB2_18-.Ltmp6, $4  }
0x222: {  	[tilespmem:$0x10D0] =	vst v4  }
0x223: {  	v5 =	vshll.u32 v5, $0x8;
	[tilespmem:$0x10E0] =	vst v4;
	v6 =	vshll.u32 v9, $0xC  }
0x224: {  	[tilespmem:$0x10F0] =	vst v4;
	v5 =	vadd.s32 v6, v5;
	s5 =	spop (v2sf)  }
0x225: {  	s7 =	sadd.f32 s11, s7;
	v4 =	vsub.f32 v7, v2;
	v2 =	vor.u32 v3, v5;
	_ =	strace $0x80000051  }
0x226: {  	p2 =	sne.s32 s6, $0x1  }
.Ltmp7:
0x227: {  	_ = 	snop;
	(pc) =	sbr.rel @!p2 .LBB2_13-.Ltmp7, $3  }
0x228: {  	_ =	sdelay $0x1  }
0x229: {  	s10 =	simm.s32 $0x800;
	s9 =	simm.s32 $0x0  }
0x22a: {  	v5 =	vlaneseq.u32;
	v3 =	vimm.f32 $1.000000000e+00;
	s8 =	simm.s32 $0x1000;
	s6 =	sadd.s32 $0xFFFFFFFF, s6;
	p1 =	por $0x0, $0x0;
	v6 =	vld [tilespmem:s10+$0x0]  }
0x22b: {  	_ =	sdelay $0x2  }
0x22c: {  	v7 =	vor.u32 s9, v5  }
0x22d: {  	vm1 =	vlt.s32 v7, v1;
	v7 =	vand.u32 $0xFFFFFF00, v6  }
0x22e: {  	vm2 =	veq.s32 v7, v2;
	v7 =	vshrl.u32 v6, $0x4;
	v6 =	vshll.u32 v6, $0x4  }
0x22f: {  	vm1 =	vmand vm1, vm2;
	v6 =	vand.u32 $0xF0, v6;
	v7 =	vand.u32 $0xF, v7  }
0x230: {  	v6 =	vor.u32 v7, v6  }
0x231: {  	p2 =	sne.s32 s6, $0x1  }
.Ltmp8:
0x232: {  	_ = 	snop;
	(pc) =	sbr.rel @!p2 .LBB2_15-.Ltmp8, $3  }
0x233: {  	_ =	sdelay $0x1  }
0x234: {  	s10 =	simm.s32 $0x810;
	[tilespmem:v6+s8+$0x0] =	vst.idx.add.f32.msk vm1, v3  }
0x235: {  	s11 =	sadd.s32 $0xFFFFFFFF, s6;
	p1 =	por $0x1, $0x1;
	s6 =	simm.s32 $0x0;
	v6 =	vld [tilespmem:s10+$0x0]  }
.LBB2_16:
0x236: {  	p2 =	sne.s32 s11, $0x1;
	_ =	sdelay $0x1  }
0x237: {  	s6 =	sadd.s32 $0x10, s6  }
0x238: {  	v7 =	vor.u32 s6, v5  }
0x239: {  	vm1 =	vlt.s32 v7, v1;
	v7 =	vand.u32 $0xFFFFFF00, v6  }
0x23a: {  	vm2 =	veq.s32 v7, v2;
	v7 =	vshrl.u32 v6, $0x4;
	v6 =	vshll.u32 v6, $0x4  }
0x23b: {  	vm1 =	vmand vm1, vm2;
	v6 =	vand.u32 $0xF0, v6;
	v7 =	vand.u32 $0xF, v7  }
0x23c: {  	v6 =	vor.u32 v7, v6;
	_ =	sdelay $0x1  }
.Ltmp9:
0x23d: {  	(pc) =	sbr.rel @p2 .LBB2_16-.Ltmp9, $3  }
0x23e: {  	_ =	sdelay $0x1  }
0x23f: {  	s10 =	sadd.s32 $0x10, s10;
	[tilespmem:v6+s8+$0x0] =	vst.idx.add.f32.msk vm1, v3  }
0x240: {  	s11 =	sadd.s32 $0xFFFFFFFF, s11;
	v6 =	vld [tilespmem:s10+$0x0]  }
.LBB2_17:
0x241: {  	_ = 	snop  }
0x242: {  	s6 =	sadd.s32 @p1 $0x10, s6  }
0x243: {  	s9 =	smov.u32 @p1 s6  }
0x244: {  	v5 =	vor.u32 s9, v5  }
0x245: {  	vm1 =	vlt.s32 v5, v1;
	v1 =	vand.u32 $0xFFFFFF00, v6  }
0x246: {  	v5 =	vshll.u32 v6, $0x4;
	vm2 =	veq.s32 v1, v2;
	v1 =	vshrl.u32 v6, $0x4  }
0x247: {  	v5 =	vand.u32 $0xF0, v5;
	vm1 =	vmand vm1, vm2;
	v1 =	vand.u32 $0xF, v1  }
0x248: {  	v1 =	vor.u32 v1, v5;
	_ =	sdelay $0x4  }
0x249: {  	[tilespmem:v1+s8+$0x0] =	vst.idx.add.f32.msk vm1, v3  }
.LBB2_18:
0x24a: {  	v1 =	vlaneseq.u32;
	_ =	sdelay $0x2  }
0x24b: {  	_ =	strace $0x90000051  }
0x24c: {  	s6 =	simm.s32 $0x1000;
	s30 =	simm.s32 $0x2;
	_ =	strace $0x80000052  }
0x24d: {  	[spmem:s4] =	stream.indirect_vreg.scatter.add.f32 [tilespmem:s6], [sflag:$0x2], $0x10, v1, vm0, $0x2000b8;
	[tilespmem:$0x19A0] =	vst v63  }
0x24e: {  	_ =	swait.ge [sflag:s30], $0x100  }
0x24f: {  	[sflag:s30] =	ssyncset.done $0x0  }
0x250: {  	[sflag:s30] =	ssyncadd.s32 $0xFFFFFF00  }
0x251: {  	s8 =	simm.s32 $0x1300;
	[bflag:$0x0] =	sbarrier.arrive $0xFFFF  }
0x252: {  	[tilespmem:s8], [sflag:$0x2] =	stream.linear.gather [spmem:s4], $0x100, $0x200038;
	[tilespmem:$0x19A0] =	vst v63  }
0x253: {  	_ =	swait.ge [sflag:s30], $0x100  }
0x254: {  	[sflag:s30] =	ssyncset.done $0x0  }
0x255: {  	[sflag:s30] =	ssyncadd.s32 $0xFFFFFF00  }
0x256: {  	_ =	strace $0x90000052  }
0x257: {  	_ =	strace $0x80000053  }
0x258: {  	v3 =	vld [tilespmem:$0x1300];
	_ =	sdelay $0x1  }
0x259: {  	v5 =	vld [tilespmem:$0x1310];
	_ =	sdelay $0x1  }
0x25a: {  	v6 =	vld [tilespmem:$0x1320]  }
0x25b: {  	v3 =	vadd.f32 $0.0e+00, v3  }
0x25c: {  	v7 =	vld [tilespmem:$0x1330]  }
0x25d: {  	v3 =	vadd.f32 v5, v3  }
0x25e: {  	v5 =	vld [tilespmem:$0x1340]  }
0x25f: {  	v3 =	vadd.f32 v6, v3  }
0x260: {  	v6 =	vld [tilespmem:$0x1350]  }
0x261: {  	v3 =	vadd.f32 v7, v3  }
0x262: {  	v7 =	vld [tilespmem:$0x1360]  }
0x263: {  	v3 =	vadd.f32 v5, v3  }
0x264: {  	v5 =	vld [tilespmem:$0x1370]  }
0x265: {  	v3 =	vadd.f32 v6, v3  }
0x266: {  	v6 =	vld [tilespmem:$0x1380]  }
0x267: {  	v3 =	vadd.f32 v7, v3  }
0x268: {  	v7 =	vld [tilespmem:$0x1390]  }
0x269: {  	v3 =	vadd.f32 v5, v3  }
0x26a: {  	v5 =	vld [tilespmem:$0x13A0]  }
0x26b: {  	v3 =	vadd.f32 v6, v3  }
0x26c: {  	v6 =	vld [tilespmem:$0x13B0]  }
0x26d: {  	v3 =	vadd.f32 v7, v3  }
0x26e: {  	v7 =	vld [tilespmem:$0x13C0]  }
0x26f: {  	v3 =	vadd.f32 v5, v3  }
0x270: {  	v5 =	vld [tilespmem:$0x13D0]  }
0x271: {  	v3 =	vadd.f32 v6, v3  }
0x272: {  	v6 =	vld [tilespmem:$0x13E0]  }
0x273: {  	v3 =	vadd.f32 v7, v3  }
0x274: {  	v7 =	vld [tilespmem:$0x13F0]  }
0x275: {  	v3 =	vadd.f32 v5, v3;
	_ =	sdelay $0x1  }
0x276: {  	v3 =	vadd.f32 v6, v3  }
0x277: {  	v5 =	vmul.u32 $0xFFFFFFFF, v1  }
0x278: {  	v3 =	vadd.f32 v7, v3  }
0x279: {  	v7 =	vadd.s32 $0xF, v5  }
0x27a: {  	v5 =	vperm.xlane v3, v7;
	_ =	sdelay $0x1  }
0x27b: {  	(xrf2) =	vadd.scan.msk.f32 $0xffff, v5;
	_ =	sdelay $0x9  }
0x27c: {  	v5, _, _ =	vpop (xrf2)  }
0x27d: {  	v5 =	vperm.xlane v5, v7;
	_ =	sdelay $0x1  }
0x27e: {  	vm1 =	vge.f32 v5, v4;
	v5 =	vmul.u32 $0x10, v1  }
0x27f: {  	v6 =	vmpcnt.ones.xlane vm1  }
0x280: {  	v5 =	vadd.s32 $0xFFFFFFFF, v5  }
0x281: {  	v5 =	vadd.s32 v5, v6;
	_ =	sdelay $0x4  }
0x282: {  	v5 =	vld.idx.msk [tilespmem:v5+s8+$0x0], $0xffff;
	_ =	sdelay $0x2  }
0x283: {  	v10 =	vadd.s32 $0xFFFFFFFF, v6  }
0x284: {  	vm1 =	vlt.s32 v10, v1  }
0x285: {  	v1 =	vnsel vm1, $0x0, v3;
	v3 =	vperm.xlane v5, v7  }
0x286: {  	(xrf2) =	vadd.scan.msk.f32 $0xffff, v1  }
0x287: {  	(xrf2) =	vadd.scan.msk.f32 $0xffff, v3;
	_ =	sdelay $0x8  }
0x288: {  	v6, _, _ =	vpop (xrf2)  }
0x289: {  	v1, _, _ =	vpop (xrf2)  }
0x28a: {  	v3 =	vbroadcast v6, $0xF;
	v1 =	vperm.xlane v1, v7;
	_ =	strace $0x90000053  }
0x28b: {  	s31 =	simm.s32 $0x20;
	_ =	strace $0x80000054  }
0x28c: {  	v1 =	vadd.f32 v3, v1;
	v3 =	vld [tilespmem:s31+$0x10]  }
0x28d: {  	v8 =	vld [tilespmem:s31+$0xFFFFFFE0]  }
0x28e: {  	v7 =	vld [tilespmem:s31+$0xFFFFFFF0];
	vm1 =	vge.f32 v1, v4  }
0x28f: {  	v1 =	vmpcnt.ones.xlane vm1  }
0x290: {  	v11 =	vimm.f32 $0.0e+00;
	v4 =	vld [tilespmem:s31+$0x0]  }
0x291: {  	v9 =	vadd.s32 $0xFFFFFFFF, v1;
	v1 =	vshll.u32 v10, $0x4;
	vm1 =	vlt.s32 v3, $0x0  }
0x292: {  	v12 =	vand.u32 $0x7FFFFFFF, v8;
	v13 =	vxor.u32 $0xFFFFFFFF, v8;
	vm3 =	vlt.s32 v8, $0x0  }
0x293: {  	v14 =	vand.u32 $0x7FFFFFFF, v7;
	vm4 =	vlt.s32 v7, $0x0;
	v1 =	vadd.s32 v1, v9  }
0x294: {  	v12 =	vxor.u32 $0x80000000, v12;
	v1 =	vor.u32 v2, v1;
	v2 =	vxor.u32 $0xFFFFFFFF, v3  }
0x295: {  	v10 =	vxor.u32 $0xFFFFFFFF, v4;
	vm2 =	vlt.s32 v4, $0x0;
	v13 =	vsel vm3, v13, v12  }
0x296: {  	s6 =	simm.s32 $0x60;
	s4 =	sadd.f32 s5, s7;
	s5 =	simm.s32 $0x0;
	v12 =	vxor.u32 $0xFFFFFFFF, v7;
	vm3 =	vgt.u32 v13, v1;
	v13 =	vxor.u32 $0x80000000, v14  }
.LBB2_19:
0x297: {  	v14 =	vld [tilespmem:s6+$0x10];
	v8 =	vnsel vm3, $0x0, v8;
	v12 =	vsel vm4, v12, v13;
	v13 =	vand.u32 $0x7FFFFFFF, v4  }
0x298: {  	v15 =	vld [tilespmem:s6+$0x0];
	v11 =	vadd.f32 v8, v11;
	vm3 =	vgt.u32 v12, v1;
	v12 =	vxor.u32 $0x80000000, v13  }
0x299: {  	s5 =	sadd.s32 $0x4, s5;
	v8 =	vld [tilespmem:s6+$0xFFFFFFE0];
	v7 =	vnsel vm3, $0x0, v7;
	v10 =	vsel vm2, v10, v12;
	v12 =	vand.u32 $0x7FFFFFFF, v3  }
0x29a: {  	p1 =	slt.u32 s5, $0x7C;
	v11 =	vadd.f32 v7, v11;
	vm2 =	vgt.u32 v10, v1;
	v10 =	vxor.u32 $0x80000000, v12  }
0x29b: {  	v7 =	vld [tilespmem:s6+$0xFFFFFFF0];
	v13 =	vnsel vm2, $0x0, v4;
	v10 =	vsel vm1, v2, v10  }
0x29c: {  	v2 =	vxor.u32 $0xFFFFFFFF, v14;
	v11 =	vadd.f32 v13, v11;
	vm2 =	vgt.u32 v10, v1  }
.Ltmp10:
0x29d: {  	vm1 =	vlt.s32 v14, $0x0;
	v10 =	vxor.u32 $0xFFFFFFFF, v15;
	v12 =	vnsel vm2, $0x0, v3;
	v3 =	vmovc v14;
	v4 =	vmovc v15;
	(pc) =	sbr.rel @p1 .LBB2_19-.Ltmp10, $4  }
0x29e: {  	v13 =	vand.u32 $0x7FFFFFFF, v8;
	vm2 =	vlt.s32 v4, $0x0;
	v11 =	vadd.f32 v12, v11  }
0x29f: {  	vm3 =	vlt.s32 v8, $0x0;
	v12 =	vxor.u32 $0x80000000, v13;
	v13 =	vxor.u32 $0xFFFFFFFF, v8  }
0x2a0: {  	v13 =	vsel vm3, v13, v12;
	v14 =	vand.u32 $0x7FFFFFFF, v7;
	v12 =	vxor.u32 $0xFFFFFFFF, v7  }
0x2a1: {  	s6 =	sadd.s32 $0x40, s6;
	vm4 =	vlt.s32 v7, $0x0;
	vm3 =	vgt.u32 v13, v1;
	v13 =	vxor.u32 $0x80000000, v14  }
0x2a2: {  	v14 =	vlaneseq.u32  }
0x2a3: {  	vm5 =	vlt.s32 v9, v14  }
0x2a4: {  	v5 =	vnsel vm5, $0x0, v5  }
0x2a5: {  	(xrf2) =	vadd.scan.msk.f32 $0xffff, v5;
	_ =	sdelay $0x9  }
0x2a6: {  	(v2sf) =	vpush v6, $0xF;
	v5, _, _ =	vpop (xrf2)  }
0x2a7: {  	(v2sf) =	vpush v5, $0xF;
	_ =	sdelay $0xd  }
0x2a8: {  	s5 =	spop (v2sf)  }
0x2a9: {  	s6 =	spop (v2sf)  }
0x2aa: {  	s5 =	sadd.f32 s6, s5;
	_ =	sdelay $0x1  }
0x2ab: {  	v24 =	vmov s5  }
0x2ac: {  	(xrf0) =	vmax.scan.msk.f32 $0xffff, v24;
	_ =	sdelay $0x5  }
0x2ad: {  	v5, _, _ =	vpop (xrf0)  }
0x2ae: {  	(v2sf) =	vpush v5, $0xF;
	_ =	sdelay $0x6  }
0x2af: {  	v25 =	vnsel vm3, $0x0, v8;
	v26 =	vsel vm4, v12, v13;
	v27 =	vand.u32 $0x7FFFFFFF, v4  }
0x2b0: {  	vm13 =	vgt.u32 v26, v1;
	v28 =	vxor.u32 $0x80000000, v27;
	v5 =	vadd.f32 v25, v11  }
0x2b1: {  	v29 =	vand.u32 $0x7FFFFFFF, v3;
	v7 =	vnsel vm13, $0x0, v7;
	v6 =	vsel vm2, v10, v28  }
0x2b2: {  	v30 =	vxor.u32 $0x80000000, v29;
	vm2 =	vgt.u32 v6, v1;
	v5 =	vadd.f32 v7, v5  }
0x2b3: {  	v2 =	vsel vm1, v2, v30;
	v31 =	vnsel vm2, $0x0, v4  }
0x2b4: {  	vm1 =	vgt.u32 v2, v1;
	v4 =	vadd.f32 v31, v5  }
0x2b5: {  	v2 =	vnsel vm1, $0x0, v3  }
0x2b6: {  	v2 =	vadd.f32 v2, v4  }
0x2b7: {  	s26 =	spop (v2sf)  }
0x2b8: {  	v32 =	vimm.f32 $0.0e+00;
	_ =	strace $0x90000054;
	[tilespmem:$0x1000] =	vst v2  }
0x2b9: {  	[tilespmem:$0x1010] =	vst v32  }
0x2ba: {  	[tilespmem:$0x1020] =	vst v32  }
0x2bb: {  	[tilespmem:$0x1030] =	vst v32  }
0x2bc: {  	[tilespmem:$0x1040] =	vst v32  }
0x2bd: {  	[tilespmem:$0x1050] =	vst v32  }
0x2be: {  	[tilespmem:$0x1060] =	vst v32  }
0x2bf: {  	[tilespmem:$0x1070] =	vst v32  }
0x2c0: {  	[tilespmem:$0x1080] =	vst v32  }
0x2c1: {  	[tilespmem:$0x1090] =	vst v32  }
0x2c2: {  	[tilespmem:$0x10A0] =	vst v32  }
0x2c3: {  	[tilespmem:$0x10B0] =	vst v32  }
0x2c4: {  	v33 =	vor.u32 $0x10, v14;
	[tilespmem:$0x10C0] =	vst v32  }
0x2c5: {  	[tilespmem:$0x10D0] =	vst v32  }
0x2c6: {  	[tilespmem:$0x10E0] =	vst v32  }
0x2c7: {  	[tilespmem:$0x10F0] =	vst v32  }
0x2c8: {  	s28 =	simm.s32 $0x1000;
	s29 =	simm.s32 $0x2;
	_ =	strace $0x80000055  }
0x2c9: {  	[spmem:s2] =	stream.indirect_vreg.scatter.add.f32 [tilespmem:s28], [sflag:$0x2], $0x10, v33, vm0, $0x2000b8;
	[tilespmem:$0x19A0] =	vst v63  }
0x2ca: {  	_ =	swait.ge [sflag:s29], $0x100  }
0x2cb: {  	[sflag:s29] =	ssyncset.done $0x0  }
0x2cc: {  	[sflag:s29] =	ssyncadd.s32 $0xFFFFFF00  }
0x2cd: {  	s30 =	simm.s32 $0x1300;
	[bflag:$0x0] =	sbarrier.arrive $0xFFFF  }
0x2ce: {  	[tilespmem:s30], [sflag:$0x2] =	stream.linear.gather [spmem:s3], $0x100, $0x200038;
	[tilespmem:$0x19A0] =	vst v63  }
0x2cf: {  	_ =	swait.ge [sflag:s29], $0x100  }
0x2d0: {  	[sflag:s29] =	ssyncset.done $0x0  }
0x2d1: {  	[sflag:s29] =	ssyncadd.s32 $0xFFFFFF00  }
0x2d2: {  	_ =	strace $0x90000055  }
0x2d3: {  	v34 =	vld [tilespmem:$0x1300];
	_ =	sdelay $0x1  }
0x2d4: {  	v35 =	vld [tilespmem:$0x1310];
	_ =	sdelay $0x1  }
0x2d5: {  	v36 =	vld [tilespmem:$0x1320]  }
0x2d6: {  	v2 =	vadd.f32 $0.0e+00, v34  }
0x2d7: {  	v37 =	vld [tilespmem:$0x1330]  }
0x2d8: {  	v2 =	vadd.f32 v35, v2  }
0x2d9: {  	v38 =	vld [tilespmem:$0x1340]  }
0x2da: {  	v2 =	vadd.f32 v36, v2  }
0x2db: {  	v39 =	vld [tilespmem:$0x1350]  }
0x2dc: {  	v0 =	vbroadcast v0, $0xF;
	v2 =	vadd.f32 v37, v2  }
0x2dd: {  	v40 =	vld [tilespmem:$0x1360]  }
0x2de: {  	v41 =	vshrl.u32 v0, $0x1;
	v42 =	vmul.f32 $5.000000000e-01, v0;
	v2 =	vadd.f32 v38, v2  }
0x2df: {  	v3 =	vsub.s32 $0x5F3759DF, v41;
	v43 =	vld [tilespmem:$0x1370]  }
0x2e0: {  	v44 =	vmul.f32 v3, v42;
	v2 =	vadd.f32 v39, v2  }
0x2e1: {  	v45 =	vld [tilespmem:$0x1380]  }
0x2e2: {  	v4 =	vmul.f32 v3, v44;
	v2 =	vadd.f32 v40, v2  }
0x2e3: {  	v46 =	vld [tilespmem:$0x1390]  }
0x2e4: {  	v4 =	vsub.f32 $1.500000000e+00, v4;
	v2 =	vadd.f32 v43, v2  }
0x2e5: {  	v47 =	vld [tilespmem:$0x13A0]  }
0x2e6: {  	v3 =	vmul.f32 v3, v4;
	v2 =	vadd.f32 v45, v2  }
0x2e7: {  	v48 =	vld [tilespmem:$0x13B0]  }
0x2e8: {  	v49 =	vmul.f32 v3, v42;
	v2 =	vadd.f32 v46, v2  }
0x2e9: {  	v50 =	vld [tilespmem:$0x13C0]  }
0x2ea: {  	v5 =	vmul.f32 v49, v3;
	v2 =	vadd.f32 v47, v2  }
0x2eb: {  	v51 =	vld [tilespmem:$0x13D0]  }
0x2ec: {  	v52 =	vsub.f32 $1.500000000e+00, v5;
	v2 =	vadd.f32 v48, v2  }
0x2ed: {  	v53 =	vld [tilespmem:$0x13E0]  }
0x2ee: {  	v3 =	vmul.f32 v52, v3;
	v2 =	vadd.f32 v50, v2  }
0x2ef: {  	v54 =	vld [tilespmem:$0x13F0]  }
0x2f0: {  	v6 =	vmul.f32 v3, v42;
	v2 =	vadd.f32 v51, v2;
	_ =	sdelay $0x1  }
0x2f1: {  	v55 =	vmul.f32 v6, v3;
	v2 =	vadd.f32 v53, v2;
	_ =	sdelay $0x1  }
0x2f2: {  	v56 =	vsub.f32 $1.500000000e+00, v55;
	v2 =	vadd.f32 v54, v2;
	_ =	sdelay $0x1  }
0x2f3: {  	v57 =	vmul.f32 v56, v3;
	(xrf2) =	vadd.scan.msk.f32 $0xffff, v2;
	_ =	sdelay $0x1  }
0x2f4: {  	v2 =	vmul.f32 v57, v0;
	_ =	sdelay $0x1  }
0x2f5: {  	s31 =	sadd.f32 s26, s4;
	v2 =	vmax.f32 v2, $9.999999960e-13  }
0x2f6: {  	(erf) = vrcp.f32 v2  }
0x2f7: {  	v58 =	vmov s31  }
0x2f8: {  	v2 =	vsub.f32 $6.550000000e+02, v58  }
0x2f9: {  	vm14 =	vgt.s32 v1, $0xFFFFFFFF;
	v59 =	vimm.s32 $0x80000000  }
0x2fa: {  	v3 =	vsel vm14, $0xFFFFFFFF, v59;
	v2 =	vbroadcast v2, $0x0  }
0x2fb: {  	v61 =	vxor.u32 v1, v3;
	v60, _, _ =	vpop (xrf2)  }
0x2fc: {  	v1 =	vmul.f32 v61, v2;
	v62 =	vbroadcast v60, $0xF;
	_ =	sdelay $0x1  }
0x2fd: {  	v1 =	vadd.f32 v62, v1  }
0x2fe: {  	v63 =	vpop (erf)  }
0x2ff: {  	v1 =	vmul.f32 v1, v63  }
0x300: {  	vm15 =	vgt.f32 v0, $0.0e+00  }
0x301: {  	v0 =	vnsel vm15, $0x0, v1  }
0x302: {  	[tilespmem:$0x1600] =	vst v0  }
0x303: {  	_ =	sfence.sel @p0 $0x180000  }
0x304: {  	[bflag:$0x0] =	sbarrier.arrive @p0 $0xFFFF  }
0x305: {  	_ =	strace @p0 $0x90000047  }
0x306: {  	s2 =	simm.s32 @!p0 $0x0;
	s3 =	simm.s32 @!p0 $0x1600;
	[bflag:$0x2] =	sbarrier.arrive @p0 $0xFFFF  }
0x307: {  	[hbm4b:s1+s2] =	stream.linear.scatter @!p0 [tilespmem:s3], [sflag:$0x2], $0x10, $0x38;
	[tilespmem:$0x19A0] =	vst v63  }
0x308: {  	s1 =	simm.s32 @!p0 $0x2  }
0x309: {  	_ =	swait.ge @!p0 [sflag:s1], $0x10  }
0x30a: {  	[sflag:s1] =	ssyncset.done @!p0 $0x0  }
0x30b: {  	[sflag:s1] =	ssyncadd.s32 @!p0 $0xFFFFFFF0  }
0x30c: {  	_ =	sfence.sel @!p0 $0x180000  }
0x30d: {  	[bflag:$0x0] =	sbarrier.arrive @!p0 $0xFFFF  }
0x30e: {  	_ =	strace @!p0 $0x90000047  }
0x30f: {  	s0 =	sadd.s32 @!p0 $0x100000, s0;
	[bflag:$0x2] =	sbarrier.arrive @!p0 $0xFFFF  }
0x310: {  	[sflag:s0] =	ssyncadd.tile.s32 @!p0 $0x1;
	_ =	shalt  }
.LBB2_6:
.Ltmp11:
0x311: {  	(pc) =	sbr.rel .LBB2_10-.Ltmp11, $2  }
0x312: {  	_ =	sdelay $0x2  }
0x313: {  	s13 =	simm.s32 $0x0  }
.LBB2_13:
.Ltmp12:
0x314: {  	(pc) =	sbr.rel .LBB2_17-.Ltmp12, $2  }
0x315: {  	_ =	sdelay $0x2  }
0x316: {  	s6 =	simm.s32 $0x0  }
.LBB2_8:
.Ltmp13:
0x317: {  	(pc) =	sbr.rel .LBB2_10-.Ltmp13, $2  }
0x318: {  	_ =	sdelay $0x2  }
0x319: {  	s13 =	simm.s32 $0x0  }
.LBB2_15:
.Ltmp14:
0x31a: {  	(pc) =	sbr.rel .LBB2_17-.Ltmp14, $2  }
0x31b: {  	_ =	sdelay $0x2  }
0x31c: {  	s6 =	simm.s32 $0x0  }
.Lfunc_end2:
_tile_overlayer_lowered:
.L_overlay_start_2:
0x31d: {  	(tag) =	ssettag $0x2  }
0x31e: {  	s0 =	rddreg [dreg:$0x0];
	s2 =	stileid.u32  }
0x31f: {  	s1 =	rddreg [dreg:$0x1];
	p0 =	sne.s32 s2, $0x0  }
0x320: {  	s3 =	rddreg [dreg:$0x2];
	[bflag:$0x3] =	sbarrier.arrive $0xFFFF;
	s2 =	simm.s32 @!p0 $0x1C02  }
0x321: {  	[timem:s3], [sflag:s2] =	dma.local @!p0 [hbm:s0], s1  }
0x322: {  	s0 =	simm.s32 @!p0 $0x2  }
0x323: {  	_ =	swait.ge @!p0 [sflag:s0], s1  }
0x324: {  	s1 =	ssub.s32 @!p0 $0x0, s1;
	[sflag:s0] =	ssyncset.done @!p0 $0x0  }
0x325: {  	[sflag:s0] =	ssyncadd.s32 @!p0 s1  }
0x326: {  	[bflag:$0x3] =	sbarrier.arrive $0xFFFF  }
0x327: {  	_ =	shalt  }

</sc_bundles>
